<compile_context>
chip_gen: v7x
topology: tpu7x:2x2x1
jax: 0.10.2.dev20260603
libtpu: 0.0.44.dev20260713+nightly
codegen_flags: <defaults>
</compile_context>

<pallas_src>
import functools

import jax
import jax.numpy as jnp
from jax import lax
from jax.experimental import pallas as pl
from jax.experimental.pallas import tpu as pltpu
from jax.experimental.pallas import tpu_sc as plsc

_I32_MIN = -2147483648


def _monotone_key(x):
    b = lax.bitcast_convert_type(x, jnp.int32)
    return b ^ (lax.shift_right_arithmetic(b, 31) & 0x7FFFFFFF)


def _make_sc_select(b, n):
    nch0 = n // 16
    mesh = plsc.VectorSubcoreMesh(
        core_axis_name="c", subcore_axis_name="s", num_cores=2, num_subcores=16
    )

    @functools.partial(
        pl.kernel,
        out_type=jax.ShapeDtypeStruct((2 * b, 16), jnp.int32),
        mesh=mesh,
        compiler_params=pltpu.CompilerParams(needs_layout_passes=False),
        scratch_types=[
            pltpu.VMEM((n,), jnp.float32),
            pltpu.VMEM((n,), jnp.float32),
            pltpu.VMEM((n,), jnp.float32),
            pltpu.VMEM((n,), jnp.int32),
            pltpu.VMEM((4096,), jnp.int32),
            pltpu.VMEM((16,), jnp.int32),
        ],
    )
    def sc_select(sc_hbm, gt_hbm, tm_hbm, out_hbm, sc_v, gt_v, tm_v, buf,
                  hist, outv):
        cidx = lax.axis_index("c")
        sidx = lax.axis_index("s")
        wid = sidx * 2 + cidx
        samp = sidx
        is_b = cidx == 1

        pltpu.sync_copy(sc_hbm.at[samp], sc_v)
        pltpu.sync_copy(gt_hbm.at[samp], gt_v)
        pltpu.sync_copy(tm_hbm.at[samp], tm_v)

        isb_m = jnp.broadcast_to(is_b.astype(jnp.int32), (16,)) > 0
        ones_v = jnp.full((16,), 1, jnp.int32)
        zero_v = jnp.zeros((16,), jnp.int32)
        lane_iota = lax.iota(jnp.int32, 16)

        def pass0(j, carry):
            cp, cn = carry
            sls = [pl.ds((j * 4 + u) * 16, 16) for u in range(4)]
            gs = [gt_v[sl] for sl in sls]
            ts = [tm_v[sl] for sl in sls]
            svs = [sc_v[sl] for sl in sls]
            keys = []
            for u in range(4):
                g = gs[u]
                negm = g < 0.5
                cp = cp + jnp.where(
                    jnp.logical_and(g > 0.5, ts[u] > 0.5), ones_v, zero_v
                )
                cn = cn + jnp.where(negm, ones_v, zero_v)
                key = _monotone_key(svs[u]) ^ _I32_MIN
                keys.append(
                    jnp.where(jnp.logical_and(isb_m, jnp.logical_not(negm)), 0, key)
                )
            for u in range(4):
                buf[sls[u]] = keys[u]
            return cp, cn

        cp, cn = lax.fori_loop(
            0, nch0 // 4, pass0,
            (jnp.zeros((16,), jnp.int32), jnp.zeros((16,), jnp.int32)),
        )
        pos_num = jnp.sum(cp)
        neg_full = jnp.sum(cn)
        idx_a = lax.shift_right_arithmetic(neg_full, 1) - 1
        idx_a = jnp.where(idx_a < 0, idx_a + n, idx_a)
        k_a = idx_a + 1
        k_b = jnp.maximum(jnp.minimum(pos_num * 3, neg_full), 1)
        k = jnp.where(is_b, k_b, k_a)

        k_rem = k
        pfx = jnp.int32(0)
        for p in range(4):
            shift = 24 - 8 * p
            pfx_v = jnp.broadcast_to(pfx, (16,))

            def zbody(i, _):
                for u in range(4):
                    hist[pl.ds((i * 4 + u) * 16, 16)] = zero_v
                return 0

            lax.fori_loop(0, 64, zbody, 0)

            def sbody(j, _, p=p, shift=shift, pfx_v=pfx_v):
                bks = [buf[pl.ds((j * 8 + u) * 16, 16)] for u in range(8)]
                addrs = [
                    lax.shift_left(lax.shift_right_logical(bk, shift) & 255, 4)
                    | lane_iota
                    for bk in bks
                ]
                if p == 0:
                    for u in range(8):
                        plsc.addupdate_scatter(hist, [addrs[u]], ones_v)
                else:
                    ms = [
                        lax.shift_right_logical(bk, 32 - 8 * p) == pfx_v
                        for bk in bks
                    ]
                    for u in range(8):
                        plsc.addupdate_scatter(hist, [addrs[u]], ones_v, mask=ms[u])
                return 0

            lax.fori_loop(0, nch0 // 8, sbody, 0)

            def mbody(c, csums):
                acc = zero_v
                for j in range(16):
                    acc = acc + hist[pl.ds((c * 16 + j) * 16, 16)]
                cs = jnp.sum(acc)
                onehot = lane_iota == jnp.broadcast_to(c, (16,))
                return csums + jnp.where(onehot, jnp.broadcast_to(cs, (16,)), zero_v)

            csums = lax.fori_loop(0, 16, mbody, zero_v)

            k_rem_v = jnp.broadcast_to(k_rem, (16,))

            pre_c = plsc.cumsum(csums)
            total_v = jnp.broadcast_to(jnp.sum(csums), (16,))
            above_cv = total_v - pre_c
            hit_c = jnp.logical_and(above_cv < k_rem_v,
                                    (above_cv + csums) >= k_rem_v)
            chunk_sel = jnp.sum(jnp.where(hit_c, lane_iota, zero_v))
            above_c = jnp.sum(jnp.where(hit_c, above_cv, zero_v))

            def bbody(j, hvec, chunk_sel=chunk_sel):
                hb = jnp.sum(hist[pl.ds((chunk_sel * 16 + j) * 16, 16)])
                onehot = lane_iota == jnp.broadcast_to(j, (16,))
                return hvec + jnp.where(onehot, jnp.broadcast_to(hb, (16,)), zero_v)

            hvec = lax.fori_loop(0, 16, bbody, zero_v)
            pre_b = plsc.cumsum(hvec)
            subtot_v = jnp.broadcast_to(above_c + jnp.sum(hvec), (16,))
            above_bv = subtot_v - pre_b
            hit_b = jnp.logical_and(above_bv < k_rem_v,
                                    (above_bv + hvec) >= k_rem_v)
            bin_sel = jnp.sum(jnp.where(hit_b, lane_iota, zero_v))
            above_t = jnp.sum(jnp.where(hit_b, above_bv, zero_v))

            pfx = lax.shift_left(pfx, 8) | (chunk_sel * 16 + bin_sel)
            k_rem = k_rem - above_t

        thr_s = pfx ^ _I32_MIN
        thr_v = jnp.broadcast_to(thr_s, (16,))
        neg_num = jnp.minimum(pos_num * 3, neg_full)
        nn0_m = jnp.broadcast_to((neg_num == 0).astype(jnp.int32), (16,)) > 0
        fz = jnp.zeros((16,), jnp.float32)

        def dice_pass(j, carry):
            ai, au1, au2 = carry
            sls = [pl.ds((j * 4 + u) * 16, 16) for u in range(4)]
            gs = [gt_v[sl] for sl in sls]
            ts = [tm_v[sl] for sl in sls]
            svs = [sc_v[sl] for sl in sls]
            for u in range(4):
                g = gs[u]
                t = ts[u]
                sv = svs[u]
                rk = _monotone_key(sv)
                hit = rk >= thr_v
                mask_b = jnp.logical_and(
                    jnp.logical_or(hit, g > 0.5), t > 0.5
                )
                ohem_b = jnp.where(nn0_m, t, jnp.where(mask_b, 1.0, 0.0))
                ohem_a = jnp.where(hit, 1.0, 0.0)
                ohem = jnp.where(isb_m, ohem_b, ohem_a)
                ai = ai + g * sv * ohem
                au1 = au1 + g * ohem
                au2 = au2 + sv * ohem
            return ai, au1, au2

        ai, au1, au2 = lax.fori_loop(0, nch0 // 4, dice_pass, (fz, fz, fz))
        di = lax.bitcast_convert_type(jnp.sum(ai), jnp.int32)
        du1 = lax.bitcast_convert_type(jnp.sum(au1), jnp.int32)
        du2 = lax.bitcast_convert_type(jnp.sum(au2), jnp.int32)

        out_vec = jnp.broadcast_to(thr_s, (16,))
        for lane, val in ((1, pos_num), (2, neg_full), (3, di), (4, du1), (5, du2)):
            out_vec = jnp.where(
                lane_iota == lane, jnp.broadcast_to(val, (16,)), out_vec
            )
        outv[...] = out_vec
        pltpu.sync_copy(outv, out_hbm.at[wid])

    return sc_select


def _tc_geo_body(gt_ref, tm_ref, ytg_ref, ypg_ref, out_ref, acc_ref):
    i = pl.program_id(0)
    nb = pl.num_programs(0)

    gt = gt_ref[0]
    tm = tm_ref[0]

    d1g = ytg_ref[0, 0]
    d2g = ytg_ref[0, 1]
    d3g = ytg_ref[0, 2]
    d4g = ytg_ref[0, 3]
    thg = ytg_ref[0, 4]
    d1p = ypg_ref[0, 0]
    d2p = ypg_ref[0, 1]
    d3p = ypg_ref[0, 2]
    d4p = ypg_ref[0, 3]
    thp = ypg_ref[0, 4]

    area_gt = (d1g + d3g) * (d2g + d4g)
    area_pred = (d1p + d3p) * (d2p + d4p)
    w_union = jnp.minimum(d2g, d2p) + jnp.minimum(d4g, d4p)
    h_union = jnp.minimum(d1g, d1p) + jnp.minimum(d3g, d3p)
    area_i = w_union * h_union
    area_u = area_gt + area_pred - area_i
    l_aabb = -jnp.log((area_i + 1.0) / (area_u + 1.0))
    l_theta = 1.0 - jnp.cos(thp - thg)
    l_g = l_aabb + 20.0 * l_theta
    g_part = jnp.sum(l_g * gt * tm)

    @pl.when(i == 0)
    def _init():
        acc_ref[0] = 0.0

    acc_ref[0] = acc_ref[0] + g_part

    @pl.when(i == nb - 1)
    def _fin():
        out_ref[0, 0] = acc_ref[0]


def kernel(y_true_cls, y_pred_cls, y_true_geo, y_pred_geo, training_mask):
    b, _, h, w = y_true_cls.shape
    n = h * w

    gt3 = y_true_cls.reshape(b, h, w)
    sc3 = y_pred_cls.reshape(b, h, w)
    tm3 = training_mask.reshape(b, h, w)

    thr = _make_sc_select(b, n)(
        y_pred_cls.reshape(b, n),
        y_true_cls.reshape(b, n),
        training_mask.reshape(b, n),
    )

    g_total = pl.pallas_call(
        _tc_geo_body,
        grid=(b,),
        in_specs=[
            pl.BlockSpec((1, h, w), lambda i: (i, 0, 0)),
            pl.BlockSpec((1, h, w), lambda i: (i, 0, 0)),
            pl.BlockSpec((1, 5, h, w), lambda i: (i, 0, 0, 0)),
            pl.BlockSpec((1, 5, h, w), lambda i: (i, 0, 0, 0)),
        ],
        out_specs=pl.BlockSpec(memory_space=pltpu.SMEM),
        out_shape=jax.ShapeDtypeStruct((1, 1), jnp.float32),
        scratch_shapes=[pltpu.SMEM((1,), jnp.float32)],
    )(gt3, tm3, y_true_geo, y_pred_geo)

    pos_num = thr[0::2, 1]
    use_a = pos_num == 0
    pa = lax.bitcast_convert_type(thr[0::2, 3:6], jnp.float32)
    pb = lax.bitcast_convert_type(thr[1::2, 3:6], jnp.float32)
    parts = jnp.where(use_a[:, None], pa, pb).sum(axis=0)
    union = parts[1] + parts[2] + 1e-5
    cls = (1.0 - 2.0 * parts[0] / union) * 0.01
    return g_total[0, 0] / (b * n) + cls

# --- scband reference (transcript-rebuilt; emitter-appended) ---
"""Pipeline reference for scband-loss-func-87179246174895 (READ-ONLY COPY).

The authoritative reference and input builder live on the scoring server;
editing this copy changes nothing except your own understanding.
"""

import jax, jax.numpy as jnp
import numpy as np


def dice_coefficient(y_true_cls, y_pred_cls, training_mask):
    eps = 1e-05
    intersection = jnp.sum(y_true_cls * y_pred_cls * training_mask)
    union = jnp.sum(y_true_cls * training_mask) + jnp.sum(y_pred_cls * training_mask) + eps
    return 1.0 - 2.0 * intersection / union


def ohem_single(score, gt_score, training_mask):
    h, w = score.shape
    pos = gt_score > 0.5
    neg = gt_score < 0.5
    pos_num = jnp.sum(pos) - jnp.sum(pos & (training_mask <= 0.5))
    neg_num_full = jnp.sum(neg)
    neg_num_half = neg_num_full // 2
    neg_score_all = score.reshape(-1)
    neg_score_sorted_all = jnp.sort(-neg_score_all)
    threshold_a = -neg_score_sorted_all[neg_num_half - 1]
    mask_a = (score >= threshold_a).astype(jnp.float32)
    neg_num = jnp.minimum(pos_num * 3, neg_num_full)
    neg_score_masked = jnp.where(neg, score, -jnp.inf).reshape(-1)
    neg_score_sorted = jnp.sort(-neg_score_masked)
    threshold_b = -neg_score_sorted[jnp.maximum(neg_num - 1, 0)]
    mask_b = (((score >= threshold_b) | (gt_score > 0.5)) & (training_mask > 0.5)).astype(jnp.float32)
    mask_c = training_mask.astype(jnp.float32)
    ohem_mask = jnp.where(pos_num == 0, mask_a, jnp.where(neg_num == 0, mask_c, mask_b))
    return ohem_mask.reshape(1, 1, h, w)


def ohem_batch(y_true_cls, y_pred_cls, training_mask):
    masks = []
    for i in range(y_pred_cls.shape[0]):
        masks.append(ohem_single(y_pred_cls[i, 0, :, :], y_true_cls[i, 0, :, :], training_mask[i, 0, :, :]))
    return jnp.concatenate(masks, axis=0).astype(jnp.float32)


def setup_inputs(seed: int = 0) -> dict:
    key = jax.random.key(seed)
    k1, k2, k3, k4, k5 = jax.random.split(key, 5)
    B, H, W = 16, 128, 128
    y_true_cls = jax.random.uniform(k1, (B, 1, H, W), dtype=jnp.float32)
    y_pred_cls = jax.random.uniform(k2, (B, 1, H, W), dtype=jnp.float32)
    y_true_geo = jax.random.uniform(k3, (B, 5, H, W), dtype=jnp.float32)
    y_pred_geo = jax.random.uniform(k4, (B, 5, H, W), dtype=jnp.float32)
    training_mask = jax.random.uniform(k5, (B, 1, H, W), dtype=jnp.float32)
    return {"y_true_cls": y_true_cls, "y_pred_cls": y_pred_cls, "y_true_geo": y_true_geo, "y_pred_geo": y_pred_geo, "training_mask": training_mask}


def reference(y_true_cls, y_pred_cls, y_true_geo, y_pred_geo, training_mask):
    ohem_masks = ohem_batch(y_true_cls, y_pred_cls, training_mask)
    classification_loss = dice_coefficient(y_true_cls, y_pred_cls, ohem_masks)
    classification_loss = classification_loss * 0.01
    d1_gt, d2_gt, d3_gt, d4_gt, theta_gt = jnp.split(y_true_geo, 5, axis=1)
    d1_pred, d2_pred, d3_pred, d4_pred, theta_pred = jnp.split(y_pred_geo, 5, axis=1)
    area_gt = (d1_gt + d3_gt) * (d2_gt + d4_gt)
    area_pred = (d1_pred + d3_pred) * (d2_pred + d4_pred)
    w_union = jnp.minimum(d2_gt, d2_pred) + jnp.minimum(d4_gt, d4_pred)
    h_union = jnp.minimum(d1_gt, d1_pred) + jnp.minimum(d3_gt, d3_pred)
    area_intersect = w_union * h_union
    area_union = area_gt + area_pred - area_intersect
    L_AABB = -jnp.log((area_intersect + 1.0) / (area_union + 1.0))
    L_theta = 1.0 - jnp.cos(theta_pred - theta_gt)
    L_g = L_AABB + 20.0 * L_theta
    return jnp.mean(L_g * y_true_cls * training_mask) + classification_loss

if __name__ == "__main__":
    import jax
    _d = setup_inputs()
    print(jax.jit(kernel)(*tuple(_d.values())))

</pallas_src>

<mosaic_0001>
#map = affine_map<(d0, d1) -> (0, 0)>
module attributes {stable_mosaic.version = 14 : i64} {
  func.func @sc_select(%arg0: i32, %arg1: i32, %arg2: memref<16x16384xf32, #tpu.memory_space<hbm>>, %arg3: memref<16x16384xf32, #tpu.memory_space<hbm>>, %arg4: memref<16x16384xf32, #tpu.memory_space<hbm>>, %arg5: memref<32x16xi32, #tpu.memory_space<hbm>>, %arg6: memref<16384xf32, #tpu.memory_space<vmem>>, %arg7: memref<16384xf32, #tpu.memory_space<vmem>>, %arg8: memref<16384xf32, #tpu.memory_space<vmem>>, %arg9: memref<16384xi32, #tpu.memory_space<vmem>>, %arg10: memref<4096xi32, #tpu.memory_space<vmem>>, %arg11: memref<16xi32, #tpu.memory_space<vmem>>) attributes {dimension_semantics = [#tpu.dimension_semantics<core_parallel>, #tpu.dimension_semantics<subcore_parallel>], iteration_bounds = array<i64: 2, 16>, scalar_prefetch = 0 : i64, scratch_operands = 6 : i64, tpu.core_type = #tpu.core_type<sc_vector_subcore>, window_params = [{transform_indices = #map}, {transform_indices = #map}, {transform_indices = #map}, {transform_indices = #map}]} {
    %mul3A = arith.constant 2 : i32
    %mul3A_0 = arith.muli %arg1, %mul3A : i32
    %add3A = arith.addi %mul3A_0, %arg0 : i32
    %eq3A = arith.constant 1 : i32
    %eq3A_1 = arith.cmpi eq, %arg0, %eq3A : i32
    "tpu.region"() ({
      %run_scoped3A = tpu.sem_alloc : memref<!tpu.dma_semaphore, #tpu.memory_space<semaphore_mem>>
      %dma_start3A = arith.constant 0 : i32
      %dma_start3A_421 = tpu.memref_slice %arg2[%arg1, %dma_start3A] : memref<16x16384xf32, #tpu.memory_space<hbm>> -> memref<1x16384xf32, #tpu.memory_space<hbm>>
      %dma_start3A_422 = tpu.memref_squeeze %dma_start3A_421 : memref<1x16384xf32, #tpu.memory_space<hbm>> -> memref<16384xf32, #tpu.memory_space<hbm>>
      %dma_start3A_423 = arith.constant 0 : i32
      %dma_start3A_424 = tpu.memref_slice %arg2[%arg1, %dma_start3A_423] : memref<16x16384xf32, #tpu.memory_space<hbm>> -> memref<1x16384xf32, #tpu.memory_space<hbm>>
      %dma_start3A_425 = tpu.memref_squeeze %dma_start3A_424 : memref<1x16384xf32, #tpu.memory_space<hbm>> -> memref<16384xf32, #tpu.memory_space<hbm>>
      tpu.enqueue_dma source(%dma_start3A_425 : memref<16384xf32, #tpu.memory_space<hbm>>) target(%arg6 : memref<16384xf32, #tpu.memory_space<vmem>>) target_semaphore(%run_scoped3A : memref<!tpu.dma_semaphore, #tpu.memory_space<semaphore_mem>>)
      %dma_wait3A = arith.constant 0 : i32
      %dma_wait3A_426 = tpu.memref_slice %arg2[%arg1, %dma_wait3A] : memref<16x16384xf32, #tpu.memory_space<hbm>> -> memref<1x16384xf32, #tpu.memory_space<hbm>>
      %dma_wait3A_427 = tpu.memref_squeeze %dma_wait3A_426 : memref<1x16384xf32, #tpu.memory_space<hbm>> -> memref<16384xf32, #tpu.memory_space<hbm>>
      %dma_wait3A_428 = arith.constant 0 : i32
      %dma_wait3A_429 = tpu.memref_slice %arg2[%arg1, %dma_wait3A_428] : memref<16x16384xf32, #tpu.memory_space<hbm>> -> memref<1x16384xf32, #tpu.memory_space<hbm>>
      %dma_wait3A_430 = tpu.memref_squeeze %dma_wait3A_429 : memref<1x16384xf32, #tpu.memory_space<hbm>> -> memref<16384xf32, #tpu.memory_space<hbm>>
      tpu.wait_dma2 semaphore(%run_scoped3A : memref<!tpu.dma_semaphore, #tpu.memory_space<semaphore_mem>>) src(%dma_wait3A_430 : memref<16384xf32, #tpu.memory_space<hbm>>) dst(%arg6 : memref<16384xf32, #tpu.memory_space<vmem>>)
      tpu.yield
    }) : () -> ()
    "tpu.region"() ({
      %run_scoped3A = tpu.sem_alloc : memref<!tpu.dma_semaphore, #tpu.memory_space<semaphore_mem>>
      %dma_start3A = arith.constant 0 : i32
      %dma_start3A_421 = tpu.memref_slice %arg3[%arg1, %dma_start3A] : memref<16x16384xf32, #tpu.memory_space<hbm>> -> memref<1x16384xf32, #tpu.memory_space<hbm>>
      %dma_start3A_422 = tpu.memref_squeeze %dma_start3A_421 : memref<1x16384xf32, #tpu.memory_space<hbm>> -> memref<16384xf32, #tpu.memory_space<hbm>>
      %dma_start3A_423 = arith.constant 0 : i32
      %dma_start3A_424 = tpu.memref_slice %arg3[%arg1, %dma_start3A_423] : memref<16x16384xf32, #tpu.memory_space<hbm>> -> memref<1x16384xf32, #tpu.memory_space<hbm>>
      %dma_start3A_425 = tpu.memref_squeeze %dma_start3A_424 : memref<1x16384xf32, #tpu.memory_space<hbm>> -> memref<16384xf32, #tpu.memory_space<hbm>>
      tpu.enqueue_dma source(%dma_start3A_425 : memref<16384xf32, #tpu.memory_space<hbm>>) target(%arg7 : memref<16384xf32, #tpu.memory_space<vmem>>) target_semaphore(%run_scoped3A : memref<!tpu.dma_semaphore, #tpu.memory_space<semaphore_mem>>)
      %dma_wait3A = arith.constant 0 : i32
      %dma_wait3A_426 = tpu.memref_slice %arg3[%arg1, %dma_wait3A] : memref<16x16384xf32, #tpu.memory_space<hbm>> -> memref<1x16384xf32, #tpu.memory_space<hbm>>
      %dma_wait3A_427 = tpu.memref_squeeze %dma_wait3A_426 : memref<1x16384xf32, #tpu.memory_space<hbm>> -> memref<16384xf32, #tpu.memory_space<hbm>>
      %dma_wait3A_428 = arith.constant 0 : i32
      %dma_wait3A_429 = tpu.memref_slice %arg3[%arg1, %dma_wait3A_428] : memref<16x16384xf32, #tpu.memory_space<hbm>> -> memref<1x16384xf32, #tpu.memory_space<hbm>>
      %dma_wait3A_430 = tpu.memref_squeeze %dma_wait3A_429 : memref<1x16384xf32, #tpu.memory_space<hbm>> -> memref<16384xf32, #tpu.memory_space<hbm>>
      tpu.wait_dma2 semaphore(%run_scoped3A : memref<!tpu.dma_semaphore, #tpu.memory_space<semaphore_mem>>) src(%dma_wait3A_430 : memref<16384xf32, #tpu.memory_space<hbm>>) dst(%arg7 : memref<16384xf32, #tpu.memory_space<vmem>>)
      tpu.yield
    }) : () -> ()
    "tpu.region"() ({
      %run_scoped3A = tpu.sem_alloc : memref<!tpu.dma_semaphore, #tpu.memory_space<semaphore_mem>>
      %dma_start3A = arith.constant 0 : i32
      %dma_start3A_421 = tpu.memref_slice %arg4[%arg1, %dma_start3A] : memref<16x16384xf32, #tpu.memory_space<hbm>> -> memref<1x16384xf32, #tpu.memory_space<hbm>>
      %dma_start3A_422 = tpu.memref_squeeze %dma_start3A_421 : memref<1x16384xf32, #tpu.memory_space<hbm>> -> memref<16384xf32, #tpu.memory_space<hbm>>
      %dma_start3A_423 = arith.constant 0 : i32
      %dma_start3A_424 = tpu.memref_slice %arg4[%arg1, %dma_start3A_423] : memref<16x16384xf32, #tpu.memory_space<hbm>> -> memref<1x16384xf32, #tpu.memory_space<hbm>>
      %dma_start3A_425 = tpu.memref_squeeze %dma_start3A_424 : memref<1x16384xf32, #tpu.memory_space<hbm>> -> memref<16384xf32, #tpu.memory_space<hbm>>
      tpu.enqueue_dma source(%dma_start3A_425 : memref<16384xf32, #tpu.memory_space<hbm>>) target(%arg8 : memref<16384xf32, #tpu.memory_space<vmem>>) target_semaphore(%run_scoped3A : memref<!tpu.dma_semaphore, #tpu.memory_space<semaphore_mem>>)
      %dma_wait3A = arith.constant 0 : i32
      %dma_wait3A_426 = tpu.memref_slice %arg4[%arg1, %dma_wait3A] : memref<16x16384xf32, #tpu.memory_space<hbm>> -> memref<1x16384xf32, #tpu.memory_space<hbm>>
      %dma_wait3A_427 = tpu.memref_squeeze %dma_wait3A_426 : memref<1x16384xf32, #tpu.memory_space<hbm>> -> memref<16384xf32, #tpu.memory_space<hbm>>
      %dma_wait3A_428 = arith.constant 0 : i32
      %dma_wait3A_429 = tpu.memref_slice %arg4[%arg1, %dma_wait3A_428] : memref<16x16384xf32, #tpu.memory_space<hbm>> -> memref<1x16384xf32, #tpu.memory_space<hbm>>
      %dma_wait3A_430 = tpu.memref_squeeze %dma_wait3A_429 : memref<1x16384xf32, #tpu.memory_space<hbm>> -> memref<16384xf32, #tpu.memory_space<hbm>>
      tpu.wait_dma2 semaphore(%run_scoped3A : memref<!tpu.dma_semaphore, #tpu.memory_space<semaphore_mem>>) src(%dma_wait3A_430 : memref<16384xf32, #tpu.memory_space<hbm>>) dst(%arg8 : memref<16384xf32, #tpu.memory_space<vmem>>)
      tpu.yield
    }) : () -> ()
    %convert_element_type3A = arith.extui %eq3A_1 : i1 to i32
    %broadcast_in_dim3A = vector.broadcast %convert_element_type3A : i32 to vector<16xi32>
    %gt3A = arith.constant 0 : i32
    %gt3A_2 = vector.broadcast %gt3A : i32 to vector<16xi32>
    %gt3A_3 = arith.cmpi sgt, %broadcast_in_dim3A, %gt3A_2 : vector<16xi32>
    %broadcast_in_dim3A_4 = arith.constant 1 : i32
    %broadcast_in_dim3A_5 = vector.broadcast %broadcast_in_dim3A_4 : i32 to vector<16xi32>
    %broadcast_in_dim3A_6 = arith.constant 0 : i32
    %broadcast_in_dim3A_7 = vector.broadcast %broadcast_in_dim3A_6 : i32 to vector<16xi32>
    %iota3A = tpu.iota {dimensions = array<i32: 0>} : vector<16xi32>
    %broadcast_in_dim3A_8 = arith.constant 0 : i32
    %broadcast_in_dim3A_9 = vector.broadcast %broadcast_in_dim3A_8 : i32 to vector<16xi32>
    %broadcast_in_dim3A_10 = arith.constant 0 : i32
    %broadcast_in_dim3A_11 = vector.broadcast %broadcast_in_dim3A_10 : i32 to vector<16xi32>
    %scan3A = arith.constant 0 : i32
    %scan3A_12 = arith.constant 256 : i32
    %scan3A_13 = arith.addi %scan3A, %scan3A_12 : i32
    %scan3A_14 = arith.constant 1 : i32
    %scan3A_15:2 = scf.for %scan3A_421 = %scan3A to %scan3A_13 step %scan3A_14 iter_args(%scan3A_422 = %broadcast_in_dim3A_9, %scan3A_423 = %broadcast_in_dim3A_11) -> (vector<16xi32>, vector<16xi32>)  : i32 {
      %mul3A_424 = arith.constant 4 : i32
      %mul3A_425 = arith.muli %scan3A_421, %mul3A_424 : i32
      %add3A_426 = arith.constant 0 : i32
      %add3A_427 = arith.addi %mul3A_425, %add3A_426 : i32
      %mul3A_428 = arith.constant 16 : i32
      %mul3A_429 = arith.muli %add3A_427, %mul3A_428 : i32
      %mul3A_430 = arith.constant 4 : i32
      %mul3A_431 = arith.muli %scan3A_421, %mul3A_430 : i32
      %add3A_432 = arith.constant 1 : i32
      %add3A_433 = arith.addi %mul3A_431, %add3A_432 : i32
      %mul3A_434 = arith.constant 16 : i32
      %mul3A_435 = arith.muli %add3A_433, %mul3A_434 : i32
      %mul3A_436 = arith.constant 4 : i32
      %mul3A_437 = arith.muli %scan3A_421, %mul3A_436 : i32
      %add3A_438 = arith.constant 2 : i32
      %add3A_439 = arith.addi %mul3A_437, %add3A_438 : i32
      %mul3A_440 = arith.constant 16 : i32
      %mul3A_441 = arith.muli %add3A_439, %mul3A_440 : i32
      %mul3A_442 = arith.constant 4 : i32
      %mul3A_443 = arith.muli %scan3A_421, %mul3A_442 : i32
      %add3A_444 = arith.constant 3 : i32
      %add3A_445 = arith.addi %mul3A_443, %add3A_444 : i32
      %mul3A_446 = arith.constant 16 : i32
      %mul3A_447 = arith.muli %add3A_445, %mul3A_446 : i32
      %get3A = arith.index_cast %mul3A_429 : i32 to index
      %get3A_448 = tpu.vector_load %arg7[%get3A] {strides = array<i32>} : memref<16384xf32, #tpu.memory_space<vmem>>, vector<16xf32>,
      %get3A_449 = arith.index_cast %mul3A_435 : i32 to index
      %get3A_450 = tpu.vector_load %arg7[%get3A_449] {strides = array<i32>} : memref<16384xf32, #tpu.memory_space<vmem>>, vector<16xf32>,
      %get3A_451 = arith.index_cast %mul3A_441 : i32 to index
      %get3A_452 = tpu.vector_load %arg7[%get3A_451] {strides = array<i32>} : memref<16384xf32, #tpu.memory_space<vmem>>, vector<16xf32>,
      %get3A_453 = arith.index_cast %mul3A_447 : i32 to index
      %get3A_454 = tpu.vector_load %arg7[%get3A_453] {strides = array<i32>} : memref<16384xf32, #tpu.memory_space<vmem>>, vector<16xf32>,
      %get3A_455 = arith.index_cast %mul3A_429 : i32 to index
      %get3A_456 = tpu.vector_load %arg8[%get3A_455] {strides = array<i32>} : memref<16384xf32, #tpu.memory_space<vmem>>, vector<16xf32>,
      %get3A_457 = arith.index_cast %mul3A_435 : i32 to index
      %get3A_458 = tpu.vector_load %arg8[%get3A_457] {strides = array<i32>} : memref<16384xf32, #tpu.memory_space<vmem>>, vector<16xf32>,
      %get3A_459 = arith.index_cast %mul3A_441 : i32 to index
      %get3A_460 = tpu.vector_load %arg8[%get3A_459] {strides = array<i32>} : memref<16384xf32, #tpu.memory_space<vmem>>, vector<16xf32>,
      %get3A_461 = arith.index_cast %mul3A_447 : i32 to index
      %get3A_462 = tpu.vector_load %arg8[%get3A_461] {strides = array<i32>} : memref<16384xf32, #tpu.memory_space<vmem>>, vector<16xf32>,
      %get3A_463 = arith.index_cast %mul3A_429 : i32 to index
      %get3A_464 = tpu.vector_load %arg6[%get3A_463] {strides = array<i32>} : memref<16384xf32, #tpu.memory_space<vmem>>, vector<16xf32>,
      %get3A_465 = arith.index_cast %mul3A_435 : i32 to index
      %get3A_466 = tpu.vector_load %arg6[%get3A_465] {strides = array<i32>} : memref<16384xf32, #tpu.memory_space<vmem>>, vector<16xf32>,
      %get3A_467 = arith.index_cast %mul3A_441 : i32 to index
      %get3A_468 = tpu.vector_load %arg6[%get3A_467] {strides = array<i32>} : memref<16384xf32, #tpu.memory_space<vmem>>, vector<16xf32>,
      %get3A_469 = arith.index_cast %mul3A_447 : i32 to index
      %get3A_470 = tpu.vector_load %arg6[%get3A_469] {strides = array<i32>} : memref<16384xf32, #tpu.memory_space<vmem>>, vector<16xf32>,
      %lt3A_471 = arith.constant 5.000000e-01 : f32
      %lt3A_472 = vector.broadcast %lt3A_471 : f32 to vector<16xf32>
      %lt3A_473 = arith.cmpf olt, %get3A_448, %lt3A_472 : vector<16xf32>
      %gt3A_474 = arith.constant 5.000000e-01 : f32
      %gt3A_475 = vector.broadcast %gt3A_474 : f32 to vector<16xf32>
      %gt3A_476 = arith.cmpf ogt, %get3A_448, %gt3A_475 : vector<16xf32>
      %gt3A_477 = arith.constant 5.000000e-01 : f32
      %gt3A_478 = vector.broadcast %gt3A_477 : f32 to vector<16xf32>
      %gt3A_479 = arith.cmpf ogt, %get3A_456, %gt3A_478 : vector<16xf32>
      %and3A_480 = arith.andi %gt3A_476, %gt3A_479 : vector<16xi1>
      %select_n3A_481 = arith.select %and3A_480, %broadcast_in_dim3A_5, %broadcast_in_dim3A_7 : vector<16xi1>, vector<16xi32>
      %add3A_482 = arith.addi %scan3A_422, %select_n3A_481 : vector<16xi32>
      %select_n3A_483 = arith.select %lt3A_473, %broadcast_in_dim3A_5, %broadcast_in_dim3A_7 : vector<16xi1>, vector<16xi32>
      %add3A_484 = arith.addi %scan3A_423, %select_n3A_483 : vector<16xi32>
      %bitcast_convert_type3A_485 = tpu.bitcast %get3A_464 : vector<16xf32> -> vector<16xi32>
      %shift_right_arithmetic3A_486 = arith.constant 31 : i32
      %shift_right_arithmetic3A_487 = vector.broadcast %shift_right_arithmetic3A_486 : i32 to vector<16xi32>
      %shift_right_arithmetic3A_488 = arith.shrsi %bitcast_convert_type3A_485, %shift_right_arithmetic3A_487 : vector<16xi32>
      %and3A_489 = arith.constant 2147483647 : i32
      %and3A_490 = vector.broadcast %and3A_489 : i32 to vector<16xi32>
      %and3A_491 = arith.andi %shift_right_arithmetic3A_488, %and3A_490 : vector<16xi32>
      %xor3A_492 = arith.xori %bitcast_convert_type3A_485, %and3A_491 : vector<16xi32>
      %xor3A_493 = arith.constant -2147483648 : i32
      %xor3A_494 = vector.broadcast %xor3A_493 : i32 to vector<16xi32>
      %xor3A_495 = arith.xori %xor3A_492, %xor3A_494 : vector<16xi32>
      %not3A = arith.constant dense<true> : vector<16xi1>
      %not3A_496 = arith.xori %lt3A_473, %not3A : vector<16xi1>
      %and3A_497 = arith.andi %gt3A_3, %not3A_496 : vector<16xi1>
      %jit3A = arith.constant 0 : i32
      %broadcast_in_dim3A_498 = vector.broadcast %jit3A : i32 to vector<16xi32>
      %select_n3A_499 = arith.select %and3A_497, %broadcast_in_dim3A_498, %xor3A_495 : vector<16xi1>, vector<16xi32>
      %lt3A_500 = arith.constant 5.000000e-01 : f32
      %lt3A_501 = vector.broadcast %lt3A_500 : f32 to vector<16xf32>
      %lt3A_502 = arith.cmpf olt, %get3A_450, %lt3A_501 : vector<16xf32>
      %gt3A_503 = arith.constant 5.000000e-01 : f32
      %gt3A_504 = vector.broadcast %gt3A_503 : f32 to vector<16xf32>
      %gt3A_505 = arith.cmpf ogt, %get3A_450, %gt3A_504 : vector<16xf32>
      %gt3A_506 = arith.constant 5.000000e-01 : f32
      %gt3A_507 = vector.broadcast %gt3A_506 : f32 to vector<16xf32>
      %gt3A_508 = arith.cmpf ogt, %get3A_458, %gt3A_507 : vector<16xf32>
      %and3A_509 = arith.andi %gt3A_505, %gt3A_508 : vector<16xi1>
      %select_n3A_510 = arith.select %and3A_509, %broadcast_in_dim3A_5, %broadcast_in_dim3A_7 : vector<16xi1>, vector<16xi32>
      %add3A_511 = arith.addi %add3A_482, %select_n3A_510 : vector<16xi32>
      %select_n3A_512 = arith.select %lt3A_502, %broadcast_in_dim3A_5, %broadcast_in_dim3A_7 : vector<16xi1>, vector<16xi32>
      %add3A_513 = arith.addi %add3A_484, %select_n3A_512 : vector<16xi32>
      %bitcast_convert_type3A_514 = tpu.bitcast %get3A_466 : vector<16xf32> -> vector<16xi32>
      %shift_right_arithmetic3A_515 = arith.constant 31 : i32
      %shift_right_arithmetic3A_516 = vector.broadcast %shift_right_arithmetic3A_515 : i32 to vector<16xi32>
      %shift_right_arithmetic3A_517 = arith.shrsi %bitcast_convert_type3A_514, %shift_right_arithmetic3A_516 : vector<16xi32>
      %and3A_518 = arith.constant 2147483647 : i32
      %and3A_519 = vector.broadcast %and3A_518 : i32 to vector<16xi32>
      %and3A_520 = arith.andi %shift_right_arithmetic3A_517, %and3A_519 : vector<16xi32>
      %xor3A_521 = arith.xori %bitcast_convert_type3A_514, %and3A_520 : vector<16xi32>
      %xor3A_522 = arith.constant -2147483648 : i32
      %xor3A_523 = vector.broadcast %xor3A_522 : i32 to vector<16xi32>
      %xor3A_524 = arith.xori %xor3A_521, %xor3A_523 : vector<16xi32>
      %not3A_525 = arith.constant dense<true> : vector<16xi1>
      %not3A_526 = arith.xori %lt3A_502, %not3A_525 : vector<16xi1>
      %and3A_527 = arith.andi %gt3A_3, %not3A_526 : vector<16xi1>
      %jit3A_528 = arith.constant 0 : i32
      %broadcast_in_dim3A_529 = vector.broadcast %jit3A_528 : i32 to vector<16xi32>
      %select_n3A_530 = arith.select %and3A_527, %broadcast_in_dim3A_529, %xor3A_524 : vector<16xi1>, vector<16xi32>
      %lt3A_531 = arith.constant 5.000000e-01 : f32
      %lt3A_532 = vector.broadcast %lt3A_531 : f32 to vector<16xf32>
      %lt3A_533 = arith.cmpf olt, %get3A_452, %lt3A_532 : vector<16xf32>
      %gt3A_534 = arith.constant 5.000000e-01 : f32
      %gt3A_535 = vector.broadcast %gt3A_534 : f32 to vector<16xf32>
      %gt3A_536 = arith.cmpf ogt, %get3A_452, %gt3A_535 : vector<16xf32>
      %gt3A_537 = arith.constant 5.000000e-01 : f32
      %gt3A_538 = vector.broadcast %gt3A_537 : f32 to vector<16xf32>
      %gt3A_539 = arith.cmpf ogt, %get3A_460, %gt3A_538 : vector<16xf32>
      %and3A_540 = arith.andi %gt3A_536, %gt3A_539 : vector<16xi1>
      %select_n3A_541 = arith.select %and3A_540, %broadcast_in_dim3A_5, %broadcast_in_dim3A_7 : vector<16xi1>, vector<16xi32>
      %add3A_542 = arith.addi %add3A_511, %select_n3A_541 : vector<16xi32>
      %select_n3A_543 = arith.select %lt3A_533, %broadcast_in_dim3A_5, %broadcast_in_dim3A_7 : vector<16xi1>, vector<16xi32>
      %add3A_544 = arith.addi %add3A_513, %select_n3A_543 : vector<16xi32>
      %bitcast_convert_type3A_545 = tpu.bitcast %get3A_468 : vector<16xf32> -> vector<16xi32>
      %shift_right_arithmetic3A_546 = arith.constant 31 : i32
      %shift_right_arithmetic3A_547 = vector.broadcast %shift_right_arithmetic3A_546 : i32 to vector<16xi32>
      %shift_right_arithmetic3A_548 = arith.shrsi %bitcast_convert_type3A_545, %shift_right_arithmetic3A_547 : vector<16xi32>
      %and3A_549 = arith.constant 2147483647 : i32
      %and3A_550 = vector.broadcast %and3A_549 : i32 to vector<16xi32>
      %and3A_551 = arith.andi %shift_right_arithmetic3A_548, %and3A_550 : vector<16xi32>
      %xor3A_552 = arith.xori %bitcast_convert_type3A_545, %and3A_551 : vector<16xi32>
      %xor3A_553 = arith.constant -2147483648 : i32
      %xor3A_554 = vector.broadcast %xor3A_553 : i32 to vector<16xi32>
      %xor3A_555 = arith.xori %xor3A_552, %xor3A_554 : vector<16xi32>
      %not3A_556 = arith.constant dense<true> : vector<16xi1>
      %not3A_557 = arith.xori %lt3A_533, %not3A_556 : vector<16xi1>
      %and3A_558 = arith.andi %gt3A_3, %not3A_557 : vector<16xi1>
      %jit3A_559 = arith.constant 0 : i32
      %broadcast_in_dim3A_560 = vector.broadcast %jit3A_559 : i32 to vector<16xi32>
      %select_n3A_561 = arith.select %and3A_558, %broadcast_in_dim3A_560, %xor3A_555 : vector<16xi1>, vector<16xi32>
      %lt3A_562 = arith.constant 5.000000e-01 : f32
      %lt3A_563 = vector.broadcast %lt3A_562 : f32 to vector<16xf32>
      %lt3A_564 = arith.cmpf olt, %get3A_454, %lt3A_563 : vector<16xf32>
      %gt3A_565 = arith.constant 5.000000e-01 : f32
      %gt3A_566 = vector.broadcast %gt3A_565 : f32 to vector<16xf32>
      %gt3A_567 = arith.cmpf ogt, %get3A_454, %gt3A_566 : vector<16xf32>
      %gt3A_568 = arith.constant 5.000000e-01 : f32
      %gt3A_569 = vector.broadcast %gt3A_568 : f32 to vector<16xf32>
      %gt3A_570 = arith.cmpf ogt, %get3A_462, %gt3A_569 : vector<16xf32>
      %and3A_571 = arith.andi %gt3A_567, %gt3A_570 : vector<16xi1>
      %select_n3A_572 = arith.select %and3A_571, %broadcast_in_dim3A_5, %broadcast_in_dim3A_7 : vector<16xi1>, vector<16xi32>
      %add3A_573 = arith.addi %add3A_542, %select_n3A_572 : vector<16xi32>
      %select_n3A_574 = arith.select %lt3A_564, %broadcast_in_dim3A_5, %broadcast_in_dim3A_7 : vector<16xi1>, vector<16xi32>
      %add3A_575 = arith.addi %add3A_544, %select_n3A_574 : vector<16xi32>
      %bitcast_convert_type3A_576 = tpu.bitcast %get3A_470 : vector<16xf32> -> vector<16xi32>
      %shift_right_arithmetic3A_577 = arith.constant 31 : i32
      %shift_right_arithmetic3A_578 = vector.broadcast %shift_right_arithmetic3A_577 : i32 to vector<16xi32>
      %shift_right_arithmetic3A_579 = arith.shrsi %bitcast_convert_type3A_576, %shift_right_arithmetic3A_578 : vector<16xi32>
      %and3A_580 = arith.constant 2147483647 : i32
      %and3A_581 = vector.broadcast %and3A_580 : i32 to vector<16xi32>
      %and3A_582 = arith.andi %shift_right_arithmetic3A_579, %and3A_581 : vector<16xi32>
      %xor3A_583 = arith.xori %bitcast_convert_type3A_576, %and3A_582 : vector<16xi32>
      %xor3A_584 = arith.constant -2147483648 : i32
      %xor3A_585 = vector.broadcast %xor3A_584 : i32 to vector<16xi32>
      %xor3A_586 = arith.xori %xor3A_583, %xor3A_585 : vector<16xi32>
      %not3A_587 = arith.constant dense<true> : vector<16xi1>
      %not3A_588 = arith.xori %lt3A_564, %not3A_587 : vector<16xi1>
      %and3A_589 = arith.andi %gt3A_3, %not3A_588 : vector<16xi1>
      %jit3A_590 = arith.constant 0 : i32
      %broadcast_in_dim3A_591 = vector.broadcast %jit3A_590 : i32 to vector<16xi32>
      %select_n3A_592 = arith.select %and3A_589, %broadcast_in_dim3A_591, %xor3A_586 : vector<16xi1>, vector<16xi32>
      %swap3A_593 = arith.index_cast %mul3A_429 : i32 to index
      %swap3A_594 = tpu.vector_load %arg9[%swap3A_593] {strides = array<i32>} : memref<16384xi32, #tpu.memory_space<vmem>>, vector<16xi32>,
      tpu.vector_store %arg9[%swap3A_593], %select_n3A_499 {strides = array<i32>} : memref<16384xi32, #tpu.memory_space<vmem>>, vector<16xi32>,
      %swap3A_595 = arith.index_cast %mul3A_435 : i32 to index
      %swap3A_596 = tpu.vector_load %arg9[%swap3A_595] {strides = array<i32>} : memref<16384xi32, #tpu.memory_space<vmem>>, vector<16xi32>,
      tpu.vector_store %arg9[%swap3A_595], %select_n3A_530 {strides = array<i32>} : memref<16384xi32, #tpu.memory_space<vmem>>, vector<16xi32>,
      %swap3A_597 = arith.index_cast %mul3A_441 : i32 to index
      %swap3A_598 = tpu.vector_load %arg9[%swap3A_597] {strides = array<i32>} : memref<16384xi32, #tpu.memory_space<vmem>>, vector<16xi32>,
      tpu.vector_store %arg9[%swap3A_597], %select_n3A_561 {strides = array<i32>} : memref<16384xi32, #tpu.memory_space<vmem>>, vector<16xi32>,
      %swap3A_599 = arith.index_cast %mul3A_447 : i32 to index
      %swap3A_600 = tpu.vector_load %arg9[%swap3A_599] {strides = array<i32>} : memref<16384xi32, #tpu.memory_space<vmem>>, vector<16xi32>,
      tpu.vector_store %arg9[%swap3A_599], %select_n3A_592 {strides = array<i32>} : memref<16384xi32, #tpu.memory_space<vmem>>, vector<16xi32>,
      scf.yield %add3A_573, %add3A_575 : vector<16xi32>, vector<16xi32>
    }
    %scan3A_16 = arith.constant 256 : i32
    %reduce_sum3A = arith.constant true
    %reduce_sum3A_17 = vector.broadcast %reduce_sum3A : i1 to vector<16xi1>
    %reduce_sum3A_18 = tpu.scan <sum>, %scan3A_15#0 masked %reduce_sum3A_17 : vector<16xi32>, vector<16xi1> -> vector<16xi32>
    %reduce_sum3A_19 = vector.extract %reduce_sum3A_18[15] : i32 from vector<16xi32>
    %reduce_sum3A_20 = arith.constant true
    %reduce_sum3A_21 = vector.broadcast %reduce_sum3A_20 : i1 to vector<16xi1>
    %reduce_sum3A_22 = tpu.scan <sum>, %scan3A_15#1 masked %reduce_sum3A_21 : vector<16xi32>, vector<16xi1> -> vector<16xi32>
    %reduce_sum3A_23 = vector.extract %reduce_sum3A_22[15] : i32 from vector<16xi32>
    %shift_right_arithmetic3A = arith.constant 1 : i32
    %shift_right_arithmetic3A_24 = arith.shrsi %reduce_sum3A_23, %shift_right_arithmetic3A : i32
    %sub3A = arith.constant 1 : i32
    %sub3A_25 = arith.subi %shift_right_arithmetic3A_24, %sub3A : i32
    %lt3A = arith.constant 0 : i32
    %lt3A_26 = arith.cmpi slt, %sub3A_25, %lt3A : i32
    %add3A_27 = arith.constant 16384 : i32
    %add3A_28 = arith.addi %sub3A_25, %add3A_27 : i32
    %select_n3A = arith.select %lt3A_26, %add3A_28, %sub3A_25 : i32
    %add3A_29 = arith.constant 1 : i32
    %add3A_30 = arith.addi %select_n3A, %add3A_29 : i32
    %mul3A_31 = arith.constant 3 : i32
    %mul3A_32 = arith.muli %reduce_sum3A_19, %mul3A_31 : i32
    %min3A = arith.minsi %mul3A_32, %reduce_sum3A_23 : i32
    %max3A = arith.constant 1 : i32
    %max3A_33 = arith.maxsi %min3A, %max3A : i32
    %select_n3A_34 = arith.select %eq3A_1, %max3A_33, %add3A_30 : i32
    %broadcast_in_dim3A_35 = arith.constant 0 : i32
    %broadcast_in_dim3A_36 = vector.broadcast %broadcast_in_dim3A_35 : i32 to vector<16xi32>
    %scan3A_37 = arith.constant 0 : i32
    %scan3A_38 = arith.constant 0 : i32
    %scan3A_39 = arith.constant 64 : i32
    %scan3A_40 = arith.addi %scan3A_38, %scan3A_39 : i32
    %scan3A_41 = arith.constant 1 : i32
    %scan3A_42 = scf.for %scan3A_421 = %scan3A_38 to %scan3A_40 step %scan3A_41 iter_args(%scan3A_422 = %scan3A_37) -> (i32)  : i32 {
      %mul3A_423 = arith.constant 4 : i32
      %mul3A_424 = arith.muli %scan3A_421, %mul3A_423 : i32
      %add3A_425 = arith.constant 0 : i32
      %add3A_426 = arith.addi %mul3A_424, %add3A_425 : i32
      %mul3A_427 = arith.constant 16 : i32
      %mul3A_428 = arith.muli %add3A_426, %mul3A_427 : i32
      %swap3A_429 = arith.index_cast %mul3A_428 : i32 to index
      %swap3A_430 = tpu.vector_load %arg10[%swap3A_429] {strides = array<i32>} : memref<4096xi32, #tpu.memory_space<vmem>>, vector<16xi32>,
      tpu.vector_store %arg10[%swap3A_429], %broadcast_in_dim3A_7 {strides = array<i32>} : memref<4096xi32, #tpu.memory_space<vmem>>, vector<16xi32>,
      %mul3A_431 = arith.constant 4 : i32
      %mul3A_432 = arith.muli %scan3A_421, %mul3A_431 : i32
      %add3A_433 = arith.constant 1 : i32
      %add3A_434 = arith.addi %mul3A_432, %add3A_433 : i32
      %mul3A_435 = arith.constant 16 : i32
      %mul3A_436 = arith.muli %add3A_434, %mul3A_435 : i32
      %swap3A_437 = arith.index_cast %mul3A_436 : i32 to index
      %swap3A_438 = tpu.vector_load %arg10[%swap3A_437] {strides = array<i32>} : memref<4096xi32, #tpu.memory_space<vmem>>, vector<16xi32>,
      tpu.vector_store %arg10[%swap3A_437], %broadcast_in_dim3A_7 {strides = array<i32>} : memref<4096xi32, #tpu.memory_space<vmem>>, vector<16xi32>,
      %mul3A_439 = arith.constant 4 : i32
      %mul3A_440 = arith.muli %scan3A_421, %mul3A_439 : i32
      %add3A_441 = arith.constant 2 : i32
      %add3A_442 = arith.addi %mul3A_440, %add3A_441 : i32
      %mul3A_443 = arith.constant 16 : i32
      %mul3A_444 = arith.muli %add3A_442, %mul3A_443 : i32
      %swap3A_445 = arith.index_cast %mul3A_444 : i32 to index
      %swap3A_446 = tpu.vector_load %arg10[%swap3A_445] {strides = array<i32>} : memref<4096xi32, #tpu.memory_space<vmem>>, vector<16xi32>,
      tpu.vector_store %arg10[%swap3A_445], %broadcast_in_dim3A_7 {strides = array<i32>} : memref<4096xi32, #tpu.memory_space<vmem>>, vector<16xi32>,
      %mul3A_447 = arith.constant 4 : i32
      %mul3A_448 = arith.muli %scan3A_421, %mul3A_447 : i32
      %add3A_449 = arith.constant 3 : i32
      %add3A_450 = arith.addi %mul3A_448, %add3A_449 : i32
      %mul3A_451 = arith.constant 16 : i32
      %mul3A_452 = arith.muli %add3A_450, %mul3A_451 : i32
      %swap3A_453 = arith.index_cast %mul3A_452 : i32 to index
      %swap3A_454 = tpu.vector_load %arg10[%swap3A_453] {strides = array<i32>} : memref<4096xi32, #tpu.memory_space<vmem>>, vector<16xi32>,
      tpu.vector_store %arg10[%swap3A_453], %broadcast_in_dim3A_7 {strides = array<i32>} : memref<4096xi32, #tpu.memory_space<vmem>>, vector<16xi32>,
      %scan3A_455 = arith.constant 0 : i32
      scf.yield %scan3A_455 : i32
    }
    %scan3A_43 = arith.constant 64 : i32
    %scan3A_44 = arith.constant 0 : i32
    %scan3A_45 = arith.constant 0 : i32
    %scan3A_46 = arith.constant 128 : i32
    %scan3A_47 = arith.addi %scan3A_45, %scan3A_46 : i32
    %scan3A_48 = arith.constant 1 : i32
    %scan3A_49 = scf.for %scan3A_421 = %scan3A_45 to %scan3A_47 step %scan3A_48 iter_args(%scan3A_422 = %scan3A_44) -> (i32)  : i32 {
      %mul3A_423 = arith.constant 8 : i32
      %mul3A_424 = arith.muli %scan3A_421, %mul3A_423 : i32
      %add3A_425 = arith.constant 0 : i32
      %add3A_426 = arith.addi %mul3A_424, %add3A_425 : i32
      %mul3A_427 = arith.constant 16 : i32
      %mul3A_428 = arith.muli %add3A_426, %mul3A_427 : i32
      %get3A = arith.index_cast %mul3A_428 : i32 to index
      %get3A_429 = tpu.vector_load %arg9[%get3A] {strides = array<i32>} : memref<16384xi32, #tpu.memory_space<vmem>>, vector<16xi32>,
      %mul3A_430 = arith.constant 8 : i32
      %mul3A_431 = arith.muli %scan3A_421, %mul3A_430 : i32
      %add3A_432 = arith.constant 1 : i32
      %add3A_433 = arith.addi %mul3A_431, %add3A_432 : i32
      %mul3A_434 = arith.constant 16 : i32
      %mul3A_435 = arith.muli %add3A_433, %mul3A_434 : i32
      %get3A_436 = arith.index_cast %mul3A_435 : i32 to index
      %get3A_437 = tpu.vector_load %arg9[%get3A_436] {strides = array<i32>} : memref<16384xi32, #tpu.memory_space<vmem>>, vector<16xi32>,
      %mul3A_438 = arith.constant 8 : i32
      %mul3A_439 = arith.muli %scan3A_421, %mul3A_438 : i32
      %add3A_440 = arith.constant 2 : i32
      %add3A_441 = arith.addi %mul3A_439, %add3A_440 : i32
      %mul3A_442 = arith.constant 16 : i32
      %mul3A_443 = arith.muli %add3A_441, %mul3A_442 : i32
      %get3A_444 = arith.index_cast %mul3A_443 : i32 to index
      %get3A_445 = tpu.vector_load %arg9[%get3A_444] {strides = array<i32>} : memref<16384xi32, #tpu.memory_space<vmem>>, vector<16xi32>,
      %mul3A_446 = arith.constant 8 : i32
      %mul3A_447 = arith.muli %scan3A_421, %mul3A_446 : i32
      %add3A_448 = arith.constant 3 : i32
      %add3A_449 = arith.addi %mul3A_447, %add3A_448 : i32
      %mul3A_450 = arith.constant 16 : i32
      %mul3A_451 = arith.muli %add3A_449, %mul3A_450 : i32
      %get3A_452 = arith.index_cast %mul3A_451 : i32 to index
      %get3A_453 = tpu.vector_load %arg9[%get3A_452] {strides = array<i32>} : memref<16384xi32, #tpu.memory_space<vmem>>, vector<16xi32>,
      %mul3A_454 = arith.constant 8 : i32
      %mul3A_455 = arith.muli %scan3A_421, %mul3A_454 : i32
      %add3A_456 = arith.constant 4 : i32
      %add3A_457 = arith.addi %mul3A_455, %add3A_456 : i32
      %mul3A_458 = arith.constant 16 : i32
      %mul3A_459 = arith.muli %add3A_457, %mul3A_458 : i32
      %get3A_460 = arith.index_cast %mul3A_459 : i32 to index
      %get3A_461 = tpu.vector_load %arg9[%get3A_460] {strides = array<i32>} : memref<16384xi32, #tpu.memory_space<vmem>>, vector<16xi32>,
      %mul3A_462 = arith.constant 8 : i32
      %mul3A_463 = arith.muli %scan3A_421, %mul3A_462 : i32
      %add3A_464 = arith.constant 5 : i32
      %add3A_465 = arith.addi %mul3A_463, %add3A_464 : i32
      %mul3A_466 = arith.constant 16 : i32
      %mul3A_467 = arith.muli %add3A_465, %mul3A_466 : i32
      %get3A_468 = arith.index_cast %mul3A_467 : i32 to index
      %get3A_469 = tpu.vector_load %arg9[%get3A_468] {strides = array<i32>} : memref<16384xi32, #tpu.memory_space<vmem>>, vector<16xi32>,
      %mul3A_470 = arith.constant 8 : i32
      %mul3A_471 = arith.muli %scan3A_421, %mul3A_470 : i32
      %add3A_472 = arith.constant 6 : i32
      %add3A_473 = arith.addi %mul3A_471, %add3A_472 : i32
      %mul3A_474 = arith.constant 16 : i32
      %mul3A_475 = arith.muli %add3A_473, %mul3A_474 : i32
      %get3A_476 = arith.index_cast %mul3A_475 : i32 to index
      %get3A_477 = tpu.vector_load %arg9[%get3A_476] {strides = array<i32>} : memref<16384xi32, #tpu.memory_space<vmem>>, vector<16xi32>,
      %mul3A_478 = arith.constant 8 : i32
      %mul3A_479 = arith.muli %scan3A_421, %mul3A_478 : i32
      %add3A_480 = arith.constant 7 : i32
      %add3A_481 = arith.addi %mul3A_479, %add3A_480 : i32
      %mul3A_482 = arith.constant 16 : i32
      %mul3A_483 = arith.muli %add3A_481, %mul3A_482 : i32
      %get3A_484 = arith.index_cast %mul3A_483 : i32 to index
      %get3A_485 = tpu.vector_load %arg9[%get3A_484] {strides = array<i32>} : memref<16384xi32, #tpu.memory_space<vmem>>, vector<16xi32>,
      %shift_right_logical3A = arith.constant 24 : i32
      %shift_right_logical3A_486 = vector.broadcast %shift_right_logical3A : i32 to vector<16xi32>
      %shift_right_logical3A_487 = arith.shrui %get3A_429, %shift_right_logical3A_486 : vector<16xi32>
      %and3A_488 = arith.constant 255 : i32
      %and3A_489 = vector.broadcast %and3A_488 : i32 to vector<16xi32>
      %and3A_490 = arith.andi %shift_right_logical3A_487, %and3A_489 : vector<16xi32>
      %shift_left3A_491 = arith.constant 4 : i32
      %shift_left3A_492 = vector.broadcast %shift_left3A_491 : i32 to vector<16xi32>
      %shift_left3A_493 = arith.shli %and3A_490, %shift_left3A_492 : vector<16xi32>
      %or3A_494 = arith.ori %shift_left3A_493, %iota3A : vector<16xi32>
      %shift_right_logical3A_495 = arith.constant 24 : i32
      %shift_right_logical3A_496 = vector.broadcast %shift_right_logical3A_495 : i32 to vector<16xi32>
      %shift_right_logical3A_497 = arith.shrui %get3A_437, %shift_right_logical3A_496 : vector<16xi32>
      %and3A_498 = arith.constant 255 : i32
      %and3A_499 = vector.broadcast %and3A_498 : i32 to vector<16xi32>
      %and3A_500 = arith.andi %shift_right_logical3A_497, %and3A_499 : vector<16xi32>
      %shift_left3A_501 = arith.constant 4 : i32
      %shift_left3A_502 = vector.broadcast %shift_left3A_501 : i32 to vector<16xi32>
      %shift_left3A_503 = arith.shli %and3A_500, %shift_left3A_502 : vector<16xi32>
      %or3A_504 = arith.ori %shift_left3A_503, %iota3A : vector<16xi32>
      %shift_right_logical3A_505 = arith.constant 24 : i32
      %shift_right_logical3A_506 = vector.broadcast %shift_right_logical3A_505 : i32 to vector<16xi32>
      %shift_right_logical3A_507 = arith.shrui %get3A_445, %shift_right_logical3A_506 : vector<16xi32>
      %and3A_508 = arith.constant 255 : i32
      %and3A_509 = vector.broadcast %and3A_508 : i32 to vector<16xi32>
      %and3A_510 = arith.andi %shift_right_logical3A_507, %and3A_509 : vector<16xi32>
      %shift_left3A_511 = arith.constant 4 : i32
      %shift_left3A_512 = vector.broadcast %shift_left3A_511 : i32 to vector<16xi32>
      %shift_left3A_513 = arith.shli %and3A_510, %shift_left3A_512 : vector<16xi32>
      %or3A_514 = arith.ori %shift_left3A_513, %iota3A : vector<16xi32>
      %shift_right_logical3A_515 = arith.constant 24 : i32
      %shift_right_logical3A_516 = vector.broadcast %shift_right_logical3A_515 : i32 to vector<16xi32>
      %shift_right_logical3A_517 = arith.shrui %get3A_453, %shift_right_logical3A_516 : vector<16xi32>
      %and3A_518 = arith.constant 255 : i32
      %and3A_519 = vector.broadcast %and3A_518 : i32 to vector<16xi32>
      %and3A_520 = arith.andi %shift_right_logical3A_517, %and3A_519 : vector<16xi32>
      %shift_left3A_521 = arith.constant 4 : i32
      %shift_left3A_522 = vector.broadcast %shift_left3A_521 : i32 to vector<16xi32>
      %shift_left3A_523 = arith.shli %and3A_520, %shift_left3A_522 : vector<16xi32>
      %or3A_524 = arith.ori %shift_left3A_523, %iota3A : vector<16xi32>
      %shift_right_logical3A_525 = arith.constant 24 : i32
      %shift_right_logical3A_526 = vector.broadcast %shift_right_logical3A_525 : i32 to vector<16xi32>
      %shift_right_logical3A_527 = arith.shrui %get3A_461, %shift_right_logical3A_526 : vector<16xi32>
      %and3A_528 = arith.constant 255 : i32
      %and3A_529 = vector.broadcast %and3A_528 : i32 to vector<16xi32>
      %and3A_530 = arith.andi %shift_right_logical3A_527, %and3A_529 : vector<16xi32>
      %shift_left3A_531 = arith.constant 4 : i32
      %shift_left3A_532 = vector.broadcast %shift_left3A_531 : i32 to vector<16xi32>
      %shift_left3A_533 = arith.shli %and3A_530, %shift_left3A_532 : vector<16xi32>
      %or3A_534 = arith.ori %shift_left3A_533, %iota3A : vector<16xi32>
      %shift_right_logical3A_535 = arith.constant 24 : i32
      %shift_right_logical3A_536 = vector.broadcast %shift_right_logical3A_535 : i32 to vector<16xi32>
      %shift_right_logical3A_537 = arith.shrui %get3A_469, %shift_right_logical3A_536 : vector<16xi32>
      %and3A_538 = arith.constant 255 : i32
      %and3A_539 = vector.broadcast %and3A_538 : i32 to vector<16xi32>
      %and3A_540 = arith.andi %shift_right_logical3A_537, %and3A_539 : vector<16xi32>
      %shift_left3A_541 = arith.constant 4 : i32
      %shift_left3A_542 = vector.broadcast %shift_left3A_541 : i32 to vector<16xi32>
      %shift_left3A_543 = arith.shli %and3A_540, %shift_left3A_542 : vector<16xi32>
      %or3A_544 = arith.ori %shift_left3A_543, %iota3A : vector<16xi32>
      %shift_right_logical3A_545 = arith.constant 24 : i32
      %shift_right_logical3A_546 = vector.broadcast %shift_right_logical3A_545 : i32 to vector<16xi32>
      %shift_right_logical3A_547 = arith.shrui %get3A_477, %shift_right_logical3A_546 : vector<16xi32>
      %and3A_548 = arith.constant 255 : i32
      %and3A_549 = vector.broadcast %and3A_548 : i32 to vector<16xi32>
      %and3A_550 = arith.andi %shift_right_logical3A_547, %and3A_549 : vector<16xi32>
      %shift_left3A_551 = arith.constant 4 : i32
      %shift_left3A_552 = vector.broadcast %shift_left3A_551 : i32 to vector<16xi32>
      %shift_left3A_553 = arith.shli %and3A_550, %shift_left3A_552 : vector<16xi32>
      %or3A_554 = arith.ori %shift_left3A_553, %iota3A : vector<16xi32>
      %shift_right_logical3A_555 = arith.constant 24 : i32
      %shift_right_logical3A_556 = vector.broadcast %shift_right_logical3A_555 : i32 to vector<16xi32>
      %shift_right_logical3A_557 = arith.shrui %get3A_485, %shift_right_logical3A_556 : vector<16xi32>
      %and3A_558 = arith.constant 255 : i32
      %and3A_559 = vector.broadcast %and3A_558 : i32 to vector<16xi32>
      %and3A_560 = arith.andi %shift_right_logical3A_557, %and3A_559 : vector<16xi32>
      %shift_left3A_561 = arith.constant 4 : i32
      %shift_left3A_562 = vector.broadcast %shift_left3A_561 : i32 to vector<16xi32>
      %shift_left3A_563 = arith.shli %and3A_560, %shift_left3A_562 : vector<16xi32>
      %or3A_564 = arith.ori %shift_left3A_563, %iota3A : vector<16xi32>
      tpu.vector_store_idx %arg10[%or3A_494], %broadcast_in_dim3A_5 {add = true} : memref<4096xi32, #tpu.memory_space<vmem>>[vector<16xi32>], vector<16xi32>,
      tpu.vector_store_idx %arg10[%or3A_504], %broadcast_in_dim3A_5 {add = true} : memref<4096xi32, #tpu.memory_space<vmem>>[vector<16xi32>], vector<16xi32>,
      tpu.vector_store_idx %arg10[%or3A_514], %broadcast_in_dim3A_5 {add = true} : memref<4096xi32, #tpu.memory_space<vmem>>[vector<16xi32>], vector<16xi32>,
      tpu.vector_store_idx %arg10[%or3A_524], %broadcast_in_dim3A_5 {add = true} : memref<4096xi32, #tpu.memory_space<vmem>>[vector<16xi32>], vector<16xi32>,
      tpu.vector_store_idx %arg10[%or3A_534], %broadcast_in_dim3A_5 {add = true} : memref<4096xi32, #tpu.memory_space<vmem>>[vector<16xi32>], vector<16xi32>,
      tpu.vector_store_idx %arg10[%or3A_544], %broadcast_in_dim3A_5 {add = true} : memref<4096xi32, #tpu.memory_space<vmem>>[vector<16xi32>], vector<16xi32>,
      tpu.vector_store_idx %arg10[%or3A_554], %broadcast_in_dim3A_5 {add = true} : memref<4096xi32, #tpu.memory_space<vmem>>[vector<16xi32>], vector<16xi32>,
      tpu.vector_store_idx %arg10[%or3A_564], %broadcast_in_dim3A_5 {add = true} : memref<4096xi32, #tpu.memory_space<vmem>>[vector<16xi32>], vector<16xi32>,
      %scan3A_565 = arith.constant 0 : i32
      scf.yield %scan3A_565 : i32
    }
    %scan3A_50 = arith.constant 128 : i32
    %scan3A_51 = arith.constant 0 : i32
    %scan3A_52 = arith.constant 16 : i32
    %scan3A_53 = arith.addi %scan3A_51, %scan3A_52 : i32
    %scan3A_54 = arith.constant 1 : i32
    %scan3A_55 = scf.for %scan3A_421 = %scan3A_51 to %scan3A_53 step %scan3A_54 iter_args(%scan3A_422 = %broadcast_in_dim3A_7) -> (vector<16xi32>)  : i32 {
      %mul3A_423 = arith.constant 16 : i32
      %mul3A_424 = arith.muli %scan3A_421, %mul3A_423 : i32
      %add3A_425 = arith.constant 0 : i32
      %add3A_426 = arith.addi %mul3A_424, %add3A_425 : i32
      %mul3A_427 = arith.constant 16 : i32
      %mul3A_428 = arith.muli %add3A_426, %mul3A_427 : i32
      %get3A = arith.index_cast %mul3A_428 : i32 to index
      %get3A_429 = tpu.vector_load %arg10[%get3A] {strides = array<i32>} : memref<4096xi32, #tpu.memory_space<vmem>>, vector<16xi32>,
      %add3A_430 = arith.addi %broadcast_in_dim3A_7, %get3A_429 : vector<16xi32>
      %mul3A_431 = arith.constant 16 : i32
      %mul3A_432 = arith.muli %scan3A_421, %mul3A_431 : i32
      %add3A_433 = arith.constant 1 : i32
      %add3A_434 = arith.addi %mul3A_432, %add3A_433 : i32
      %mul3A_435 = arith.constant 16 : i32
      %mul3A_436 = arith.muli %add3A_434, %mul3A_435 : i32
      %get3A_437 = arith.index_cast %mul3A_436 : i32 to index
      %get3A_438 = tpu.vector_load %arg10[%get3A_437] {strides = array<i32>} : memref<4096xi32, #tpu.memory_space<vmem>>, vector<16xi32>,
      %add3A_439 = arith.addi %add3A_430, %get3A_438 : vector<16xi32>
      %mul3A_440 = arith.constant 16 : i32
      %mul3A_441 = arith.muli %scan3A_421, %mul3A_440 : i32
      %add3A_442 = arith.constant 2 : i32
      %add3A_443 = arith.addi %mul3A_441, %add3A_442 : i32
      %mul3A_444 = arith.constant 16 : i32
      %mul3A_445 = arith.muli %add3A_443, %mul3A_444 : i32
      %get3A_446 = arith.index_cast %mul3A_445 : i32 to index
      %get3A_447 = tpu.vector_load %arg10[%get3A_446] {strides = array<i32>} : memref<4096xi32, #tpu.memory_space<vmem>>, vector<16xi32>,
      %add3A_448 = arith.addi %add3A_439, %get3A_447 : vector<16xi32>
      %mul3A_449 = arith.constant 16 : i32
      %mul3A_450 = arith.muli %scan3A_421, %mul3A_449 : i32
      %add3A_451 = arith.constant 3 : i32
      %add3A_452 = arith.addi %mul3A_450, %add3A_451 : i32
      %mul3A_453 = arith.constant 16 : i32
      %mul3A_454 = arith.muli %add3A_452, %mul3A_453 : i32
      %get3A_455 = arith.index_cast %mul3A_454 : i32 to index
      %get3A_456 = tpu.vector_load %arg10[%get3A_455] {strides = array<i32>} : memref<4096xi32, #tpu.memory_space<vmem>>, vector<16xi32>,
      %add3A_457 = arith.addi %add3A_448, %get3A_456 : vector<16xi32>
      %mul3A_458 = arith.constant 16 : i32
      %mul3A_459 = arith.muli %scan3A_421, %mul3A_458 : i32
      %add3A_460 = arith.constant 4 : i32
      %add3A_461 = arith.addi %mul3A_459, %add3A_460 : i32
      %mul3A_462 = arith.constant 16 : i32
      %mul3A_463 = arith.muli %add3A_461, %mul3A_462 : i32
      %get3A_464 = arith.index_cast %mul3A_463 : i32 to index
      %get3A_465 = tpu.vector_load %arg10[%get3A_464] {strides = array<i32>} : memref<4096xi32, #tpu.memory_space<vmem>>, vector<16xi32>,
      %add3A_466 = arith.addi %add3A_457, %get3A_465 : vector<16xi32>
      %mul3A_467 = arith.constant 16 : i32
      %mul3A_468 = arith.muli %scan3A_421, %mul3A_467 : i32
      %add3A_469 = arith.constant 5 : i32
      %add3A_470 = arith.addi %mul3A_468, %add3A_469 : i32
      %mul3A_471 = arith.constant 16 : i32
      %mul3A_472 = arith.muli %add3A_470, %mul3A_471 : i32
      %get3A_473 = arith.index_cast %mul3A_472 : i32 to index
      %get3A_474 = tpu.vector_load %arg10[%get3A_473] {strides = array<i32>} : memref<4096xi32, #tpu.memory_space<vmem>>, vector<16xi32>,
      %add3A_475 = arith.addi %add3A_466, %get3A_474 : vector<16xi32>
      %mul3A_476 = arith.constant 16 : i32
      %mul3A_477 = arith.muli %scan3A_421, %mul3A_476 : i32
      %add3A_478 = arith.constant 6 : i32
      %add3A_479 = arith.addi %mul3A_477, %add3A_478 : i32
      %mul3A_480 = arith.constant 16 : i32
      %mul3A_481 = arith.muli %add3A_479, %mul3A_480 : i32
      %get3A_482 = arith.index_cast %mul3A_481 : i32 to index
      %get3A_483 = tpu.vector_load %arg10[%get3A_482] {strides = array<i32>} : memref<4096xi32, #tpu.memory_space<vmem>>, vector<16xi32>,
      %add3A_484 = arith.addi %add3A_475, %get3A_483 : vector<16xi32>
      %mul3A_485 = arith.constant 16 : i32
      %mul3A_486 = arith.muli %scan3A_421, %mul3A_485 : i32
      %add3A_487 = arith.constant 7 : i32
      %add3A_488 = arith.addi %mul3A_486, %add3A_487 : i32
      %mul3A_489 = arith.constant 16 : i32
      %mul3A_490 = arith.muli %add3A_488, %mul3A_489 : i32
      %get3A_491 = arith.index_cast %mul3A_490 : i32 to index
      %get3A_492 = tpu.vector_load %arg10[%get3A_491] {strides = array<i32>} : memref<4096xi32, #tpu.memory_space<vmem>>, vector<16xi32>,
      %add3A_493 = arith.addi %add3A_484, %get3A_492 : vector<16xi32>
      %mul3A_494 = arith.constant 16 : i32
      %mul3A_495 = arith.muli %scan3A_421, %mul3A_494 : i32
      %add3A_496 = arith.constant 8 : i32
      %add3A_497 = arith.addi %mul3A_495, %add3A_496 : i32
      %mul3A_498 = arith.constant 16 : i32
      %mul3A_499 = arith.muli %add3A_497, %mul3A_498 : i32
      %get3A_500 = arith.index_cast %mul3A_499 : i32 to index
      %get3A_501 = tpu.vector_load %arg10[%get3A_500] {strides = array<i32>} : memref<4096xi32, #tpu.memory_space<vmem>>, vector<16xi32>,
      %add3A_502 = arith.addi %add3A_493, %get3A_501 : vector<16xi32>
      %mul3A_503 = arith.constant 16 : i32
      %mul3A_504 = arith.muli %scan3A_421, %mul3A_503 : i32
      %add3A_505 = arith.constant 9 : i32
      %add3A_506 = arith.addi %mul3A_504, %add3A_505 : i32
      %mul3A_507 = arith.constant 16 : i32
      %mul3A_508 = arith.muli %add3A_506, %mul3A_507 : i32
      %get3A_509 = arith.index_cast %mul3A_508 : i32 to index
      %get3A_510 = tpu.vector_load %arg10[%get3A_509] {strides = array<i32>} : memref<4096xi32, #tpu.memory_space<vmem>>, vector<16xi32>,
      %add3A_511 = arith.addi %add3A_502, %get3A_510 : vector<16xi32>
      %mul3A_512 = arith.constant 16 : i32
      %mul3A_513 = arith.muli %scan3A_421, %mul3A_512 : i32
      %add3A_514 = arith.constant 10 : i32
      %add3A_515 = arith.addi %mul3A_513, %add3A_514 : i32
      %mul3A_516 = arith.constant 16 : i32
      %mul3A_517 = arith.muli %add3A_515, %mul3A_516 : i32
      %get3A_518 = arith.index_cast %mul3A_517 : i32 to index
      %get3A_519 = tpu.vector_load %arg10[%get3A_518] {strides = array<i32>} : memref<4096xi32, #tpu.memory_space<vmem>>, vector<16xi32>,
      %add3A_520 = arith.addi %add3A_511, %get3A_519 : vector<16xi32>
      %mul3A_521 = arith.constant 16 : i32
      %mul3A_522 = arith.muli %scan3A_421, %mul3A_521 : i32
      %add3A_523 = arith.constant 11 : i32
      %add3A_524 = arith.addi %mul3A_522, %add3A_523 : i32
      %mul3A_525 = arith.constant 16 : i32
      %mul3A_526 = arith.muli %add3A_524, %mul3A_525 : i32
      %get3A_527 = arith.index_cast %mul3A_526 : i32 to index
      %get3A_528 = tpu.vector_load %arg10[%get3A_527] {strides = array<i32>} : memref<4096xi32, #tpu.memory_space<vmem>>, vector<16xi32>,
      %add3A_529 = arith.addi %add3A_520, %get3A_528 : vector<16xi32>
      %mul3A_530 = arith.constant 16 : i32
      %mul3A_531 = arith.muli %scan3A_421, %mul3A_530 : i32
      %add3A_532 = arith.constant 12 : i32
      %add3A_533 = arith.addi %mul3A_531, %add3A_532 : i32
      %mul3A_534 = arith.constant 16 : i32
      %mul3A_535 = arith.muli %add3A_533, %mul3A_534 : i32
      %get3A_536 = arith.index_cast %mul3A_535 : i32 to index
      %get3A_537 = tpu.vector_load %arg10[%get3A_536] {strides = array<i32>} : memref<4096xi32, #tpu.memory_space<vmem>>, vector<16xi32>,
      %add3A_538 = arith.addi %add3A_529, %get3A_537 : vector<16xi32>
      %mul3A_539 = arith.constant 16 : i32
      %mul3A_540 = arith.muli %scan3A_421, %mul3A_539 : i32
      %add3A_541 = arith.constant 13 : i32
      %add3A_542 = arith.addi %mul3A_540, %add3A_541 : i32
      %mul3A_543 = arith.constant 16 : i32
      %mul3A_544 = arith.muli %add3A_542, %mul3A_543 : i32
      %get3A_545 = arith.index_cast %mul3A_544 : i32 to index
      %get3A_546 = tpu.vector_load %arg10[%get3A_545] {strides = array<i32>} : memref<4096xi32, #tpu.memory_space<vmem>>, vector<16xi32>,
      %add3A_547 = arith.addi %add3A_538, %get3A_546 : vector<16xi32>
      %mul3A_548 = arith.constant 16 : i32
      %mul3A_549 = arith.muli %scan3A_421, %mul3A_548 : i32
      %add3A_550 = arith.constant 14 : i32
      %add3A_551 = arith.addi %mul3A_549, %add3A_550 : i32
      %mul3A_552 = arith.constant 16 : i32
      %mul3A_553 = arith.muli %add3A_551, %mul3A_552 : i32
      %get3A_554 = arith.index_cast %mul3A_553 : i32 to index
      %get3A_555 = tpu.vector_load %arg10[%get3A_554] {strides = array<i32>} : memref<4096xi32, #tpu.memory_space<vmem>>, vector<16xi32>,
      %add3A_556 = arith.addi %add3A_547, %get3A_555 : vector<16xi32>
      %mul3A_557 = arith.constant 16 : i32
      %mul3A_558 = arith.muli %scan3A_421, %mul3A_557 : i32
      %add3A_559 = arith.constant 15 : i32
      %add3A_560 = arith.addi %mul3A_558, %add3A_559 : i32
      %mul3A_561 = arith.constant 16 : i32
      %mul3A_562 = arith.muli %add3A_560, %mul3A_561 : i32
      %get3A_563 = arith.index_cast %mul3A_562 : i32 to index
      %get3A_564 = tpu.vector_load %arg10[%get3A_563] {strides = array<i32>} : memref<4096xi32, #tpu.memory_space<vmem>>, vector<16xi32>,
      %add3A_565 = arith.addi %add3A_556, %get3A_564 : vector<16xi32>
      %reduce_sum3A_566 = arith.constant true
      %reduce_sum3A_567 = vector.broadcast %reduce_sum3A_566 : i1 to vector<16xi1>
      %reduce_sum3A_568 = tpu.scan <sum>, %add3A_565 masked %reduce_sum3A_567 : vector<16xi32>, vector<16xi1> -> vector<16xi32>
      %reduce_sum3A_569 = vector.extract %reduce_sum3A_568[15] : i32 from vector<16xi32>
      %broadcast_in_dim3A_570 = vector.broadcast %scan3A_421 : i32 to vector<16xi32>
      %eq3A_571 = arith.cmpi eq, %iota3A, %broadcast_in_dim3A_570 : vector<16xi32>
      %broadcast_in_dim3A_572 = vector.broadcast %reduce_sum3A_569 : i32 to vector<16xi32>
      %select_n3A_573 = arith.select %eq3A_571, %broadcast_in_dim3A_572, %broadcast_in_dim3A_7 : vector<16xi1>, vector<16xi32>
      %add3A_574 = arith.addi %scan3A_422, %select_n3A_573 : vector<16xi32>
      scf.yield %add3A_574 : vector<16xi32>
    }
    %scan3A_56 = arith.constant 16 : i32
    %broadcast_in_dim3A_57 = vector.broadcast %select_n3A_34 : i32 to vector<16xi32>
    %broadcast_in_dim3A_58 = arith.constant true
    %broadcast_in_dim3A_59 = vector.broadcast %broadcast_in_dim3A_58 : i1 to vector<16xi1>
    %masked_cumsum3A = tpu.scan <sum>, %scan3A_55 masked %broadcast_in_dim3A_59 : vector<16xi32>, vector<16xi1> -> vector<16xi32>
    %reduce_sum3A_60 = arith.constant true
    %reduce_sum3A_61 = vector.broadcast %reduce_sum3A_60 : i1 to vector<16xi1>
    %reduce_sum3A_62 = tpu.scan <sum>, %scan3A_55 masked %reduce_sum3A_61 : vector<16xi32>, vector<16xi1> -> vector<16xi32>
    %reduce_sum3A_63 = vector.extract %reduce_sum3A_62[15] : i32 from vector<16xi32>
    %broadcast_in_dim3A_64 = vector.broadcast %reduce_sum3A_63 : i32 to vector<16xi32>
    %sub3A_65 = arith.subi %broadcast_in_dim3A_64, %masked_cumsum3A : vector<16xi32>
    %lt3A_66 = arith.cmpi slt, %sub3A_65, %broadcast_in_dim3A_57 : vector<16xi32>
    %add3A_67 = arith.addi %sub3A_65, %scan3A_55 : vector<16xi32>
    %ge3A = arith.cmpi sge, %add3A_67, %broadcast_in_dim3A_57 : vector<16xi32>
    %and3A = arith.andi %lt3A_66, %ge3A : vector<16xi1>
    %select_n3A_68 = arith.select %and3A, %iota3A, %broadcast_in_dim3A_7 : vector<16xi1>, vector<16xi32>
    %reduce_sum3A_69 = arith.constant true
    %reduce_sum3A_70 = vector.broadcast %reduce_sum3A_69 : i1 to vector<16xi1>
    %reduce_sum3A_71 = tpu.scan <sum>, %select_n3A_68 masked %reduce_sum3A_70 : vector<16xi32>, vector<16xi1> -> vector<16xi32>
    %reduce_sum3A_72 = vector.extract %reduce_sum3A_71[15] : i32 from vector<16xi32>
    %select_n3A_73 = arith.select %and3A, %sub3A_65, %broadcast_in_dim3A_7 : vector<16xi1>, vector<16xi32>
    %reduce_sum3A_74 = arith.constant true
    %reduce_sum3A_75 = vector.broadcast %reduce_sum3A_74 : i1 to vector<16xi1>
    %reduce_sum3A_76 = tpu.scan <sum>, %select_n3A_73 masked %reduce_sum3A_75 : vector<16xi32>, vector<16xi1> -> vector<16xi32>
    %reduce_sum3A_77 = vector.extract %reduce_sum3A_76[15] : i32 from vector<16xi32>
    %scan3A_78 = arith.constant 0 : i32
    %scan3A_79 = arith.constant 16 : i32
    %scan3A_80 = arith.addi %scan3A_78, %scan3A_79 : i32
    %scan3A_81 = arith.constant 1 : i32
    %scan3A_82 = scf.for %scan3A_421 = %scan3A_78 to %scan3A_80 step %scan3A_81 iter_args(%scan3A_422 = %broadcast_in_dim3A_7) -> (vector<16xi32>)  : i32 {
      %mul3A_423 = arith.constant 16 : i32
      %mul3A_424 = arith.muli %reduce_sum3A_72, %mul3A_423 : i32
      %add3A_425 = arith.addi %mul3A_424, %scan3A_421 : i32
      %mul3A_426 = arith.constant 16 : i32
      %mul3A_427 = arith.muli %add3A_425, %mul3A_426 : i32
      %get3A = arith.index_cast %mul3A_427 : i32 to index
      %get3A_428 = tpu.vector_load %arg10[%get3A] {strides = array<i32>} : memref<4096xi32, #tpu.memory_space<vmem>>, vector<16xi32>,
      %reduce_sum3A_429 = arith.constant true
      %reduce_sum3A_430 = vector.broadcast %reduce_sum3A_429 : i1 to vector<16xi1>
      %reduce_sum3A_431 = tpu.scan <sum>, %get3A_428 masked %reduce_sum3A_430 : vector<16xi32>, vector<16xi1> -> vector<16xi32>
      %reduce_sum3A_432 = vector.extract %reduce_sum3A_431[15] : i32 from vector<16xi32>
      %broadcast_in_dim3A_433 = vector.broadcast %scan3A_421 : i32 to vector<16xi32>
      %eq3A_434 = arith.cmpi eq, %iota3A, %broadcast_in_dim3A_433 : vector<16xi32>
      %broadcast_in_dim3A_435 = vector.broadcast %reduce_sum3A_432 : i32 to vector<16xi32>
      %select_n3A_436 = arith.select %eq3A_434, %broadcast_in_dim3A_435, %broadcast_in_dim3A_7 : vector<16xi1>, vector<16xi32>
      %add3A_437 = arith.addi %scan3A_422, %select_n3A_436 : vector<16xi32>
      scf.yield %add3A_437 : vector<16xi32>
    }
    %scan3A_83 = arith.constant 16 : i32
    %broadcast_in_dim3A_84 = arith.constant true
    %broadcast_in_dim3A_85 = vector.broadcast %broadcast_in_dim3A_84 : i1 to vector<16xi1>
    %masked_cumsum3A_86 = tpu.scan <sum>, %scan3A_82 masked %broadcast_in_dim3A_85 : vector<16xi32>, vector<16xi1> -> vector<16xi32>
    %reduce_sum3A_87 = arith.constant true
    %reduce_sum3A_88 = vector.broadcast %reduce_sum3A_87 : i1 to vector<16xi1>
    %reduce_sum3A_89 = tpu.scan <sum>, %scan3A_82 masked %reduce_sum3A_88 : vector<16xi32>, vector<16xi1> -> vector<16xi32>
    %reduce_sum3A_90 = vector.extract %reduce_sum3A_89[15] : i32 from vector<16xi32>
    %add3A_91 = arith.addi %reduce_sum3A_77, %reduce_sum3A_90 : i32
    %broadcast_in_dim3A_92 = vector.broadcast %add3A_91 : i32 to vector<16xi32>
    %sub3A_93 = arith.subi %broadcast_in_dim3A_92, %masked_cumsum3A_86 : vector<16xi32>
    %lt3A_94 = arith.cmpi slt, %sub3A_93, %broadcast_in_dim3A_57 : vector<16xi32>
    %add3A_95 = arith.addi %sub3A_93, %scan3A_82 : vector<16xi32>
    %ge3A_96 = arith.cmpi sge, %add3A_95, %broadcast_in_dim3A_57 : vector<16xi32>
    %and3A_97 = arith.andi %lt3A_94, %ge3A_96 : vector<16xi1>
    %select_n3A_98 = arith.select %and3A_97, %iota3A, %broadcast_in_dim3A_7 : vector<16xi1>, vector<16xi32>
    %reduce_sum3A_99 = arith.constant true
    %reduce_sum3A_100 = vector.broadcast %reduce_sum3A_99 : i1 to vector<16xi1>
    %reduce_sum3A_101 = tpu.scan <sum>, %select_n3A_98 masked %reduce_sum3A_100 : vector<16xi32>, vector<16xi1> -> vector<16xi32>
    %reduce_sum3A_102 = vector.extract %reduce_sum3A_101[15] : i32 from vector<16xi32>
    %select_n3A_103 = arith.select %and3A_97, %sub3A_93, %broadcast_in_dim3A_7 : vector<16xi1>, vector<16xi32>
    %reduce_sum3A_104 = arith.constant true
    %reduce_sum3A_105 = vector.broadcast %reduce_sum3A_104 : i1 to vector<16xi1>
    %reduce_sum3A_106 = tpu.scan <sum>, %select_n3A_103 masked %reduce_sum3A_105 : vector<16xi32>, vector<16xi1> -> vector<16xi32>
    %reduce_sum3A_107 = vector.extract %reduce_sum3A_106[15] : i32 from vector<16xi32>
    %shift_left3A = arith.constant 0 : i32
    %shift_left3A_108 = arith.constant 8 : i32
    %shift_left3A_109 = arith.shli %shift_left3A, %shift_left3A_108 : i32
    %mul3A_110 = arith.constant 16 : i32
    %mul3A_111 = arith.muli %reduce_sum3A_72, %mul3A_110 : i32
    %add3A_112 = arith.addi %mul3A_111, %reduce_sum3A_102 : i32
    %or3A = arith.ori %shift_left3A_109, %add3A_112 : i32
    %sub3A_113 = arith.subi %select_n3A_34, %reduce_sum3A_107 : i32
    %broadcast_in_dim3A_114 = vector.broadcast %or3A : i32 to vector<16xi32>
    %scan3A_115 = arith.constant 0 : i32
    %scan3A_116 = arith.constant 0 : i32
    %scan3A_117 = arith.constant 64 : i32
    %scan3A_118 = arith.addi %scan3A_116, %scan3A_117 : i32
    %scan3A_119 = arith.constant 1 : i32
    %scan3A_120 = scf.for %scan3A_421 = %scan3A_116 to %scan3A_118 step %scan3A_119 iter_args(%scan3A_422 = %scan3A_115) -> (i32)  : i32 {
      %mul3A_423 = arith.constant 4 : i32
      %mul3A_424 = arith.muli %scan3A_421, %mul3A_423 : i32
      %add3A_425 = arith.constant 0 : i32
      %add3A_426 = arith.addi %mul3A_424, %add3A_425 : i32
      %mul3A_427 = arith.constant 16 : i32
      %mul3A_428 = arith.muli %add3A_426, %mul3A_427 : i32
      %swap3A_429 = arith.index_cast %mul3A_428 : i32 to index
      %swap3A_430 = tpu.vector_load %arg10[%swap3A_429] {strides = array<i32>} : memref<4096xi32, #tpu.memory_space<vmem>>, vector<16xi32>,
      tpu.vector_store %arg10[%swap3A_429], %broadcast_in_dim3A_7 {strides = array<i32>} : memref<4096xi32, #tpu.memory_space<vmem>>, vector<16xi32>,
      %mul3A_431 = arith.constant 4 : i32
      %mul3A_432 = arith.muli %scan3A_421, %mul3A_431 : i32
      %add3A_433 = arith.constant 1 : i32
      %add3A_434 = arith.addi %mul3A_432, %add3A_433 : i32
      %mul3A_435 = arith.constant 16 : i32
      %mul3A_436 = arith.muli %add3A_434, %mul3A_435 : i32
      %swap3A_437 = arith.index_cast %mul3A_436 : i32 to index
      %swap3A_438 = tpu.vector_load %arg10[%swap3A_437] {strides = array<i32>} : memref<4096xi32, #tpu.memory_space<vmem>>, vector<16xi32>,
      tpu.vector_store %arg10[%swap3A_437], %broadcast_in_dim3A_7 {strides = array<i32>} : memref<4096xi32, #tpu.memory_space<vmem>>, vector<16xi32>,
      %mul3A_439 = arith.constant 4 : i32
      %mul3A_440 = arith.muli %scan3A_421, %mul3A_439 : i32
      %add3A_441 = arith.constant 2 : i32
      %add3A_442 = arith.addi %mul3A_440, %add3A_441 : i32
      %mul3A_443 = arith.constant 16 : i32
      %mul3A_444 = arith.muli %add3A_442, %mul3A_443 : i32
      %swap3A_445 = arith.index_cast %mul3A_444 : i32 to index
      %swap3A_446 = tpu.vector_load %arg10[%swap3A_445] {strides = array<i32>} : memref<4096xi32, #tpu.memory_space<vmem>>, vector<16xi32>,
      tpu.vector_store %arg10[%swap3A_445], %broadcast_in_dim3A_7 {strides = array<i32>} : memref<4096xi32, #tpu.memory_space<vmem>>, vector<16xi32>,
      %mul3A_447 = arith.constant 4 : i32
      %mul3A_448 = arith.muli %scan3A_421, %mul3A_447 : i32
      %add3A_449 = arith.constant 3 : i32
      %add3A_450 = arith.addi %mul3A_448, %add3A_449 : i32
      %mul3A_451 = arith.constant 16 : i32
      %mul3A_452 = arith.muli %add3A_450, %mul3A_451 : i32
      %swap3A_453 = arith.index_cast %mul3A_452 : i32 to index
      %swap3A_454 = tpu.vector_load %arg10[%swap3A_453] {strides = array<i32>} : memref<4096xi32, #tpu.memory_space<vmem>>, vector<16xi32>,
      tpu.vector_store %arg10[%swap3A_453], %broadcast_in_dim3A_7 {strides = array<i32>} : memref<4096xi32, #tpu.memory_space<vmem>>, vector<16xi32>,
      %scan3A_455 = arith.constant 0 : i32
      scf.yield %scan3A_455 : i32
    }
    %scan3A_121 = arith.constant 64 : i32
    %scan3A_122 = arith.constant 0 : i32
    %scan3A_123 = arith.constant 0 : i32
    %scan3A_124 = arith.constant 128 : i32
    %scan3A_125 = arith.addi %scan3A_123, %scan3A_124 : i32
    %scan3A_126 = arith.constant 1 : i32
    %scan3A_127 = scf.for %scan3A_421 = %scan3A_123 to %scan3A_125 step %scan3A_126 iter_args(%scan3A_422 = %scan3A_122) -> (i32)  : i32 {
      %mul3A_423 = arith.constant 8 : i32
      %mul3A_424 = arith.muli %scan3A_421, %mul3A_423 : i32
      %add3A_425 = arith.constant 0 : i32
      %add3A_426 = arith.addi %mul3A_424, %add3A_425 : i32
      %mul3A_427 = arith.constant 16 : i32
      %mul3A_428 = arith.muli %add3A_426, %mul3A_427 : i32
      %get3A = arith.index_cast %mul3A_428 : i32 to index
      %get3A_429 = tpu.vector_load %arg9[%get3A] {strides = array<i32>} : memref<16384xi32, #tpu.memory_space<vmem>>, vector<16xi32>,
      %mul3A_430 = arith.constant 8 : i32
      %mul3A_431 = arith.muli %scan3A_421, %mul3A_430 : i32
      %add3A_432 = arith.constant 1 : i32
      %add3A_433 = arith.addi %mul3A_431, %add3A_432 : i32
      %mul3A_434 = arith.constant 16 : i32
      %mul3A_435 = arith.muli %add3A_433, %mul3A_434 : i32
      %get3A_436 = arith.index_cast %mul3A_435 : i32 to index
      %get3A_437 = tpu.vector_load %arg9[%get3A_436] {strides = array<i32>} : memref<16384xi32, #tpu.memory_space<vmem>>, vector<16xi32>,
      %mul3A_438 = arith.constant 8 : i32
      %mul3A_439 = arith.muli %scan3A_421, %mul3A_438 : i32
      %add3A_440 = arith.constant 2 : i32
      %add3A_441 = arith.addi %mul3A_439, %add3A_440 : i32
      %mul3A_442 = arith.constant 16 : i32
      %mul3A_443 = arith.muli %add3A_441, %mul3A_442 : i32
      %get3A_444 = arith.index_cast %mul3A_443 : i32 to index
      %get3A_445 = tpu.vector_load %arg9[%get3A_444] {strides = array<i32>} : memref<16384xi32, #tpu.memory_space<vmem>>, vector<16xi32>,
      %mul3A_446 = arith.constant 8 : i32
      %mul3A_447 = arith.muli %scan3A_421, %mul3A_446 : i32
      %add3A_448 = arith.constant 3 : i32
      %add3A_449 = arith.addi %mul3A_447, %add3A_448 : i32
      %mul3A_450 = arith.constant 16 : i32
      %mul3A_451 = arith.muli %add3A_449, %mul3A_450 : i32
      %get3A_452 = arith.index_cast %mul3A_451 : i32 to index
      %get3A_453 = tpu.vector_load %arg9[%get3A_452] {strides = array<i32>} : memref<16384xi32, #tpu.memory_space<vmem>>, vector<16xi32>,
      %mul3A_454 = arith.constant 8 : i32
      %mul3A_455 = arith.muli %scan3A_421, %mul3A_454 : i32
      %add3A_456 = arith.constant 4 : i32
      %add3A_457 = arith.addi %mul3A_455, %add3A_456 : i32
      %mul3A_458 = arith.constant 16 : i32
      %mul3A_459 = arith.muli %add3A_457, %mul3A_458 : i32
      %get3A_460 = arith.index_cast %mul3A_459 : i32 to index
      %get3A_461 = tpu.vector_load %arg9[%get3A_460] {strides = array<i32>} : memref<16384xi32, #tpu.memory_space<vmem>>, vector<16xi32>,
      %mul3A_462 = arith.constant 8 : i32
      %mul3A_463 = arith.muli %scan3A_421, %mul3A_462 : i32
      %add3A_464 = arith.constant 5 : i32
      %add3A_465 = arith.addi %mul3A_463, %add3A_464 : i32
      %mul3A_466 = arith.constant 16 : i32
      %mul3A_467 = arith.muli %add3A_465, %mul3A_466 : i32
      %get3A_468 = arith.index_cast %mul3A_467 : i32 to index
      %get3A_469 = tpu.vector_load %arg9[%get3A_468] {strides = array<i32>} : memref<16384xi32, #tpu.memory_space<vmem>>, vector<16xi32>,
      %mul3A_470 = arith.constant 8 : i32
      %mul3A_471 = arith.muli %scan3A_421, %mul3A_470 : i32
      %add3A_472 = arith.constant 6 : i32
      %add3A_473 = arith.addi %mul3A_471, %add3A_472 : i32
      %mul3A_474 = arith.constant 16 : i32
      %mul3A_475 = arith.muli %add3A_473, %mul3A_474 : i32
      %get3A_476 = arith.index_cast %mul3A_475 : i32 to index
      %get3A_477 = tpu.vector_load %arg9[%get3A_476] {strides = array<i32>} : memref<16384xi32, #tpu.memory_space<vmem>>, vector<16xi32>,
      %mul3A_478 = arith.constant 8 : i32
      %mul3A_479 = arith.muli %scan3A_421, %mul3A_478 : i32
      %add3A_480 = arith.constant 7 : i32
      %add3A_481 = arith.addi %mul3A_479, %add3A_480 : i32
      %mul3A_482 = arith.constant 16 : i32
      %mul3A_483 = arith.muli %add3A_481, %mul3A_482 : i32
      %get3A_484 = arith.index_cast %mul3A_483 : i32 to index
      %get3A_485 = tpu.vector_load %arg9[%get3A_484] {strides = array<i32>} : memref<16384xi32, #tpu.memory_space<vmem>>, vector<16xi32>,
      %shift_right_logical3A = arith.constant 16 : i32
      %shift_right_logical3A_486 = vector.broadcast %shift_right_logical3A : i32 to vector<16xi32>
      %shift_right_logical3A_487 = arith.shrui %get3A_429, %shift_right_logical3A_486 : vector<16xi32>
      %and3A_488 = arith.constant 255 : i32
      %and3A_489 = vector.broadcast %and3A_488 : i32 to vector<16xi32>
      %and3A_490 = arith.andi %shift_right_logical3A_487, %and3A_489 : vector<16xi32>
      %shift_left3A_491 = arith.constant 4 : i32
      %shift_left3A_492 = vector.broadcast %shift_left3A_491 : i32 to vector<16xi32>
      %shift_left3A_493 = arith.shli %and3A_490, %shift_left3A_492 : vector<16xi32>
      %or3A_494 = arith.ori %shift_left3A_493, %iota3A : vector<16xi32>
      %shift_right_logical3A_495 = arith.constant 16 : i32
      %shift_right_logical3A_496 = vector.broadcast %shift_right_logical3A_495 : i32 to vector<16xi32>
      %shift_right_logical3A_497 = arith.shrui %get3A_437, %shift_right_logical3A_496 : vector<16xi32>
      %and3A_498 = arith.constant 255 : i32
      %and3A_499 = vector.broadcast %and3A_498 : i32 to vector<16xi32>
      %and3A_500 = arith.andi %shift_right_logical3A_497, %and3A_499 : vector<16xi32>
      %shift_left3A_501 = arith.constant 4 : i32
      %shift_left3A_502 = vector.broadcast %shift_left3A_501 : i32 to vector<16xi32>
      %shift_left3A_503 = arith.shli %and3A_500, %shift_left3A_502 : vector<16xi32>
      %or3A_504 = arith.ori %shift_left3A_503, %iota3A : vector<16xi32>
      %shift_right_logical3A_505 = arith.constant 16 : i32
      %shift_right_logical3A_506 = vector.broadcast %shift_right_logical3A_505 : i32 to vector<16xi32>
      %shift_right_logical3A_507 = arith.shrui %get3A_445, %shift_right_logical3A_506 : vector<16xi32>
      %and3A_508 = arith.constant 255 : i32
      %and3A_509 = vector.broadcast %and3A_508 : i32 to vector<16xi32>
      %and3A_510 = arith.andi %shift_right_logical3A_507, %and3A_509 : vector<16xi32>
      %shift_left3A_511 = arith.constant 4 : i32
      %shift_left3A_512 = vector.broadcast %shift_left3A_511 : i32 to vector<16xi32>
      %shift_left3A_513 = arith.shli %and3A_510, %shift_left3A_512 : vector<16xi32>
      %or3A_514 = arith.ori %shift_left3A_513, %iota3A : vector<16xi32>
      %shift_right_logical3A_515 = arith.constant 16 : i32
      %shift_right_logical3A_516 = vector.broadcast %shift_right_logical3A_515 : i32 to vector<16xi32>
      %shift_right_logical3A_517 = arith.shrui %get3A_453, %shift_right_logical3A_516 : vector<16xi32>
      %and3A_518 = arith.constant 255 : i32
      %and3A_519 = vector.broadcast %and3A_518 : i32 to vector<16xi32>
      %and3A_520 = arith.andi %shift_right_logical3A_517, %and3A_519 : vector<16xi32>
      %shift_left3A_521 = arith.constant 4 : i32
      %shift_left3A_522 = vector.broadcast %shift_left3A_521 : i32 to vector<16xi32>
      %shift_left3A_523 = arith.shli %and3A_520, %shift_left3A_522 : vector<16xi32>
      %or3A_524 = arith.ori %shift_left3A_523, %iota3A : vector<16xi32>
      %shift_right_logical3A_525 = arith.constant 16 : i32
      %shift_right_logical3A_526 = vector.broadcast %shift_right_logical3A_525 : i32 to vector<16xi32>
      %shift_right_logical3A_527 = arith.shrui %get3A_461, %shift_right_logical3A_526 : vector<16xi32>
      %and3A_528 = arith.constant 255 : i32
      %and3A_529 = vector.broadcast %and3A_528 : i32 to vector<16xi32>
      %and3A_530 = arith.andi %shift_right_logical3A_527, %and3A_529 : vector<16xi32>
      %shift_left3A_531 = arith.constant 4 : i32
      %shift_left3A_532 = vector.broadcast %shift_left3A_531 : i32 to vector<16xi32>
      %shift_left3A_533 = arith.shli %and3A_530, %shift_left3A_532 : vector<16xi32>
      %or3A_534 = arith.ori %shift_left3A_533, %iota3A : vector<16xi32>
      %shift_right_logical3A_535 = arith.constant 16 : i32
      %shift_right_logical3A_536 = vector.broadcast %shift_right_logical3A_535 : i32 to vector<16xi32>
      %shift_right_logical3A_537 = arith.shrui %get3A_469, %shift_right_logical3A_536 : vector<16xi32>
      %and3A_538 = arith.constant 255 : i32
      %and3A_539 = vector.broadcast %and3A_538 : i32 to vector<16xi32>
      %and3A_540 = arith.andi %shift_right_logical3A_537, %and3A_539 : vector<16xi32>
      %shift_left3A_541 = arith.constant 4 : i32
      %shift_left3A_542 = vector.broadcast %shift_left3A_541 : i32 to vector<16xi32>
      %shift_left3A_543 = arith.shli %and3A_540, %shift_left3A_542 : vector<16xi32>
      %or3A_544 = arith.ori %shift_left3A_543, %iota3A : vector<16xi32>
      %shift_right_logical3A_545 = arith.constant 16 : i32
      %shift_right_logical3A_546 = vector.broadcast %shift_right_logical3A_545 : i32 to vector<16xi32>
      %shift_right_logical3A_547 = arith.shrui %get3A_477, %shift_right_logical3A_546 : vector<16xi32>
      %and3A_548 = arith.constant 255 : i32
      %and3A_549 = vector.broadcast %and3A_548 : i32 to vector<16xi32>
      %and3A_550 = arith.andi %shift_right_logical3A_547, %and3A_549 : vector<16xi32>
      %shift_left3A_551 = arith.constant 4 : i32
      %shift_left3A_552 = vector.broadcast %shift_left3A_551 : i32 to vector<16xi32>
      %shift_left3A_553 = arith.shli %and3A_550, %shift_left3A_552 : vector<16xi32>
      %or3A_554 = arith.ori %shift_left3A_553, %iota3A : vector<16xi32>
      %shift_right_logical3A_555 = arith.constant 16 : i32
      %shift_right_logical3A_556 = vector.broadcast %shift_right_logical3A_555 : i32 to vector<16xi32>
      %shift_right_logical3A_557 = arith.shrui %get3A_485, %shift_right_logical3A_556 : vector<16xi32>
      %and3A_558 = arith.constant 255 : i32
      %and3A_559 = vector.broadcast %and3A_558 : i32 to vector<16xi32>
      %and3A_560 = arith.andi %shift_right_logical3A_557, %and3A_559 : vector<16xi32>
      %shift_left3A_561 = arith.constant 4 : i32
      %shift_left3A_562 = vector.broadcast %shift_left3A_561 : i32 to vector<16xi32>
      %shift_left3A_563 = arith.shli %and3A_560, %shift_left3A_562 : vector<16xi32>
      %or3A_564 = arith.ori %shift_left3A_563, %iota3A : vector<16xi32>
      %shift_right_logical3A_565 = arith.constant 24 : i32
      %shift_right_logical3A_566 = vector.broadcast %shift_right_logical3A_565 : i32 to vector<16xi32>
      %shift_right_logical3A_567 = arith.shrui %get3A_429, %shift_right_logical3A_566 : vector<16xi32>
      %eq3A_568 = arith.cmpi eq, %shift_right_logical3A_567, %broadcast_in_dim3A_114 : vector<16xi32>
      %shift_right_logical3A_569 = arith.constant 24 : i32
      %shift_right_logical3A_570 = vector.broadcast %shift_right_logical3A_569 : i32 to vector<16xi32>
      %shift_right_logical3A_571 = arith.shrui %get3A_437, %shift_right_logical3A_570 : vector<16xi32>
      %eq3A_572 = arith.cmpi eq, %shift_right_logical3A_571, %broadcast_in_dim3A_114 : vector<16xi32>
      %shift_right_logical3A_573 = arith.constant 24 : i32
      %shift_right_logical3A_574 = vector.broadcast %shift_right_logical3A_573 : i32 to vector<16xi32>
      %shift_right_logical3A_575 = arith.shrui %get3A_445, %shift_right_logical3A_574 : vector<16xi32>
      %eq3A_576 = arith.cmpi eq, %shift_right_logical3A_575, %broadcast_in_dim3A_114 : vector<16xi32>
      %shift_right_logical3A_577 = arith.constant 24 : i32
      %shift_right_logical3A_578 = vector.broadcast %shift_right_logical3A_577 : i32 to vector<16xi32>
      %shift_right_logical3A_579 = arith.shrui %get3A_453, %shift_right_logical3A_578 : vector<16xi32>
      %eq3A_580 = arith.cmpi eq, %shift_right_logical3A_579, %broadcast_in_dim3A_114 : vector<16xi32>
      %shift_right_logical3A_581 = arith.constant 24 : i32
      %shift_right_logical3A_582 = vector.broadcast %shift_right_logical3A_581 : i32 to vector<16xi32>
      %shift_right_logical3A_583 = arith.shrui %get3A_461, %shift_right_logical3A_582 : vector<16xi32>
      %eq3A_584 = arith.cmpi eq, %shift_right_logical3A_583, %broadcast_in_dim3A_114 : vector<16xi32>
      %shift_right_logical3A_585 = arith.constant 24 : i32
      %shift_right_logical3A_586 = vector.broadcast %shift_right_logical3A_585 : i32 to vector<16xi32>
      %shift_right_logical3A_587 = arith.shrui %get3A_469, %shift_right_logical3A_586 : vector<16xi32>
      %eq3A_588 = arith.cmpi eq, %shift_right_logical3A_587, %broadcast_in_dim3A_114 : vector<16xi32>
      %shift_right_logical3A_589 = arith.constant 24 : i32
      %shift_right_logical3A_590 = vector.broadcast %shift_right_logical3A_589 : i32 to vector<16xi32>
      %shift_right_logical3A_591 = arith.shrui %get3A_477, %shift_right_logical3A_590 : vector<16xi32>
      %eq3A_592 = arith.cmpi eq, %shift_right_logical3A_591, %broadcast_in_dim3A_114 : vector<16xi32>
      %shift_right_logical3A_593 = arith.constant 24 : i32
      %shift_right_logical3A_594 = vector.broadcast %shift_right_logical3A_593 : i32 to vector<16xi32>
      %shift_right_logical3A_595 = arith.shrui %get3A_485, %shift_right_logical3A_594 : vector<16xi32>
      %eq3A_596 = arith.cmpi eq, %shift_right_logical3A_595, %broadcast_in_dim3A_114 : vector<16xi32>
      tpu.vector_store_idx %arg10[%or3A_494], %broadcast_in_dim3A_5 masked %eq3A_568 {add = true} : memref<4096xi32, #tpu.memory_space<vmem>>[vector<16xi32>], vector<16xi32>, vector<16xi1>
      tpu.vector_store_idx %arg10[%or3A_504], %broadcast_in_dim3A_5 masked %eq3A_572 {add = true} : memref<4096xi32, #tpu.memory_space<vmem>>[vector<16xi32>], vector<16xi32>, vector<16xi1>
      tpu.vector_store_idx %arg10[%or3A_514], %broadcast_in_dim3A_5 masked %eq3A_576 {add = true} : memref<4096xi32, #tpu.memory_space<vmem>>[vector<16xi32>], vector<16xi32>, vector<16xi1>
      tpu.vector_store_idx %arg10[%or3A_524], %broadcast_in_dim3A_5 masked %eq3A_580 {add = true} : memref<4096xi32, #tpu.memory_space<vmem>>[vector<16xi32>], vector<16xi32>, vector<16xi1>
      tpu.vector_store_idx %arg10[%or3A_534], %broadcast_in_dim3A_5 masked %eq3A_584 {add = true} : memref<4096xi32, #tpu.memory_space<vmem>>[vector<16xi32>], vector<16xi32>, vector<16xi1>
      tpu.vector_store_idx %arg10[%or3A_544], %broadcast_in_dim3A_5 masked %eq3A_588 {add = true} : memref<4096xi32, #tpu.memory_space<vmem>>[vector<16xi32>], vector<16xi32>, vector<16xi1>
      tpu.vector_store_idx %arg10[%or3A_554], %broadcast_in_dim3A_5 masked %eq3A_592 {add = true} : memref<4096xi32, #tpu.memory_space<vmem>>[vector<16xi32>], vector<16xi32>, vector<16xi1>
      tpu.vector_store_idx %arg10[%or3A_564], %broadcast_in_dim3A_5 masked %eq3A_596 {add = true} : memref<4096xi32, #tpu.memory_space<vmem>>[vector<16xi32>], vector<16xi32>, vector<16xi1>
      %scan3A_597 = arith.constant 0 : i32
      scf.yield %scan3A_597 : i32
    }
    %scan3A_128 = arith.constant 128 : i32
    %scan3A_129 = arith.constant 0 : i32
    %scan3A_130 = arith.constant 16 : i32
    %scan3A_131 = arith.addi %scan3A_129, %scan3A_130 : i32
    %scan3A_132 = arith.constant 1 : i32
    %scan3A_133 = scf.for %scan3A_421 = %scan3A_129 to %scan3A_131 step %scan3A_132 iter_args(%scan3A_422 = %broadcast_in_dim3A_7) -> (vector<16xi32>)  : i32 {
      %mul3A_423 = arith.constant 16 : i32
      %mul3A_424 = arith.muli %scan3A_421, %mul3A_423 : i32
      %add3A_425 = arith.constant 0 : i32
      %add3A_426 = arith.addi %mul3A_424, %add3A_425 : i32
      %mul3A_427 = arith.constant 16 : i32
      %mul3A_428 = arith.muli %add3A_426, %mul3A_427 : i32
      %get3A = arith.index_cast %mul3A_428 : i32 to index
      %get3A_429 = tpu.vector_load %arg10[%get3A] {strides = array<i32>} : memref<4096xi32, #tpu.memory_space<vmem>>, vector<16xi32>,
      %add3A_430 = arith.addi %broadcast_in_dim3A_7, %get3A_429 : vector<16xi32>
      %mul3A_431 = arith.constant 16 : i32
      %mul3A_432 = arith.muli %scan3A_421, %mul3A_431 : i32
      %add3A_433 = arith.constant 1 : i32
      %add3A_434 = arith.addi %mul3A_432, %add3A_433 : i32
      %mul3A_435 = arith.constant 16 : i32
      %mul3A_436 = arith.muli %add3A_434, %mul3A_435 : i32
      %get3A_437 = arith.index_cast %mul3A_436 : i32 to index
      %get3A_438 = tpu.vector_load %arg10[%get3A_437] {strides = array<i32>} : memref<4096xi32, #tpu.memory_space<vmem>>, vector<16xi32>,
      %add3A_439 = arith.addi %add3A_430, %get3A_438 : vector<16xi32>
      %mul3A_440 = arith.constant 16 : i32
      %mul3A_441 = arith.muli %scan3A_421, %mul3A_440 : i32
      %add3A_442 = arith.constant 2 : i32
      %add3A_443 = arith.addi %mul3A_441, %add3A_442 : i32
      %mul3A_444 = arith.constant 16 : i32
      %mul3A_445 = arith.muli %add3A_443, %mul3A_444 : i32
      %get3A_446 = arith.index_cast %mul3A_445 : i32 to index
      %get3A_447 = tpu.vector_load %arg10[%get3A_446] {strides = array<i32>} : memref<4096xi32, #tpu.memory_space<vmem>>, vector<16xi32>,
      %add3A_448 = arith.addi %add3A_439, %get3A_447 : vector<16xi32>
      %mul3A_449 = arith.constant 16 : i32
      %mul3A_450 = arith.muli %scan3A_421, %mul3A_449 : i32
      %add3A_451 = arith.constant 3 : i32
      %add3A_452 = arith.addi %mul3A_450, %add3A_451 : i32
      %mul3A_453 = arith.constant 16 : i32
      %mul3A_454 = arith.muli %add3A_452, %mul3A_453 : i32
      %get3A_455 = arith.index_cast %mul3A_454 : i32 to index
      %get3A_456 = tpu.vector_load %arg10[%get3A_455] {strides = array<i32>} : memref<4096xi32, #tpu.memory_space<vmem>>, vector<16xi32>,
      %add3A_457 = arith.addi %add3A_448, %get3A_456 : vector<16xi32>
      %mul3A_458 = arith.constant 16 : i32
      %mul3A_459 = arith.muli %scan3A_421, %mul3A_458 : i32
      %add3A_460 = arith.constant 4 : i32
      %add3A_461 = arith.addi %mul3A_459, %add3A_460 : i32
      %mul3A_462 = arith.constant 16 : i32
      %mul3A_463 = arith.muli %add3A_461, %mul3A_462 : i32
      %get3A_464 = arith.index_cast %mul3A_463 : i32 to index
      %get3A_465 = tpu.vector_load %arg10[%get3A_464] {strides = array<i32>} : memref<4096xi32, #tpu.memory_space<vmem>>, vector<16xi32>,
      %add3A_466 = arith.addi %add3A_457, %get3A_465 : vector<16xi32>
      %mul3A_467 = arith.constant 16 : i32
      %mul3A_468 = arith.muli %scan3A_421, %mul3A_467 : i32
      %add3A_469 = arith.constant 5 : i32
      %add3A_470 = arith.addi %mul3A_468, %add3A_469 : i32
      %mul3A_471 = arith.constant 16 : i32
      %mul3A_472 = arith.muli %add3A_470, %mul3A_471 : i32
      %get3A_473 = arith.index_cast %mul3A_472 : i32 to index
      %get3A_474 = tpu.vector_load %arg10[%get3A_473] {strides = array<i32>} : memref<4096xi32, #tpu.memory_space<vmem>>, vector<16xi32>,
      %add3A_475 = arith.addi %add3A_466, %get3A_474 : vector<16xi32>
      %mul3A_476 = arith.constant 16 : i32
      %mul3A_477 = arith.muli %scan3A_421, %mul3A_476 : i32
      %add3A_478 = arith.constant 6 : i32
      %add3A_479 = arith.addi %mul3A_477, %add3A_478 : i32
      %mul3A_480 = arith.constant 16 : i32
      %mul3A_481 = arith.muli %add3A_479, %mul3A_480 : i32
      %get3A_482 = arith.index_cast %mul3A_481 : i32 to index
      %get3A_483 = tpu.vector_load %arg10[%get3A_482] {strides = array<i32>} : memref<4096xi32, #tpu.memory_space<vmem>>, vector<16xi32>,
      %add3A_484 = arith.addi %add3A_475, %get3A_483 : vector<16xi32>
      %mul3A_485 = arith.constant 16 : i32
      %mul3A_486 = arith.muli %scan3A_421, %mul3A_485 : i32
      %add3A_487 = arith.constant 7 : i32
      %add3A_488 = arith.addi %mul3A_486, %add3A_487 : i32
      %mul3A_489 = arith.constant 16 : i32
      %mul3A_490 = arith.muli %add3A_488, %mul3A_489 : i32
      %get3A_491 = arith.index_cast %mul3A_490 : i32 to index
      %get3A_492 = tpu.vector_load %arg10[%get3A_491] {strides = array<i32>} : memref<4096xi32, #tpu.memory_space<vmem>>, vector<16xi32>,
      %add3A_493 = arith.addi %add3A_484, %get3A_492 : vector<16xi32>
      %mul3A_494 = arith.constant 16 : i32
      %mul3A_495 = arith.muli %scan3A_421, %mul3A_494 : i32
      %add3A_496 = arith.constant 8 : i32
      %add3A_497 = arith.addi %mul3A_495, %add3A_496 : i32
      %mul3A_498 = arith.constant 16 : i32
      %mul3A_499 = arith.muli %add3A_497, %mul3A_498 : i32
      %get3A_500 = arith.index_cast %mul3A_499 : i32 to index
      %get3A_501 = tpu.vector_load %arg10[%get3A_500] {strides = array<i32>} : memref<4096xi32, #tpu.memory_space<vmem>>, vector<16xi32>,
      %add3A_502 = arith.addi %add3A_493, %get3A_501 : vector<16xi32>
      %mul3A_503 = arith.constant 16 : i32
      %mul3A_504 = arith.muli %scan3A_421, %mul3A_503 : i32
      %add3A_505 = arith.constant 9 : i32
      %add3A_506 = arith.addi %mul3A_504, %add3A_505 : i32
      %mul3A_507 = arith.constant 16 : i32
      %mul3A_508 = arith.muli %add3A_506, %mul3A_507 : i32
      %get3A_509 = arith.index_cast %mul3A_508 : i32 to index
      %get3A_510 = tpu.vector_load %arg10[%get3A_509] {strides = array<i32>} : memref<4096xi32, #tpu.memory_space<vmem>>, vector<16xi32>,
      %add3A_511 = arith.addi %add3A_502, %get3A_510 : vector<16xi32>
      %mul3A_512 = arith.constant 16 : i32
      %mul3A_513 = arith.muli %scan3A_421, %mul3A_512 : i32
      %add3A_514 = arith.constant 10 : i32
      %add3A_515 = arith.addi %mul3A_513, %add3A_514 : i32
      %mul3A_516 = arith.constant 16 : i32
      %mul3A_517 = arith.muli %add3A_515, %mul3A_516 : i32
      %get3A_518 = arith.index_cast %mul3A_517 : i32 to index
      %get3A_519 = tpu.vector_load %arg10[%get3A_518] {strides = array<i32>} : memref<4096xi32, #tpu.memory_space<vmem>>, vector<16xi32>,
      %add3A_520 = arith.addi %add3A_511, %get3A_519 : vector<16xi32>
      %mul3A_521 = arith.constant 16 : i32
      %mul3A_522 = arith.muli %scan3A_421, %mul3A_521 : i32
      %add3A_523 = arith.constant 11 : i32
      %add3A_524 = arith.addi %mul3A_522, %add3A_523 : i32
      %mul3A_525 = arith.constant 16 : i32
      %mul3A_526 = arith.muli %add3A_524, %mul3A_525 : i32
      %get3A_527 = arith.index_cast %mul3A_526 : i32 to index
      %get3A_528 = tpu.vector_load %arg10[%get3A_527] {strides = array<i32>} : memref<4096xi32, #tpu.memory_space<vmem>>, vector<16xi32>,
      %add3A_529 = arith.addi %add3A_520, %get3A_528 : vector<16xi32>
      %mul3A_530 = arith.constant 16 : i32
      %mul3A_531 = arith.muli %scan3A_421, %mul3A_530 : i32
      %add3A_532 = arith.constant 12 : i32
      %add3A_533 = arith.addi %mul3A_531, %add3A_532 : i32
      %mul3A_534 = arith.constant 16 : i32
      %mul3A_535 = arith.muli %add3A_533, %mul3A_534 : i32
      %get3A_536 = arith.index_cast %mul3A_535 : i32 to index
      %get3A_537 = tpu.vector_load %arg10[%get3A_536] {strides = array<i32>} : memref<4096xi32, #tpu.memory_space<vmem>>, vector<16xi32>,
      %add3A_538 = arith.addi %add3A_529, %get3A_537 : vector<16xi32>
      %mul3A_539 = arith.constant 16 : i32
      %mul3A_540 = arith.muli %scan3A_421, %mul3A_539 : i32
      %add3A_541 = arith.constant 13 : i32
      %add3A_542 = arith.addi %mul3A_540, %add3A_541 : i32
      %mul3A_543 = arith.constant 16 : i32
      %mul3A_544 = arith.muli %add3A_542, %mul3A_543 : i32
      %get3A_545 = arith.index_cast %mul3A_544 : i32 to index
      %get3A_546 = tpu.vector_load %arg10[%get3A_545] {strides = array<i32>} : memref<4096xi32, #tpu.memory_space<vmem>>, vector<16xi32>,
      %add3A_547 = arith.addi %add3A_538, %get3A_546 : vector<16xi32>
      %mul3A_548 = arith.constant 16 : i32
      %mul3A_549 = arith.muli %scan3A_421, %mul3A_548 : i32
      %add3A_550 = arith.constant 14 : i32
      %add3A_551 = arith.addi %mul3A_549, %add3A_550 : i32
      %mul3A_552 = arith.constant 16 : i32
      %mul3A_553 = arith.muli %add3A_551, %mul3A_552 : i32
      %get3A_554 = arith.index_cast %mul3A_553 : i32 to index
      %get3A_555 = tpu.vector_load %arg10[%get3A_554] {strides = array<i32>} : memref<4096xi32, #tpu.memory_space<vmem>>, vector<16xi32>,
      %add3A_556 = arith.addi %add3A_547, %get3A_555 : vector<16xi32>
      %mul3A_557 = arith.constant 16 : i32
      %mul3A_558 = arith.muli %scan3A_421, %mul3A_557 : i32
      %add3A_559 = arith.constant 15 : i32
      %add3A_560 = arith.addi %mul3A_558, %add3A_559 : i32
      %mul3A_561 = arith.constant 16 : i32
      %mul3A_562 = arith.muli %add3A_560, %mul3A_561 : i32
      %get3A_563 = arith.index_cast %mul3A_562 : i32 to index
      %get3A_564 = tpu.vector_load %arg10[%get3A_563] {strides = array<i32>} : memref<4096xi32, #tpu.memory_space<vmem>>, vector<16xi32>,
      %add3A_565 = arith.addi %add3A_556, %get3A_564 : vector<16xi32>
      %reduce_sum3A_566 = arith.constant true
      %reduce_sum3A_567 = vector.broadcast %reduce_sum3A_566 : i1 to vector<16xi1>
      %reduce_sum3A_568 = tpu.scan <sum>, %add3A_565 masked %reduce_sum3A_567 : vector<16xi32>, vector<16xi1> -> vector<16xi32>
      %reduce_sum3A_569 = vector.extract %reduce_sum3A_568[15] : i32 from vector<16xi32>
      %broadcast_in_dim3A_570 = vector.broadcast %scan3A_421 : i32 to vector<16xi32>
      %eq3A_571 = arith.cmpi eq, %iota3A, %broadcast_in_dim3A_570 : vector<16xi32>
      %broadcast_in_dim3A_572 = vector.broadcast %reduce_sum3A_569 : i32 to vector<16xi32>
      %select_n3A_573 = arith.select %eq3A_571, %broadcast_in_dim3A_572, %broadcast_in_dim3A_7 : vector<16xi1>, vector<16xi32>
      %add3A_574 = arith.addi %scan3A_422, %select_n3A_573 : vector<16xi32>
      scf.yield %add3A_574 : vector<16xi32>
    }
    %scan3A_134 = arith.constant 16 : i32
    %broadcast_in_dim3A_135 = vector.broadcast %sub3A_113 : i32 to vector<16xi32>
    %broadcast_in_dim3A_136 = arith.constant true
    %broadcast_in_dim3A_137 = vector.broadcast %broadcast_in_dim3A_136 : i1 to vector<16xi1>
    %masked_cumsum3A_138 = tpu.scan <sum>, %scan3A_133 masked %broadcast_in_dim3A_137 : vector<16xi32>, vector<16xi1> -> vector<16xi32>
    %reduce_sum3A_139 = arith.constant true
    %reduce_sum3A_140 = vector.broadcast %reduce_sum3A_139 : i1 to vector<16xi1>
    %reduce_sum3A_141 = tpu.scan <sum>, %scan3A_133 masked %reduce_sum3A_140 : vector<16xi32>, vector<16xi1> -> vector<16xi32>
    %reduce_sum3A_142 = vector.extract %reduce_sum3A_141[15] : i32 from vector<16xi32>
    %broadcast_in_dim3A_143 = vector.broadcast %reduce_sum3A_142 : i32 to vector<16xi32>
    %sub3A_144 = arith.subi %broadcast_in_dim3A_143, %masked_cumsum3A_138 : vector<16xi32>
    %lt3A_145 = arith.cmpi slt, %sub3A_144, %broadcast_in_dim3A_135 : vector<16xi32>
    %add3A_146 = arith.addi %sub3A_144, %scan3A_133 : vector<16xi32>
    %ge3A_147 = arith.cmpi sge, %add3A_146, %broadcast_in_dim3A_135 : vector<16xi32>
    %and3A_148 = arith.andi %lt3A_145, %ge3A_147 : vector<16xi1>
    %select_n3A_149 = arith.select %and3A_148, %iota3A, %broadcast_in_dim3A_7 : vector<16xi1>, vector<16xi32>
    %reduce_sum3A_150 = arith.constant true
    %reduce_sum3A_151 = vector.broadcast %reduce_sum3A_150 : i1 to vector<16xi1>
    %reduce_sum3A_152 = tpu.scan <sum>, %select_n3A_149 masked %reduce_sum3A_151 : vector<16xi32>, vector<16xi1> -> vector<16xi32>
    %reduce_sum3A_153 = vector.extract %reduce_sum3A_152[15] : i32 from vector<16xi32>
    %select_n3A_154 = arith.select %and3A_148, %sub3A_144, %broadcast_in_dim3A_7 : vector<16xi1>, vector<16xi32>
    %reduce_sum3A_155 = arith.constant true
    %reduce_sum3A_156 = vector.broadcast %reduce_sum3A_155 : i1 to vector<16xi1>
    %reduce_sum3A_157 = tpu.scan <sum>, %select_n3A_154 masked %reduce_sum3A_156 : vector<16xi32>, vector<16xi1> -> vector<16xi32>
    %reduce_sum3A_158 = vector.extract %reduce_sum3A_157[15] : i32 from vector<16xi32>
    %scan3A_159 = arith.constant 0 : i32
    %scan3A_160 = arith.constant 16 : i32
    %scan3A_161 = arith.addi %scan3A_159, %scan3A_160 : i32
    %scan3A_162 = arith.constant 1 : i32
    %scan3A_163 = scf.for %scan3A_421 = %scan3A_159 to %scan3A_161 step %scan3A_162 iter_args(%scan3A_422 = %broadcast_in_dim3A_7) -> (vector<16xi32>)  : i32 {
      %mul3A_423 = arith.constant 16 : i32
      %mul3A_424 = arith.muli %reduce_sum3A_153, %mul3A_423 : i32
      %add3A_425 = arith.addi %mul3A_424, %scan3A_421 : i32
      %mul3A_426 = arith.constant 16 : i32
      %mul3A_427 = arith.muli %add3A_425, %mul3A_426 : i32
      %get3A = arith.index_cast %mul3A_427 : i32 to index
      %get3A_428 = tpu.vector_load %arg10[%get3A] {strides = array<i32>} : memref<4096xi32, #tpu.memory_space<vmem>>, vector<16xi32>,
      %reduce_sum3A_429 = arith.constant true
      %reduce_sum3A_430 = vector.broadcast %reduce_sum3A_429 : i1 to vector<16xi1>
      %reduce_sum3A_431 = tpu.scan <sum>, %get3A_428 masked %reduce_sum3A_430 : vector<16xi32>, vector<16xi1> -> vector<16xi32>
      %reduce_sum3A_432 = vector.extract %reduce_sum3A_431[15] : i32 from vector<16xi32>
      %broadcast_in_dim3A_433 = vector.broadcast %scan3A_421 : i32 to vector<16xi32>
      %eq3A_434 = arith.cmpi eq, %iota3A, %broadcast_in_dim3A_433 : vector<16xi32>
      %broadcast_in_dim3A_435 = vector.broadcast %reduce_sum3A_432 : i32 to vector<16xi32>
      %select_n3A_436 = arith.select %eq3A_434, %broadcast_in_dim3A_435, %broadcast_in_dim3A_7 : vector<16xi1>, vector<16xi32>
      %add3A_437 = arith.addi %scan3A_422, %select_n3A_436 : vector<16xi32>
      scf.yield %add3A_437 : vector<16xi32>
    }
    %scan3A_164 = arith.constant 16 : i32
    %broadcast_in_dim3A_165 = arith.constant true
    %broadcast_in_dim3A_166 = vector.broadcast %broadcast_in_dim3A_165 : i1 to vector<16xi1>
    %masked_cumsum3A_167 = tpu.scan <sum>, %scan3A_163 masked %broadcast_in_dim3A_166 : vector<16xi32>, vector<16xi1> -> vector<16xi32>
    %reduce_sum3A_168 = arith.constant true
    %reduce_sum3A_169 = vector.broadcast %reduce_sum3A_168 : i1 to vector<16xi1>
    %reduce_sum3A_170 = tpu.scan <sum>, %scan3A_163 masked %reduce_sum3A_169 : vector<16xi32>, vector<16xi1> -> vector<16xi32>
    %reduce_sum3A_171 = vector.extract %reduce_sum3A_170[15] : i32 from vector<16xi32>
    %add3A_172 = arith.addi %reduce_sum3A_158, %reduce_sum3A_171 : i32
    %broadcast_in_dim3A_173 = vector.broadcast %add3A_172 : i32 to vector<16xi32>
    %sub3A_174 = arith.subi %broadcast_in_dim3A_173, %masked_cumsum3A_167 : vector<16xi32>
    %lt3A_175 = arith.cmpi slt, %sub3A_174, %broadcast_in_dim3A_135 : vector<16xi32>
    %add3A_176 = arith.addi %sub3A_174, %scan3A_163 : vector<16xi32>
    %ge3A_177 = arith.cmpi sge, %add3A_176, %broadcast_in_dim3A_135 : vector<16xi32>
    %and3A_178 = arith.andi %lt3A_175, %ge3A_177 : vector<16xi1>
    %select_n3A_179 = arith.select %and3A_178, %iota3A, %broadcast_in_dim3A_7 : vector<16xi1>, vector<16xi32>
    %reduce_sum3A_180 = arith.constant true
    %reduce_sum3A_181 = vector.broadcast %reduce_sum3A_180 : i1 to vector<16xi1>
    %reduce_sum3A_182 = tpu.scan <sum>, %select_n3A_179 masked %reduce_sum3A_181 : vector<16xi32>, vector<16xi1> -> vector<16xi32>
    %reduce_sum3A_183 = vector.extract %reduce_sum3A_182[15] : i32 from vector<16xi32>
    %select_n3A_184 = arith.select %and3A_178, %sub3A_174, %broadcast_in_dim3A_7 : vector<16xi1>, vector<16xi32>
    %reduce_sum3A_185 = arith.constant true
    %reduce_sum3A_186 = vector.broadcast %reduce_sum3A_185 : i1 to vector<16xi1>
    %reduce_sum3A_187 = tpu.scan <sum>, %select_n3A_184 masked %reduce_sum3A_186 : vector<16xi32>, vector<16xi1> -> vector<16xi32>
    %reduce_sum3A_188 = vector.extract %reduce_sum3A_187[15] : i32 from vector<16xi32>
    %shift_left3A_189 = arith.constant 8 : i32
    %shift_left3A_190 = arith.shli %or3A, %shift_left3A_189 : i32
    %mul3A_191 = arith.constant 16 : i32
    %mul3A_192 = arith.muli %reduce_sum3A_153, %mul3A_191 : i32
    %add3A_193 = arith.addi %mul3A_192, %reduce_sum3A_183 : i32
    %or3A_194 = arith.ori %shift_left3A_190, %add3A_193 : i32
    %sub3A_195 = arith.subi %sub3A_113, %reduce_sum3A_188 : i32
    %broadcast_in_dim3A_196 = vector.broadcast %or3A_194 : i32 to vector<16xi32>
    %scan3A_197 = arith.constant 0 : i32
    %scan3A_198 = arith.constant 0 : i32
    %scan3A_199 = arith.constant 64 : i32
    %scan3A_200 = arith.addi %scan3A_198, %scan3A_199 : i32
    %scan3A_201 = arith.constant 1 : i32
    %scan3A_202 = scf.for %scan3A_421 = %scan3A_198 to %scan3A_200 step %scan3A_201 iter_args(%scan3A_422 = %scan3A_197) -> (i32)  : i32 {
      %mul3A_423 = arith.constant 4 : i32
      %mul3A_424 = arith.muli %scan3A_421, %mul3A_423 : i32
      %add3A_425 = arith.constant 0 : i32
      %add3A_426 = arith.addi %mul3A_424, %add3A_425 : i32
      %mul3A_427 = arith.constant 16 : i32
      %mul3A_428 = arith.muli %add3A_426, %mul3A_427 : i32
      %swap3A_429 = arith.index_cast %mul3A_428 : i32 to index
      %swap3A_430 = tpu.vector_load %arg10[%swap3A_429] {strides = array<i32>} : memref<4096xi32, #tpu.memory_space<vmem>>, vector<16xi32>,
      tpu.vector_store %arg10[%swap3A_429], %broadcast_in_dim3A_7 {strides = array<i32>} : memref<4096xi32, #tpu.memory_space<vmem>>, vector<16xi32>,
      %mul3A_431 = arith.constant 4 : i32
      %mul3A_432 = arith.muli %scan3A_421, %mul3A_431 : i32
      %add3A_433 = arith.constant 1 : i32
      %add3A_434 = arith.addi %mul3A_432, %add3A_433 : i32
      %mul3A_435 = arith.constant 16 : i32
      %mul3A_436 = arith.muli %add3A_434, %mul3A_435 : i32
      %swap3A_437 = arith.index_cast %mul3A_436 : i32 to index
      %swap3A_438 = tpu.vector_load %arg10[%swap3A_437] {strides = array<i32>} : memref<4096xi32, #tpu.memory_space<vmem>>, vector<16xi32>,
      tpu.vector_store %arg10[%swap3A_437], %broadcast_in_dim3A_7 {strides = array<i32>} : memref<4096xi32, #tpu.memory_space<vmem>>, vector<16xi32>,
      %mul3A_439 = arith.constant 4 : i32
      %mul3A_440 = arith.muli %scan3A_421, %mul3A_439 : i32
      %add3A_441 = arith.constant 2 : i32
      %add3A_442 = arith.addi %mul3A_440, %add3A_441 : i32
      %mul3A_443 = arith.constant 16 : i32
      %mul3A_444 = arith.muli %add3A_442, %mul3A_443 : i32
      %swap3A_445 = arith.index_cast %mul3A_444 : i32 to index
      %swap3A_446 = tpu.vector_load %arg10[%swap3A_445] {strides = array<i32>} : memref<4096xi32, #tpu.memory_space<vmem>>, vector<16xi32>,
      tpu.vector_store %arg10[%swap3A_445], %broadcast_in_dim3A_7 {strides = array<i32>} : memref<4096xi32, #tpu.memory_space<vmem>>, vector<16xi32>,
      %mul3A_447 = arith.constant 4 : i32
      %mul3A_448 = arith.muli %scan3A_421, %mul3A_447 : i32
      %add3A_449 = arith.constant 3 : i32
      %add3A_450 = arith.addi %mul3A_448, %add3A_449 : i32
      %mul3A_451 = arith.constant 16 : i32
      %mul3A_452 = arith.muli %add3A_450, %mul3A_451 : i32
      %swap3A_453 = arith.index_cast %mul3A_452 : i32 to index
      %swap3A_454 = tpu.vector_load %arg10[%swap3A_453] {strides = array<i32>} : memref<4096xi32, #tpu.memory_space<vmem>>, vector<16xi32>,
      tpu.vector_store %arg10[%swap3A_453], %broadcast_in_dim3A_7 {strides = array<i32>} : memref<4096xi32, #tpu.memory_space<vmem>>, vector<16xi32>,
      %scan3A_455 = arith.constant 0 : i32
      scf.yield %scan3A_455 : i32
    }
    %scan3A_203 = arith.constant 64 : i32
    %scan3A_204 = arith.constant 0 : i32
    %scan3A_205 = arith.constant 0 : i32
    %scan3A_206 = arith.constant 128 : i32
    %scan3A_207 = arith.addi %scan3A_205, %scan3A_206 : i32
    %scan3A_208 = arith.constant 1 : i32
    %scan3A_209 = scf.for %scan3A_421 = %scan3A_205 to %scan3A_207 step %scan3A_208 iter_args(%scan3A_422 = %scan3A_204) -> (i32)  : i32 {
      %mul3A_423 = arith.constant 8 : i32
      %mul3A_424 = arith.muli %scan3A_421, %mul3A_423 : i32
      %add3A_425 = arith.constant 0 : i32
      %add3A_426 = arith.addi %mul3A_424, %add3A_425 : i32
      %mul3A_427 = arith.constant 16 : i32
      %mul3A_428 = arith.muli %add3A_426, %mul3A_427 : i32
      %get3A = arith.index_cast %mul3A_428 : i32 to index
      %get3A_429 = tpu.vector_load %arg9[%get3A] {strides = array<i32>} : memref<16384xi32, #tpu.memory_space<vmem>>, vector<16xi32>,
      %mul3A_430 = arith.constant 8 : i32
      %mul3A_431 = arith.muli %scan3A_421, %mul3A_430 : i32
      %add3A_432 = arith.constant 1 : i32
      %add3A_433 = arith.addi %mul3A_431, %add3A_432 : i32
      %mul3A_434 = arith.constant 16 : i32
      %mul3A_435 = arith.muli %add3A_433, %mul3A_434 : i32
      %get3A_436 = arith.index_cast %mul3A_435 : i32 to index
      %get3A_437 = tpu.vector_load %arg9[%get3A_436] {strides = array<i32>} : memref<16384xi32, #tpu.memory_space<vmem>>, vector<16xi32>,
      %mul3A_438 = arith.constant 8 : i32
      %mul3A_439 = arith.muli %scan3A_421, %mul3A_438 : i32
      %add3A_440 = arith.constant 2 : i32
      %add3A_441 = arith.addi %mul3A_439, %add3A_440 : i32
      %mul3A_442 = arith.constant 16 : i32
      %mul3A_443 = arith.muli %add3A_441, %mul3A_442 : i32
      %get3A_444 = arith.index_cast %mul3A_443 : i32 to index
      %get3A_445 = tpu.vector_load %arg9[%get3A_444] {strides = array<i32>} : memref<16384xi32, #tpu.memory_space<vmem>>, vector<16xi32>,
      %mul3A_446 = arith.constant 8 : i32
      %mul3A_447 = arith.muli %scan3A_421, %mul3A_446 : i32
      %add3A_448 = arith.constant 3 : i32
      %add3A_449 = arith.addi %mul3A_447, %add3A_448 : i32
      %mul3A_450 = arith.constant 16 : i32
      %mul3A_451 = arith.muli %add3A_449, %mul3A_450 : i32
      %get3A_452 = arith.index_cast %mul3A_451 : i32 to index
      %get3A_453 = tpu.vector_load %arg9[%get3A_452] {strides = array<i32>} : memref<16384xi32, #tpu.memory_space<vmem>>, vector<16xi32>,
      %mul3A_454 = arith.constant 8 : i32
      %mul3A_455 = arith.muli %scan3A_421, %mul3A_454 : i32
      %add3A_456 = arith.constant 4 : i32
      %add3A_457 = arith.addi %mul3A_455, %add3A_456 : i32
      %mul3A_458 = arith.constant 16 : i32
      %mul3A_459 = arith.muli %add3A_457, %mul3A_458 : i32
      %get3A_460 = arith.index_cast %mul3A_459 : i32 to index
      %get3A_461 = tpu.vector_load %arg9[%get3A_460] {strides = array<i32>} : memref<16384xi32, #tpu.memory_space<vmem>>, vector<16xi32>,
      %mul3A_462 = arith.constant 8 : i32
      %mul3A_463 = arith.muli %scan3A_421, %mul3A_462 : i32
      %add3A_464 = arith.constant 5 : i32
      %add3A_465 = arith.addi %mul3A_463, %add3A_464 : i32
      %mul3A_466 = arith.constant 16 : i32
      %mul3A_467 = arith.muli %add3A_465, %mul3A_466 : i32
      %get3A_468 = arith.index_cast %mul3A_467 : i32 to index
      %get3A_469 = tpu.vector_load %arg9[%get3A_468] {strides = array<i32>} : memref<16384xi32, #tpu.memory_space<vmem>>, vector<16xi32>,
      %mul3A_470 = arith.constant 8 : i32
      %mul3A_471 = arith.muli %scan3A_421, %mul3A_470 : i32
      %add3A_472 = arith.constant 6 : i32
      %add3A_473 = arith.addi %mul3A_471, %add3A_472 : i32
      %mul3A_474 = arith.constant 16 : i32
      %mul3A_475 = arith.muli %add3A_473, %mul3A_474 : i32
      %get3A_476 = arith.index_cast %mul3A_475 : i32 to index
      %get3A_477 = tpu.vector_load %arg9[%get3A_476] {strides = array<i32>} : memref<16384xi32, #tpu.memory_space<vmem>>, vector<16xi32>,
      %mul3A_478 = arith.constant 8 : i32
      %mul3A_479 = arith.muli %scan3A_421, %mul3A_478 : i32
      %add3A_480 = arith.constant 7 : i32
      %add3A_481 = arith.addi %mul3A_479, %add3A_480 : i32
      %mul3A_482 = arith.constant 16 : i32
      %mul3A_483 = arith.muli %add3A_481, %mul3A_482 : i32
      %get3A_484 = arith.index_cast %mul3A_483 : i32 to index
      %get3A_485 = tpu.vector_load %arg9[%get3A_484] {strides = array<i32>} : memref<16384xi32, #tpu.memory_space<vmem>>, vector<16xi32>,
      %shift_right_logical3A = arith.constant 8 : i32
      %shift_right_logical3A_486 = vector.broadcast %shift_right_logical3A : i32 to vector<16xi32>
      %shift_right_logical3A_487 = arith.shrui %get3A_429, %shift_right_logical3A_486 : vector<16xi32>
      %and3A_488 = arith.constant 255 : i32
      %and3A_489 = vector.broadcast %and3A_488 : i32 to vector<16xi32>
      %and3A_490 = arith.andi %shift_right_logical3A_487, %and3A_489 : vector<16xi32>
      %shift_left3A_491 = arith.constant 4 : i32
      %shift_left3A_492 = vector.broadcast %shift_left3A_491 : i32 to vector<16xi32>
      %shift_left3A_493 = arith.shli %and3A_490, %shift_left3A_492 : vector<16xi32>
      %or3A_494 = arith.ori %shift_left3A_493, %iota3A : vector<16xi32>
      %shift_right_logical3A_495 = arith.constant 8 : i32
      %shift_right_logical3A_496 = vector.broadcast %shift_right_logical3A_495 : i32 to vector<16xi32>
      %shift_right_logical3A_497 = arith.shrui %get3A_437, %shift_right_logical3A_496 : vector<16xi32>
      %and3A_498 = arith.constant 255 : i32
      %and3A_499 = vector.broadcast %and3A_498 : i32 to vector<16xi32>
      %and3A_500 = arith.andi %shift_right_logical3A_497, %and3A_499 : vector<16xi32>
      %shift_left3A_501 = arith.constant 4 : i32
      %shift_left3A_502 = vector.broadcast %shift_left3A_501 : i32 to vector<16xi32>
      %shift_left3A_503 = arith.shli %and3A_500, %shift_left3A_502 : vector<16xi32>
      %or3A_504 = arith.ori %shift_left3A_503, %iota3A : vector<16xi32>
      %shift_right_logical3A_505 = arith.constant 8 : i32
      %shift_right_logical3A_506 = vector.broadcast %shift_right_logical3A_505 : i32 to vector<16xi32>
      %shift_right_logical3A_507 = arith.shrui %get3A_445, %shift_right_logical3A_506 : vector<16xi32>
      %and3A_508 = arith.constant 255 : i32
      %and3A_509 = vector.broadcast %and3A_508 : i32 to vector<16xi32>
      %and3A_510 = arith.andi %shift_right_logical3A_507, %and3A_509 : vector<16xi32>
      %shift_left3A_511 = arith.constant 4 : i32
      %shift_left3A_512 = vector.broadcast %shift_left3A_511 : i32 to vector<16xi32>
      %shift_left3A_513 = arith.shli %and3A_510, %shift_left3A_512 : vector<16xi32>
      %or3A_514 = arith.ori %shift_left3A_513, %iota3A : vector<16xi32>
      %shift_right_logical3A_515 = arith.constant 8 : i32
      %shift_right_logical3A_516 = vector.broadcast %shift_right_logical3A_515 : i32 to vector<16xi32>
      %shift_right_logical3A_517 = arith.shrui %get3A_453, %shift_right_logical3A_516 : vector<16xi32>
      %and3A_518 = arith.constant 255 : i32
      %and3A_519 = vector.broadcast %and3A_518 : i32 to vector<16xi32>
      %and3A_520 = arith.andi %shift_right_logical3A_517, %and3A_519 : vector<16xi32>
      %shift_left3A_521 = arith.constant 4 : i32
      %shift_left3A_522 = vector.broadcast %shift_left3A_521 : i32 to vector<16xi32>
      %shift_left3A_523 = arith.shli %and3A_520, %shift_left3A_522 : vector<16xi32>
      %or3A_524 = arith.ori %shift_left3A_523, %iota3A : vector<16xi32>
      %shift_right_logical3A_525 = arith.constant 8 : i32
      %shift_right_logical3A_526 = vector.broadcast %shift_right_logical3A_525 : i32 to vector<16xi32>
      %shift_right_logical3A_527 = arith.shrui %get3A_461, %shift_right_logical3A_526 : vector<16xi32>
      %and3A_528 = arith.constant 255 : i32
      %and3A_529 = vector.broadcast %and3A_528 : i32 to vector<16xi32>
      %and3A_530 = arith.andi %shift_right_logical3A_527, %and3A_529 : vector<16xi32>
      %shift_left3A_531 = arith.constant 4 : i32
      %shift_left3A_532 = vector.broadcast %shift_left3A_531 : i32 to vector<16xi32>
      %shift_left3A_533 = arith.shli %and3A_530, %shift_left3A_532 : vector<16xi32>
      %or3A_534 = arith.ori %shift_left3A_533, %iota3A : vector<16xi32>
      %shift_right_logical3A_535 = arith.constant 8 : i32
      %shift_right_logical3A_536 = vector.broadcast %shift_right_logical3A_535 : i32 to vector<16xi32>
      %shift_right_logical3A_537 = arith.shrui %get3A_469, %shift_right_logical3A_536 : vector<16xi32>
      %and3A_538 = arith.constant 255 : i32
      %and3A_539 = vector.broadcast %and3A_538 : i32 to vector<16xi32>
      %and3A_540 = arith.andi %shift_right_logical3A_537, %and3A_539 : vector<16xi32>
      %shift_left3A_541 = arith.constant 4 : i32
      %shift_left3A_542 = vector.broadcast %shift_left3A_541 : i32 to vector<16xi32>
      %shift_left3A_543 = arith.shli %and3A_540, %shift_left3A_542 : vector<16xi32>
      %or3A_544 = arith.ori %shift_left3A_543, %iota3A : vector<16xi32>
      %shift_right_logical3A_545 = arith.constant 8 : i32
      %shift_right_logical3A_546 = vector.broadcast %shift_right_logical3A_545 : i32 to vector<16xi32>
      %shift_right_logical3A_547 = arith.shrui %get3A_477, %shift_right_logical3A_546 : vector<16xi32>
      %and3A_548 = arith.constant 255 : i32
      %and3A_549 = vector.broadcast %and3A_548 : i32 to vector<16xi32>
      %and3A_550 = arith.andi %shift_right_logical3A_547, %and3A_549 : vector<16xi32>
      %shift_left3A_551 = arith.constant 4 : i32
      %shift_left3A_552 = vector.broadcast %shift_left3A_551 : i32 to vector<16xi32>
      %shift_left3A_553 = arith.shli %and3A_550, %shift_left3A_552 : vector<16xi32>
      %or3A_554 = arith.ori %shift_left3A_553, %iota3A : vector<16xi32>
      %shift_right_logical3A_555 = arith.constant 8 : i32
      %shift_right_logical3A_556 = vector.broadcast %shift_right_logical3A_555 : i32 to vector<16xi32>
      %shift_right_logical3A_557 = arith.shrui %get3A_485, %shift_right_logical3A_556 : vector<16xi32>
      %and3A_558 = arith.constant 255 : i32
      %and3A_559 = vector.broadcast %and3A_558 : i32 to vector<16xi32>
      %and3A_560 = arith.andi %shift_right_logical3A_557, %and3A_559 : vector<16xi32>
      %shift_left3A_561 = arith.constant 4 : i32
      %shift_left3A_562 = vector.broadcast %shift_left3A_561 : i32 to vector<16xi32>
      %shift_left3A_563 = arith.shli %and3A_560, %shift_left3A_562 : vector<16xi32>
      %or3A_564 = arith.ori %shift_left3A_563, %iota3A : vector<16xi32>
      %shift_right_logical3A_565 = arith.constant 16 : i32
      %shift_right_logical3A_566 = vector.broadcast %shift_right_logical3A_565 : i32 to vector<16xi32>
      %shift_right_logical3A_567 = arith.shrui %get3A_429, %shift_right_logical3A_566 : vector<16xi32>
      %eq3A_568 = arith.cmpi eq, %shift_right_logical3A_567, %broadcast_in_dim3A_196 : vector<16xi32>
      %shift_right_logical3A_569 = arith.constant 16 : i32
      %shift_right_logical3A_570 = vector.broadcast %shift_right_logical3A_569 : i32 to vector<16xi32>
      %shift_right_logical3A_571 = arith.shrui %get3A_437, %shift_right_logical3A_570 : vector<16xi32>
      %eq3A_572 = arith.cmpi eq, %shift_right_logical3A_571, %broadcast_in_dim3A_196 : vector<16xi32>
      %shift_right_logical3A_573 = arith.constant 16 : i32
      %shift_right_logical3A_574 = vector.broadcast %shift_right_logical3A_573 : i32 to vector<16xi32>
      %shift_right_logical3A_575 = arith.shrui %get3A_445, %shift_right_logical3A_574 : vector<16xi32>
      %eq3A_576 = arith.cmpi eq, %shift_right_logical3A_575, %broadcast_in_dim3A_196 : vector<16xi32>
      %shift_right_logical3A_577 = arith.constant 16 : i32
      %shift_right_logical3A_578 = vector.broadcast %shift_right_logical3A_577 : i32 to vector<16xi32>
      %shift_right_logical3A_579 = arith.shrui %get3A_453, %shift_right_logical3A_578 : vector<16xi32>
      %eq3A_580 = arith.cmpi eq, %shift_right_logical3A_579, %broadcast_in_dim3A_196 : vector<16xi32>
      %shift_right_logical3A_581 = arith.constant 16 : i32
      %shift_right_logical3A_582 = vector.broadcast %shift_right_logical3A_581 : i32 to vector<16xi32>
      %shift_right_logical3A_583 = arith.shrui %get3A_461, %shift_right_logical3A_582 : vector<16xi32>
      %eq3A_584 = arith.cmpi eq, %shift_right_logical3A_583, %broadcast_in_dim3A_196 : vector<16xi32>
      %shift_right_logical3A_585 = arith.constant 16 : i32
      %shift_right_logical3A_586 = vector.broadcast %shift_right_logical3A_585 : i32 to vector<16xi32>
      %shift_right_logical3A_587 = arith.shrui %get3A_469, %shift_right_logical3A_586 : vector<16xi32>
      %eq3A_588 = arith.cmpi eq, %shift_right_logical3A_587, %broadcast_in_dim3A_196 : vector<16xi32>
      %shift_right_logical3A_589 = arith.constant 16 : i32
      %shift_right_logical3A_590 = vector.broadcast %shift_right_logical3A_589 : i32 to vector<16xi32>
      %shift_right_logical3A_591 = arith.shrui %get3A_477, %shift_right_logical3A_590 : vector<16xi32>
      %eq3A_592 = arith.cmpi eq, %shift_right_logical3A_591, %broadcast_in_dim3A_196 : vector<16xi32>
      %shift_right_logical3A_593 = arith.constant 16 : i32
      %shift_right_logical3A_594 = vector.broadcast %shift_right_logical3A_593 : i32 to vector<16xi32>
      %shift_right_logical3A_595 = arith.shrui %get3A_485, %shift_right_logical3A_594 : vector<16xi32>
      %eq3A_596 = arith.cmpi eq, %shift_right_logical3A_595, %broadcast_in_dim3A_196 : vector<16xi32>
      tpu.vector_store_idx %arg10[%or3A_494], %broadcast_in_dim3A_5 masked %eq3A_568 {add = true} : memref<4096xi32, #tpu.memory_space<vmem>>[vector<16xi32>], vector<16xi32>, vector<16xi1>
      tpu.vector_store_idx %arg10[%or3A_504], %broadcast_in_dim3A_5 masked %eq3A_572 {add = true} : memref<4096xi32, #tpu.memory_space<vmem>>[vector<16xi32>], vector<16xi32>, vector<16xi1>
      tpu.vector_store_idx %arg10[%or3A_514], %broadcast_in_dim3A_5 masked %eq3A_576 {add = true} : memref<4096xi32, #tpu.memory_space<vmem>>[vector<16xi32>], vector<16xi32>, vector<16xi1>
      tpu.vector_store_idx %arg10[%or3A_524], %broadcast_in_dim3A_5 masked %eq3A_580 {add = true} : memref<4096xi32, #tpu.memory_space<vmem>>[vector<16xi32>], vector<16xi32>, vector<16xi1>
      tpu.vector_store_idx %arg10[%or3A_534], %broadcast_in_dim3A_5 masked %eq3A_584 {add = true} : memref<4096xi32, #tpu.memory_space<vmem>>[vector<16xi32>], vector<16xi32>, vector<16xi1>
      tpu.vector_store_idx %arg10[%or3A_544], %broadcast_in_dim3A_5 masked %eq3A_588 {add = true} : memref<4096xi32, #tpu.memory_space<vmem>>[vector<16xi32>], vector<16xi32>, vector<16xi1>
      tpu.vector_store_idx %arg10[%or3A_554], %broadcast_in_dim3A_5 masked %eq3A_592 {add = true} : memref<4096xi32, #tpu.memory_space<vmem>>[vector<16xi32>], vector<16xi32>, vector<16xi1>
      tpu.vector_store_idx %arg10[%or3A_564], %broadcast_in_dim3A_5 masked %eq3A_596 {add = true} : memref<4096xi32, #tpu.memory_space<vmem>>[vector<16xi32>], vector<16xi32>, vector<16xi1>
      %scan3A_597 = arith.constant 0 : i32
      scf.yield %scan3A_597 : i32
    }
    %scan3A_210 = arith.constant 128 : i32
    %scan3A_211 = arith.constant 0 : i32
    %scan3A_212 = arith.constant 16 : i32
    %scan3A_213 = arith.addi %scan3A_211, %scan3A_212 : i32
    %scan3A_214 = arith.constant 1 : i32
    %scan3A_215 = scf.for %scan3A_421 = %scan3A_211 to %scan3A_213 step %scan3A_214 iter_args(%scan3A_422 = %broadcast_in_dim3A_7) -> (vector<16xi32>)  : i32 {
      %mul3A_423 = arith.constant 16 : i32
      %mul3A_424 = arith.muli %scan3A_421, %mul3A_423 : i32
      %add3A_425 = arith.constant 0 : i32
      %add3A_426 = arith.addi %mul3A_424, %add3A_425 : i32
      %mul3A_427 = arith.constant 16 : i32
      %mul3A_428 = arith.muli %add3A_426, %mul3A_427 : i32
      %get3A = arith.index_cast %mul3A_428 : i32 to index
      %get3A_429 = tpu.vector_load %arg10[%get3A] {strides = array<i32>} : memref<4096xi32, #tpu.memory_space<vmem>>, vector<16xi32>,
      %add3A_430 = arith.addi %broadcast_in_dim3A_7, %get3A_429 : vector<16xi32>
      %mul3A_431 = arith.constant 16 : i32
      %mul3A_432 = arith.muli %scan3A_421, %mul3A_431 : i32
      %add3A_433 = arith.constant 1 : i32
      %add3A_434 = arith.addi %mul3A_432, %add3A_433 : i32
      %mul3A_435 = arith.constant 16 : i32
      %mul3A_436 = arith.muli %add3A_434, %mul3A_435 : i32
      %get3A_437 = arith.index_cast %mul3A_436 : i32 to index
      %get3A_438 = tpu.vector_load %arg10[%get3A_437] {strides = array<i32>} : memref<4096xi32, #tpu.memory_space<vmem>>, vector<16xi32>,
      %add3A_439 = arith.addi %add3A_430, %get3A_438 : vector<16xi32>
      %mul3A_440 = arith.constant 16 : i32
      %mul3A_441 = arith.muli %scan3A_421, %mul3A_440 : i32
      %add3A_442 = arith.constant 2 : i32
      %add3A_443 = arith.addi %mul3A_441, %add3A_442 : i32
      %mul3A_444 = arith.constant 16 : i32
      %mul3A_445 = arith.muli %add3A_443, %mul3A_444 : i32
      %get3A_446 = arith.index_cast %mul3A_445 : i32 to index
      %get3A_447 = tpu.vector_load %arg10[%get3A_446] {strides = array<i32>} : memref<4096xi32, #tpu.memory_space<vmem>>, vector<16xi32>,
      %add3A_448 = arith.addi %add3A_439, %get3A_447 : vector<16xi32>
      %mul3A_449 = arith.constant 16 : i32
      %mul3A_450 = arith.muli %scan3A_421, %mul3A_449 : i32
      %add3A_451 = arith.constant 3 : i32
      %add3A_452 = arith.addi %mul3A_450, %add3A_451 : i32
      %mul3A_453 = arith.constant 16 : i32
      %mul3A_454 = arith.muli %add3A_452, %mul3A_453 : i32
      %get3A_455 = arith.index_cast %mul3A_454 : i32 to index
      %get3A_456 = tpu.vector_load %arg10[%get3A_455] {strides = array<i32>} : memref<4096xi32, #tpu.memory_space<vmem>>, vector<16xi32>,
      %add3A_457 = arith.addi %add3A_448, %get3A_456 : vector<16xi32>
      %mul3A_458 = arith.constant 16 : i32
      %mul3A_459 = arith.muli %scan3A_421, %mul3A_458 : i32
      %add3A_460 = arith.constant 4 : i32
      %add3A_461 = arith.addi %mul3A_459, %add3A_460 : i32
      %mul3A_462 = arith.constant 16 : i32
      %mul3A_463 = arith.muli %add3A_461, %mul3A_462 : i32
      %get3A_464 = arith.index_cast %mul3A_463 : i32 to index
      %get3A_465 = tpu.vector_load %arg10[%get3A_464] {strides = array<i32>} : memref<4096xi32, #tpu.memory_space<vmem>>, vector<16xi32>,
      %add3A_466 = arith.addi %add3A_457, %get3A_465 : vector<16xi32>
      %mul3A_467 = arith.constant 16 : i32
      %mul3A_468 = arith.muli %scan3A_421, %mul3A_467 : i32
      %add3A_469 = arith.constant 5 : i32
      %add3A_470 = arith.addi %mul3A_468, %add3A_469 : i32
      %mul3A_471 = arith.constant 16 : i32
      %mul3A_472 = arith.muli %add3A_470, %mul3A_471 : i32
      %get3A_473 = arith.index_cast %mul3A_472 : i32 to index
      %get3A_474 = tpu.vector_load %arg10[%get3A_473] {strides = array<i32>} : memref<4096xi32, #tpu.memory_space<vmem>>, vector<16xi32>,
      %add3A_475 = arith.addi %add3A_466, %get3A_474 : vector<16xi32>
      %mul3A_476 = arith.constant 16 : i32
      %mul3A_477 = arith.muli %scan3A_421, %mul3A_476 : i32
      %add3A_478 = arith.constant 6 : i32
      %add3A_479 = arith.addi %mul3A_477, %add3A_478 : i32
      %mul3A_480 = arith.constant 16 : i32
      %mul3A_481 = arith.muli %add3A_479, %mul3A_480 : i32
      %get3A_482 = arith.index_cast %mul3A_481 : i32 to index
      %get3A_483 = tpu.vector_load %arg10[%get3A_482] {strides = array<i32>} : memref<4096xi32, #tpu.memory_space<vmem>>, vector<16xi32>,
      %add3A_484 = arith.addi %add3A_475, %get3A_483 : vector<16xi32>
      %mul3A_485 = arith.constant 16 : i32
      %mul3A_486 = arith.muli %scan3A_421, %mul3A_485 : i32
      %add3A_487 = arith.constant 7 : i32
      %add3A_488 = arith.addi %mul3A_486, %add3A_487 : i32
      %mul3A_489 = arith.constant 16 : i32
      %mul3A_490 = arith.muli %add3A_488, %mul3A_489 : i32
      %get3A_491 = arith.index_cast %mul3A_490 : i32 to index
      %get3A_492 = tpu.vector_load %arg10[%get3A_491] {strides = array<i32>} : memref<4096xi32, #tpu.memory_space<vmem>>, vector<16xi32>,
      %add3A_493 = arith.addi %add3A_484, %get3A_492 : vector<16xi32>
      %mul3A_494 = arith.constant 16 : i32
      %mul3A_495 = arith.muli %scan3A_421, %mul3A_494 : i32
      %add3A_496 = arith.constant 8 : i32
      %add3A_497 = arith.addi %mul3A_495, %add3A_496 : i32
      %mul3A_498 = arith.constant 16 : i32
      %mul3A_499 = arith.muli %add3A_497, %mul3A_498 : i32
      %get3A_500 = arith.index_cast %mul3A_499 : i32 to index
      %get3A_501 = tpu.vector_load %arg10[%get3A_500] {strides = array<i32>} : memref<4096xi32, #tpu.memory_space<vmem>>, vector<16xi32>,
      %add3A_502 = arith.addi %add3A_493, %get3A_501 : vector<16xi32>
      %mul3A_503 = arith.constant 16 : i32
      %mul3A_504 = arith.muli %scan3A_421, %mul3A_503 : i32
      %add3A_505 = arith.constant 9 : i32
      %add3A_506 = arith.addi %mul3A_504, %add3A_505 : i32
      %mul3A_507 = arith.constant 16 : i32
      %mul3A_508 = arith.muli %add3A_506, %mul3A_507 : i32
      %get3A_509 = arith.index_cast %mul3A_508 : i32 to index
      %get3A_510 = tpu.vector_load %arg10[%get3A_509] {strides = array<i32>} : memref<4096xi32, #tpu.memory_space<vmem>>, vector<16xi32>,
      %add3A_511 = arith.addi %add3A_502, %get3A_510 : vector<16xi32>
      %mul3A_512 = arith.constant 16 : i32
      %mul3A_513 = arith.muli %scan3A_421, %mul3A_512 : i32
      %add3A_514 = arith.constant 10 : i32
      %add3A_515 = arith.addi %mul3A_513, %add3A_514 : i32
      %mul3A_516 = arith.constant 16 : i32
      %mul3A_517 = arith.muli %add3A_515, %mul3A_516 : i32
      %get3A_518 = arith.index_cast %mul3A_517 : i32 to index
      %get3A_519 = tpu.vector_load %arg10[%get3A_518] {strides = array<i32>} : memref<4096xi32, #tpu.memory_space<vmem>>, vector<16xi32>,
      %add3A_520 = arith.addi %add3A_511, %get3A_519 : vector<16xi32>
      %mul3A_521 = arith.constant 16 : i32
      %mul3A_522 = arith.muli %scan3A_421, %mul3A_521 : i32
      %add3A_523 = arith.constant 11 : i32
      %add3A_524 = arith.addi %mul3A_522, %add3A_523 : i32
      %mul3A_525 = arith.constant 16 : i32
      %mul3A_526 = arith.muli %add3A_524, %mul3A_525 : i32
      %get3A_527 = arith.index_cast %mul3A_526 : i32 to index
      %get3A_528 = tpu.vector_load %arg10[%get3A_527] {strides = array<i32>} : memref<4096xi32, #tpu.memory_space<vmem>>, vector<16xi32>,
      %add3A_529 = arith.addi %add3A_520, %get3A_528 : vector<16xi32>
      %mul3A_530 = arith.constant 16 : i32
      %mul3A_531 = arith.muli %scan3A_421, %mul3A_530 : i32
      %add3A_532 = arith.constant 12 : i32
      %add3A_533 = arith.addi %mul3A_531, %add3A_532 : i32
      %mul3A_534 = arith.constant 16 : i32
      %mul3A_535 = arith.muli %add3A_533, %mul3A_534 : i32
      %get3A_536 = arith.index_cast %mul3A_535 : i32 to index
      %get3A_537 = tpu.vector_load %arg10[%get3A_536] {strides = array<i32>} : memref<4096xi32, #tpu.memory_space<vmem>>, vector<16xi32>,
      %add3A_538 = arith.addi %add3A_529, %get3A_537 : vector<16xi32>
      %mul3A_539 = arith.constant 16 : i32
      %mul3A_540 = arith.muli %scan3A_421, %mul3A_539 : i32
      %add3A_541 = arith.constant 13 : i32
      %add3A_542 = arith.addi %mul3A_540, %add3A_541 : i32
      %mul3A_543 = arith.constant 16 : i32
      %mul3A_544 = arith.muli %add3A_542, %mul3A_543 : i32
      %get3A_545 = arith.index_cast %mul3A_544 : i32 to index
      %get3A_546 = tpu.vector_load %arg10[%get3A_545] {strides = array<i32>} : memref<4096xi32, #tpu.memory_space<vmem>>, vector<16xi32>,
      %add3A_547 = arith.addi %add3A_538, %get3A_546 : vector<16xi32>
      %mul3A_548 = arith.constant 16 : i32
      %mul3A_549 = arith.muli %scan3A_421, %mul3A_548 : i32
      %add3A_550 = arith.constant 14 : i32
      %add3A_551 = arith.addi %mul3A_549, %add3A_550 : i32
      %mul3A_552 = arith.constant 16 : i32
      %mul3A_553 = arith.muli %add3A_551, %mul3A_552 : i32
      %get3A_554 = arith.index_cast %mul3A_553 : i32 to index
      %get3A_555 = tpu.vector_load %arg10[%get3A_554] {strides = array<i32>} : memref<4096xi32, #tpu.memory_space<vmem>>, vector<16xi32>,
      %add3A_556 = arith.addi %add3A_547, %get3A_555 : vector<16xi32>
      %mul3A_557 = arith.constant 16 : i32
      %mul3A_558 = arith.muli %scan3A_421, %mul3A_557 : i32
      %add3A_559 = arith.constant 15 : i32
      %add3A_560 = arith.addi %mul3A_558, %add3A_559 : i32
      %mul3A_561 = arith.constant 16 : i32
      %mul3A_562 = arith.muli %add3A_560, %mul3A_561 : i32
      %get3A_563 = arith.index_cast %mul3A_562 : i32 to index
      %get3A_564 = tpu.vector_load %arg10[%get3A_563] {strides = array<i32>} : memref<4096xi32, #tpu.memory_space<vmem>>, vector<16xi32>,
      %add3A_565 = arith.addi %add3A_556, %get3A_564 : vector<16xi32>
      %reduce_sum3A_566 = arith.constant true
      %reduce_sum3A_567 = vector.broadcast %reduce_sum3A_566 : i1 to vector<16xi1>
      %reduce_sum3A_568 = tpu.scan <sum>, %add3A_565 masked %reduce_sum3A_567 : vector<16xi32>, vector<16xi1> -> vector<16xi32>
      %reduce_sum3A_569 = vector.extract %reduce_sum3A_568[15] : i32 from vector<16xi32>
      %broadcast_in_dim3A_570 = vector.broadcast %scan3A_421 : i32 to vector<16xi32>
      %eq3A_571 = arith.cmpi eq, %iota3A, %broadcast_in_dim3A_570 : vector<16xi32>
      %broadcast_in_dim3A_572 = vector.broadcast %reduce_sum3A_569 : i32 to vector<16xi32>
      %select_n3A_573 = arith.select %eq3A_571, %broadcast_in_dim3A_572, %broadcast_in_dim3A_7 : vector<16xi1>, vector<16xi32>
      %add3A_574 = arith.addi %scan3A_422, %select_n3A_573 : vector<16xi32>
      scf.yield %add3A_574 : vector<16xi32>
    }
    %scan3A_216 = arith.constant 16 : i32
    %broadcast_in_dim3A_217 = vector.broadcast %sub3A_195 : i32 to vector<16xi32>
    %broadcast_in_dim3A_218 = arith.constant true
    %broadcast_in_dim3A_219 = vector.broadcast %broadcast_in_dim3A_218 : i1 to vector<16xi1>
    %masked_cumsum3A_220 = tpu.scan <sum>, %scan3A_215 masked %broadcast_in_dim3A_219 : vector<16xi32>, vector<16xi1> -> vector<16xi32>
    %reduce_sum3A_221 = arith.constant true
    %reduce_sum3A_222 = vector.broadcast %reduce_sum3A_221 : i1 to vector<16xi1>
    %reduce_sum3A_223 = tpu.scan <sum>, %scan3A_215 masked %reduce_sum3A_222 : vector<16xi32>, vector<16xi1> -> vector<16xi32>
    %reduce_sum3A_224 = vector.extract %reduce_sum3A_223[15] : i32 from vector<16xi32>
    %broadcast_in_dim3A_225 = vector.broadcast %reduce_sum3A_224 : i32 to vector<16xi32>
    %sub3A_226 = arith.subi %broadcast_in_dim3A_225, %masked_cumsum3A_220 : vector<16xi32>
    %lt3A_227 = arith.cmpi slt, %sub3A_226, %broadcast_in_dim3A_217 : vector<16xi32>
    %add3A_228 = arith.addi %sub3A_226, %scan3A_215 : vector<16xi32>
    %ge3A_229 = arith.cmpi sge, %add3A_228, %broadcast_in_dim3A_217 : vector<16xi32>
    %and3A_230 = arith.andi %lt3A_227, %ge3A_229 : vector<16xi1>
    %select_n3A_231 = arith.select %and3A_230, %iota3A, %broadcast_in_dim3A_7 : vector<16xi1>, vector<16xi32>
    %reduce_sum3A_232 = arith.constant true
    %reduce_sum3A_233 = vector.broadcast %reduce_sum3A_232 : i1 to vector<16xi1>
    %reduce_sum3A_234 = tpu.scan <sum>, %select_n3A_231 masked %reduce_sum3A_233 : vector<16xi32>, vector<16xi1> -> vector<16xi32>
    %reduce_sum3A_235 = vector.extract %reduce_sum3A_234[15] : i32 from vector<16xi32>
    %select_n3A_236 = arith.select %and3A_230, %sub3A_226, %broadcast_in_dim3A_7 : vector<16xi1>, vector<16xi32>
    %reduce_sum3A_237 = arith.constant true
    %reduce_sum3A_238 = vector.broadcast %reduce_sum3A_237 : i1 to vector<16xi1>
    %reduce_sum3A_239 = tpu.scan <sum>, %select_n3A_236 masked %reduce_sum3A_238 : vector<16xi32>, vector<16xi1> -> vector<16xi32>
    %reduce_sum3A_240 = vector.extract %reduce_sum3A_239[15] : i32 from vector<16xi32>
    %scan3A_241 = arith.constant 0 : i32
    %scan3A_242 = arith.constant 16 : i32
    %scan3A_243 = arith.addi %scan3A_241, %scan3A_242 : i32
    %scan3A_244 = arith.constant 1 : i32
    %scan3A_245 = scf.for %scan3A_421 = %scan3A_241 to %scan3A_243 step %scan3A_244 iter_args(%scan3A_422 = %broadcast_in_dim3A_7) -> (vector<16xi32>)  : i32 {
      %mul3A_423 = arith.constant 16 : i32
      %mul3A_424 = arith.muli %reduce_sum3A_235, %mul3A_423 : i32
      %add3A_425 = arith.addi %mul3A_424, %scan3A_421 : i32
      %mul3A_426 = arith.constant 16 : i32
      %mul3A_427 = arith.muli %add3A_425, %mul3A_426 : i32
      %get3A = arith.index_cast %mul3A_427 : i32 to index
      %get3A_428 = tpu.vector_load %arg10[%get3A] {strides = array<i32>} : memref<4096xi32, #tpu.memory_space<vmem>>, vector<16xi32>,
      %reduce_sum3A_429 = arith.constant true
      %reduce_sum3A_430 = vector.broadcast %reduce_sum3A_429 : i1 to vector<16xi1>
      %reduce_sum3A_431 = tpu.scan <sum>, %get3A_428 masked %reduce_sum3A_430 : vector<16xi32>, vector<16xi1> -> vector<16xi32>
      %reduce_sum3A_432 = vector.extract %reduce_sum3A_431[15] : i32 from vector<16xi32>
      %broadcast_in_dim3A_433 = vector.broadcast %scan3A_421 : i32 to vector<16xi32>
      %eq3A_434 = arith.cmpi eq, %iota3A, %broadcast_in_dim3A_433 : vector<16xi32>
      %broadcast_in_dim3A_435 = vector.broadcast %reduce_sum3A_432 : i32 to vector<16xi32>
      %select_n3A_436 = arith.select %eq3A_434, %broadcast_in_dim3A_435, %broadcast_in_dim3A_7 : vector<16xi1>, vector<16xi32>
      %add3A_437 = arith.addi %scan3A_422, %select_n3A_436 : vector<16xi32>
      scf.yield %add3A_437 : vector<16xi32>
    }
    %scan3A_246 = arith.constant 16 : i32
    %broadcast_in_dim3A_247 = arith.constant true
    %broadcast_in_dim3A_248 = vector.broadcast %broadcast_in_dim3A_247 : i1 to vector<16xi1>
    %masked_cumsum3A_249 = tpu.scan <sum>, %scan3A_245 masked %broadcast_in_dim3A_248 : vector<16xi32>, vector<16xi1> -> vector<16xi32>
    %reduce_sum3A_250 = arith.constant true
    %reduce_sum3A_251 = vector.broadcast %reduce_sum3A_250 : i1 to vector<16xi1>
    %reduce_sum3A_252 = tpu.scan <sum>, %scan3A_245 masked %reduce_sum3A_251 : vector<16xi32>, vector<16xi1> -> vector<16xi32>
    %reduce_sum3A_253 = vector.extract %reduce_sum3A_252[15] : i32 from vector<16xi32>
    %add3A_254 = arith.addi %reduce_sum3A_240, %reduce_sum3A_253 : i32
    %broadcast_in_dim3A_255 = vector.broadcast %add3A_254 : i32 to vector<16xi32>
    %sub3A_256 = arith.subi %broadcast_in_dim3A_255, %masked_cumsum3A_249 : vector<16xi32>
    %lt3A_257 = arith.cmpi slt, %sub3A_256, %broadcast_in_dim3A_217 : vector<16xi32>
    %add3A_258 = arith.addi %sub3A_256, %scan3A_245 : vector<16xi32>
    %ge3A_259 = arith.cmpi sge, %add3A_258, %broadcast_in_dim3A_217 : vector<16xi32>
    %and3A_260 = arith.andi %lt3A_257, %ge3A_259 : vector<16xi1>
    %select_n3A_261 = arith.select %and3A_260, %iota3A, %broadcast_in_dim3A_7 : vector<16xi1>, vector<16xi32>
    %reduce_sum3A_262 = arith.constant true
    %reduce_sum3A_263 = vector.broadcast %reduce_sum3A_262 : i1 to vector<16xi1>
    %reduce_sum3A_264 = tpu.scan <sum>, %select_n3A_261 masked %reduce_sum3A_263 : vector<16xi32>, vector<16xi1> -> vector<16xi32>
    %reduce_sum3A_265 = vector.extract %reduce_sum3A_264[15] : i32 from vector<16xi32>
    %select_n3A_266 = arith.select %and3A_260, %sub3A_256, %broadcast_in_dim3A_7 : vector<16xi1>, vector<16xi32>
    %reduce_sum3A_267 = arith.constant true
    %reduce_sum3A_268 = vector.broadcast %reduce_sum3A_267 : i1 to vector<16xi1>
    %reduce_sum3A_269 = tpu.scan <sum>, %select_n3A_266 masked %reduce_sum3A_268 : vector<16xi32>, vector<16xi1> -> vector<16xi32>
    %reduce_sum3A_270 = vector.extract %reduce_sum3A_269[15] : i32 from vector<16xi32>
    %shift_left3A_271 = arith.constant 8 : i32
    %shift_left3A_272 = arith.shli %or3A_194, %shift_left3A_271 : i32
    %mul3A_273 = arith.constant 16 : i32
    %mul3A_274 = arith.muli %reduce_sum3A_235, %mul3A_273 : i32
    %add3A_275 = arith.addi %mul3A_274, %reduce_sum3A_265 : i32
    %or3A_276 = arith.ori %shift_left3A_272, %add3A_275 : i32
    %sub3A_277 = arith.subi %sub3A_195, %reduce_sum3A_270 : i32
    %broadcast_in_dim3A_278 = vector.broadcast %or3A_276 : i32 to vector<16xi32>
    %scan3A_279 = arith.constant 0 : i32
    %scan3A_280 = arith.constant 0 : i32
    %scan3A_281 = arith.constant 64 : i32
    %scan3A_282 = arith.addi %scan3A_280, %scan3A_281 : i32
    %scan3A_283 = arith.constant 1 : i32
    %scan3A_284 = scf.for %scan3A_421 = %scan3A_280 to %scan3A_282 step %scan3A_283 iter_args(%scan3A_422 = %scan3A_279) -> (i32)  : i32 {
      %mul3A_423 = arith.constant 4 : i32
      %mul3A_424 = arith.muli %scan3A_421, %mul3A_423 : i32
      %add3A_425 = arith.constant 0 : i32
      %add3A_426 = arith.addi %mul3A_424, %add3A_425 : i32
      %mul3A_427 = arith.constant 16 : i32
      %mul3A_428 = arith.muli %add3A_426, %mul3A_427 : i32
      %swap3A_429 = arith.index_cast %mul3A_428 : i32 to index
      %swap3A_430 = tpu.vector_load %arg10[%swap3A_429] {strides = array<i32>} : memref<4096xi32, #tpu.memory_space<vmem>>, vector<16xi32>,
      tpu.vector_store %arg10[%swap3A_429], %broadcast_in_dim3A_7 {strides = array<i32>} : memref<4096xi32, #tpu.memory_space<vmem>>, vector<16xi32>,
      %mul3A_431 = arith.constant 4 : i32
      %mul3A_432 = arith.muli %scan3A_421, %mul3A_431 : i32
      %add3A_433 = arith.constant 1 : i32
      %add3A_434 = arith.addi %mul3A_432, %add3A_433 : i32
      %mul3A_435 = arith.constant 16 : i32
      %mul3A_436 = arith.muli %add3A_434, %mul3A_435 : i32
      %swap3A_437 = arith.index_cast %mul3A_436 : i32 to index
      %swap3A_438 = tpu.vector_load %arg10[%swap3A_437] {strides = array<i32>} : memref<4096xi32, #tpu.memory_space<vmem>>, vector<16xi32>,
      tpu.vector_store %arg10[%swap3A_437], %broadcast_in_dim3A_7 {strides = array<i32>} : memref<4096xi32, #tpu.memory_space<vmem>>, vector<16xi32>,
      %mul3A_439 = arith.constant 4 : i32
      %mul3A_440 = arith.muli %scan3A_421, %mul3A_439 : i32
      %add3A_441 = arith.constant 2 : i32
      %add3A_442 = arith.addi %mul3A_440, %add3A_441 : i32
      %mul3A_443 = arith.constant 16 : i32
      %mul3A_444 = arith.muli %add3A_442, %mul3A_443 : i32
      %swap3A_445 = arith.index_cast %mul3A_444 : i32 to index
      %swap3A_446 = tpu.vector_load %arg10[%swap3A_445] {strides = array<i32>} : memref<4096xi32, #tpu.memory_space<vmem>>, vector<16xi32>,
      tpu.vector_store %arg10[%swap3A_445], %broadcast_in_dim3A_7 {strides = array<i32>} : memref<4096xi32, #tpu.memory_space<vmem>>, vector<16xi32>,
      %mul3A_447 = arith.constant 4 : i32
      %mul3A_448 = arith.muli %scan3A_421, %mul3A_447 : i32
      %add3A_449 = arith.constant 3 : i32
      %add3A_450 = arith.addi %mul3A_448, %add3A_449 : i32
      %mul3A_451 = arith.constant 16 : i32
      %mul3A_452 = arith.muli %add3A_450, %mul3A_451 : i32
      %swap3A_453 = arith.index_cast %mul3A_452 : i32 to index
      %swap3A_454 = tpu.vector_load %arg10[%swap3A_453] {strides = array<i32>} : memref<4096xi32, #tpu.memory_space<vmem>>, vector<16xi32>,
      tpu.vector_store %arg10[%swap3A_453], %broadcast_in_dim3A_7 {strides = array<i32>} : memref<4096xi32, #tpu.memory_space<vmem>>, vector<16xi32>,
      %scan3A_455 = arith.constant 0 : i32
      scf.yield %scan3A_455 : i32
    }
    %scan3A_285 = arith.constant 64 : i32
    %scan3A_286 = arith.constant 0 : i32
    %scan3A_287 = arith.constant 0 : i32
    %scan3A_288 = arith.constant 128 : i32
    %scan3A_289 = arith.addi %scan3A_287, %scan3A_288 : i32
    %scan3A_290 = arith.constant 1 : i32
    %scan3A_291 = scf.for %scan3A_421 = %scan3A_287 to %scan3A_289 step %scan3A_290 iter_args(%scan3A_422 = %scan3A_286) -> (i32)  : i32 {
      %mul3A_423 = arith.constant 8 : i32
      %mul3A_424 = arith.muli %scan3A_421, %mul3A_423 : i32
      %add3A_425 = arith.constant 0 : i32
      %add3A_426 = arith.addi %mul3A_424, %add3A_425 : i32
      %mul3A_427 = arith.constant 16 : i32
      %mul3A_428 = arith.muli %add3A_426, %mul3A_427 : i32
      %get3A = arith.index_cast %mul3A_428 : i32 to index
      %get3A_429 = tpu.vector_load %arg9[%get3A] {strides = array<i32>} : memref<16384xi32, #tpu.memory_space<vmem>>, vector<16xi32>,
      %mul3A_430 = arith.constant 8 : i32
      %mul3A_431 = arith.muli %scan3A_421, %mul3A_430 : i32
      %add3A_432 = arith.constant 1 : i32
      %add3A_433 = arith.addi %mul3A_431, %add3A_432 : i32
      %mul3A_434 = arith.constant 16 : i32
      %mul3A_435 = arith.muli %add3A_433, %mul3A_434 : i32
      %get3A_436 = arith.index_cast %mul3A_435 : i32 to index
      %get3A_437 = tpu.vector_load %arg9[%get3A_436] {strides = array<i32>} : memref<16384xi32, #tpu.memory_space<vmem>>, vector<16xi32>,
      %mul3A_438 = arith.constant 8 : i32
      %mul3A_439 = arith.muli %scan3A_421, %mul3A_438 : i32
      %add3A_440 = arith.constant 2 : i32
      %add3A_441 = arith.addi %mul3A_439, %add3A_440 : i32
      %mul3A_442 = arith.constant 16 : i32
      %mul3A_443 = arith.muli %add3A_441, %mul3A_442 : i32
      %get3A_444 = arith.index_cast %mul3A_443 : i32 to index
      %get3A_445 = tpu.vector_load %arg9[%get3A_444] {strides = array<i32>} : memref<16384xi32, #tpu.memory_space<vmem>>, vector<16xi32>,
      %mul3A_446 = arith.constant 8 : i32
      %mul3A_447 = arith.muli %scan3A_421, %mul3A_446 : i32
      %add3A_448 = arith.constant 3 : i32
      %add3A_449 = arith.addi %mul3A_447, %add3A_448 : i32
      %mul3A_450 = arith.constant 16 : i32
      %mul3A_451 = arith.muli %add3A_449, %mul3A_450 : i32
      %get3A_452 = arith.index_cast %mul3A_451 : i32 to index
      %get3A_453 = tpu.vector_load %arg9[%get3A_452] {strides = array<i32>} : memref<16384xi32, #tpu.memory_space<vmem>>, vector<16xi32>,
      %mul3A_454 = arith.constant 8 : i32
      %mul3A_455 = arith.muli %scan3A_421, %mul3A_454 : i32
      %add3A_456 = arith.constant 4 : i32
      %add3A_457 = arith.addi %mul3A_455, %add3A_456 : i32
      %mul3A_458 = arith.constant 16 : i32
      %mul3A_459 = arith.muli %add3A_457, %mul3A_458 : i32
      %get3A_460 = arith.index_cast %mul3A_459 : i32 to index
      %get3A_461 = tpu.vector_load %arg9[%get3A_460] {strides = array<i32>} : memref<16384xi32, #tpu.memory_space<vmem>>, vector<16xi32>,
      %mul3A_462 = arith.constant 8 : i32
      %mul3A_463 = arith.muli %scan3A_421, %mul3A_462 : i32
      %add3A_464 = arith.constant 5 : i32
      %add3A_465 = arith.addi %mul3A_463, %add3A_464 : i32
      %mul3A_466 = arith.constant 16 : i32
      %mul3A_467 = arith.muli %add3A_465, %mul3A_466 : i32
      %get3A_468 = arith.index_cast %mul3A_467 : i32 to index
      %get3A_469 = tpu.vector_load %arg9[%get3A_468] {strides = array<i32>} : memref<16384xi32, #tpu.memory_space<vmem>>, vector<16xi32>,
      %mul3A_470 = arith.constant 8 : i32
      %mul3A_471 = arith.muli %scan3A_421, %mul3A_470 : i32
      %add3A_472 = arith.constant 6 : i32
      %add3A_473 = arith.addi %mul3A_471, %add3A_472 : i32
      %mul3A_474 = arith.constant 16 : i32
      %mul3A_475 = arith.muli %add3A_473, %mul3A_474 : i32
      %get3A_476 = arith.index_cast %mul3A_475 : i32 to index
      %get3A_477 = tpu.vector_load %arg9[%get3A_476] {strides = array<i32>} : memref<16384xi32, #tpu.memory_space<vmem>>, vector<16xi32>,
      %mul3A_478 = arith.constant 8 : i32
      %mul3A_479 = arith.muli %scan3A_421, %mul3A_478 : i32
      %add3A_480 = arith.constant 7 : i32
      %add3A_481 = arith.addi %mul3A_479, %add3A_480 : i32
      %mul3A_482 = arith.constant 16 : i32
      %mul3A_483 = arith.muli %add3A_481, %mul3A_482 : i32
      %get3A_484 = arith.index_cast %mul3A_483 : i32 to index
      %get3A_485 = tpu.vector_load %arg9[%get3A_484] {strides = array<i32>} : memref<16384xi32, #tpu.memory_space<vmem>>, vector<16xi32>,
      %shift_right_logical3A = arith.constant 0 : i32
      %shift_right_logical3A_486 = vector.broadcast %shift_right_logical3A : i32 to vector<16xi32>
      %shift_right_logical3A_487 = arith.shrui %get3A_429, %shift_right_logical3A_486 : vector<16xi32>
      %and3A_488 = arith.constant 255 : i32
      %and3A_489 = vector.broadcast %and3A_488 : i32 to vector<16xi32>
      %and3A_490 = arith.andi %shift_right_logical3A_487, %and3A_489 : vector<16xi32>
      %shift_left3A_491 = arith.constant 4 : i32
      %shift_left3A_492 = vector.broadcast %shift_left3A_491 : i32 to vector<16xi32>
      %shift_left3A_493 = arith.shli %and3A_490, %shift_left3A_492 : vector<16xi32>
      %or3A_494 = arith.ori %shift_left3A_493, %iota3A : vector<16xi32>
      %shift_right_logical3A_495 = arith.constant 0 : i32
      %shift_right_logical3A_496 = vector.broadcast %shift_right_logical3A_495 : i32 to vector<16xi32>
      %shift_right_logical3A_497 = arith.shrui %get3A_437, %shift_right_logical3A_496 : vector<16xi32>
      %and3A_498 = arith.constant 255 : i32
      %and3A_499 = vector.broadcast %and3A_498 : i32 to vector<16xi32>
      %and3A_500 = arith.andi %shift_right_logical3A_497, %and3A_499 : vector<16xi32>
      %shift_left3A_501 = arith.constant 4 : i32
      %shift_left3A_502 = vector.broadcast %shift_left3A_501 : i32 to vector<16xi32>
      %shift_left3A_503 = arith.shli %and3A_500, %shift_left3A_502 : vector<16xi32>
      %or3A_504 = arith.ori %shift_left3A_503, %iota3A : vector<16xi32>
      %shift_right_logical3A_505 = arith.constant 0 : i32
      %shift_right_logical3A_506 = vector.broadcast %shift_right_logical3A_505 : i32 to vector<16xi32>
      %shift_right_logical3A_507 = arith.shrui %get3A_445, %shift_right_logical3A_506 : vector<16xi32>
      %and3A_508 = arith.constant 255 : i32
      %and3A_509 = vector.broadcast %and3A_508 : i32 to vector<16xi32>
      %and3A_510 = arith.andi %shift_right_logical3A_507, %and3A_509 : vector<16xi32>
      %shift_left3A_511 = arith.constant 4 : i32
      %shift_left3A_512 = vector.broadcast %shift_left3A_511 : i32 to vector<16xi32>
      %shift_left3A_513 = arith.shli %and3A_510, %shift_left3A_512 : vector<16xi32>
      %or3A_514 = arith.ori %shift_left3A_513, %iota3A : vector<16xi32>
      %shift_right_logical3A_515 = arith.constant 0 : i32
      %shift_right_logical3A_516 = vector.broadcast %shift_right_logical3A_515 : i32 to vector<16xi32>
      %shift_right_logical3A_517 = arith.shrui %get3A_453, %shift_right_logical3A_516 : vector<16xi32>
      %and3A_518 = arith.constant 255 : i32
      %and3A_519 = vector.broadcast %and3A_518 : i32 to vector<16xi32>
      %and3A_520 = arith.andi %shift_right_logical3A_517, %and3A_519 : vector<16xi32>
      %shift_left3A_521 = arith.constant 4 : i32
      %shift_left3A_522 = vector.broadcast %shift_left3A_521 : i32 to vector<16xi32>
      %shift_left3A_523 = arith.shli %and3A_520, %shift_left3A_522 : vector<16xi32>
      %or3A_524 = arith.ori %shift_left3A_523, %iota3A : vector<16xi32>
      %shift_right_logical3A_525 = arith.constant 0 : i32
      %shift_right_logical3A_526 = vector.broadcast %shift_right_logical3A_525 : i32 to vector<16xi32>
      %shift_right_logical3A_527 = arith.shrui %get3A_461, %shift_right_logical3A_526 : vector<16xi32>
      %and3A_528 = arith.constant 255 : i32
      %and3A_529 = vector.broadcast %and3A_528 : i32 to vector<16xi32>
      %and3A_530 = arith.andi %shift_right_logical3A_527, %and3A_529 : vector<16xi32>
      %shift_left3A_531 = arith.constant 4 : i32
      %shift_left3A_532 = vector.broadcast %shift_left3A_531 : i32 to vector<16xi32>
      %shift_left3A_533 = arith.shli %and3A_530, %shift_left3A_532 : vector<16xi32>
      %or3A_534 = arith.ori %shift_left3A_533, %iota3A : vector<16xi32>
      %shift_right_logical3A_535 = arith.constant 0 : i32
      %shift_right_logical3A_536 = vector.broadcast %shift_right_logical3A_535 : i32 to vector<16xi32>
      %shift_right_logical3A_537 = arith.shrui %get3A_469, %shift_right_logical3A_536 : vector<16xi32>
      %and3A_538 = arith.constant 255 : i32
      %and3A_539 = vector.broadcast %and3A_538 : i32 to vector<16xi32>
      %and3A_540 = arith.andi %shift_right_logical3A_537, %and3A_539 : vector<16xi32>
      %shift_left3A_541 = arith.constant 4 : i32
      %shift_left3A_542 = vector.broadcast %shift_left3A_541 : i32 to vector<16xi32>
      %shift_left3A_543 = arith.shli %and3A_540, %shift_left3A_542 : vector<16xi32>
      %or3A_544 = arith.ori %shift_left3A_543, %iota3A : vector<16xi32>
      %shift_right_logical3A_545 = arith.constant 0 : i32
      %shift_right_logical3A_546 = vector.broadcast %shift_right_logical3A_545 : i32 to vector<16xi32>
      %shift_right_logical3A_547 = arith.shrui %get3A_477, %shift_right_logical3A_546 : vector<16xi32>
      %and3A_548 = arith.constant 255 : i32
      %and3A_549 = vector.broadcast %and3A_548 : i32 to vector<16xi32>
      %and3A_550 = arith.andi %shift_right_logical3A_547, %and3A_549 : vector<16xi32>
      %shift_left3A_551 = arith.constant 4 : i32
      %shift_left3A_552 = vector.broadcast %shift_left3A_551 : i32 to vector<16xi32>
      %shift_left3A_553 = arith.shli %and3A_550, %shift_left3A_552 : vector<16xi32>
      %or3A_554 = arith.ori %shift_left3A_553, %iota3A : vector<16xi32>
      %shift_right_logical3A_555 = arith.constant 0 : i32
      %shift_right_logical3A_556 = vector.broadcast %shift_right_logical3A_555 : i32 to vector<16xi32>
      %shift_right_logical3A_557 = arith.shrui %get3A_485, %shift_right_logical3A_556 : vector<16xi32>
      %and3A_558 = arith.constant 255 : i32
      %and3A_559 = vector.broadcast %and3A_558 : i32 to vector<16xi32>
      %and3A_560 = arith.andi %shift_right_logical3A_557, %and3A_559 : vector<16xi32>
      %shift_left3A_561 = arith.constant 4 : i32
      %shift_left3A_562 = vector.broadcast %shift_left3A_561 : i32 to vector<16xi32>
      %shift_left3A_563 = arith.shli %and3A_560, %shift_left3A_562 : vector<16xi32>
      %or3A_564 = arith.ori %shift_left3A_563, %iota3A : vector<16xi32>
      %shift_right_logical3A_565 = arith.constant 8 : i32
      %shift_right_logical3A_566 = vector.broadcast %shift_right_logical3A_565 : i32 to vector<16xi32>
      %shift_right_logical3A_567 = arith.shrui %get3A_429, %shift_right_logical3A_566 : vector<16xi32>
      %eq3A_568 = arith.cmpi eq, %shift_right_logical3A_567, %broadcast_in_dim3A_278 : vector<16xi32>
      %shift_right_logical3A_569 = arith.constant 8 : i32
      %shift_right_logical3A_570 = vector.broadcast %shift_right_logical3A_569 : i32 to vector<16xi32>
      %shift_right_logical3A_571 = arith.shrui %get3A_437, %shift_right_logical3A_570 : vector<16xi32>
      %eq3A_572 = arith.cmpi eq, %shift_right_logical3A_571, %broadcast_in_dim3A_278 : vector<16xi32>
      %shift_right_logical3A_573 = arith.constant 8 : i32
      %shift_right_logical3A_574 = vector.broadcast %shift_right_logical3A_573 : i32 to vector<16xi32>
      %shift_right_logical3A_575 = arith.shrui %get3A_445, %shift_right_logical3A_574 : vector<16xi32>
      %eq3A_576 = arith.cmpi eq, %shift_right_logical3A_575, %broadcast_in_dim3A_278 : vector<16xi32>
      %shift_right_logical3A_577 = arith.constant 8 : i32
      %shift_right_logical3A_578 = vector.broadcast %shift_right_logical3A_577 : i32 to vector<16xi32>
      %shift_right_logical3A_579 = arith.shrui %get3A_453, %shift_right_logical3A_578 : vector<16xi32>
      %eq3A_580 = arith.cmpi eq, %shift_right_logical3A_579, %broadcast_in_dim3A_278 : vector<16xi32>
      %shift_right_logical3A_581 = arith.constant 8 : i32
      %shift_right_logical3A_582 = vector.broadcast %shift_right_logical3A_581 : i32 to vector<16xi32>
      %shift_right_logical3A_583 = arith.shrui %get3A_461, %shift_right_logical3A_582 : vector<16xi32>
      %eq3A_584 = arith.cmpi eq, %shift_right_logical3A_583, %broadcast_in_dim3A_278 : vector<16xi32>
      %shift_right_logical3A_585 = arith.constant 8 : i32
      %shift_right_logical3A_586 = vector.broadcast %shift_right_logical3A_585 : i32 to vector<16xi32>
      %shift_right_logical3A_587 = arith.shrui %get3A_469, %shift_right_logical3A_586 : vector<16xi32>
      %eq3A_588 = arith.cmpi eq, %shift_right_logical3A_587, %broadcast_in_dim3A_278 : vector<16xi32>
      %shift_right_logical3A_589 = arith.constant 8 : i32
      %shift_right_logical3A_590 = vector.broadcast %shift_right_logical3A_589 : i32 to vector<16xi32>
      %shift_right_logical3A_591 = arith.shrui %get3A_477, %shift_right_logical3A_590 : vector<16xi32>
      %eq3A_592 = arith.cmpi eq, %shift_right_logical3A_591, %broadcast_in_dim3A_278 : vector<16xi32>
      %shift_right_logical3A_593 = arith.constant 8 : i32
      %shift_right_logical3A_594 = vector.broadcast %shift_right_logical3A_593 : i32 to vector<16xi32>
      %shift_right_logical3A_595 = arith.shrui %get3A_485, %shift_right_logical3A_594 : vector<16xi32>
      %eq3A_596 = arith.cmpi eq, %shift_right_logical3A_595, %broadcast_in_dim3A_278 : vector<16xi32>
      tpu.vector_store_idx %arg10[%or3A_494], %broadcast_in_dim3A_5 masked %eq3A_568 {add = true} : memref<4096xi32, #tpu.memory_space<vmem>>[vector<16xi32>], vector<16xi32>, vector<16xi1>
      tpu.vector_store_idx %arg10[%or3A_504], %broadcast_in_dim3A_5 masked %eq3A_572 {add = true} : memref<4096xi32, #tpu.memory_space<vmem>>[vector<16xi32>], vector<16xi32>, vector<16xi1>
      tpu.vector_store_idx %arg10[%or3A_514], %broadcast_in_dim3A_5 masked %eq3A_576 {add = true} : memref<4096xi32, #tpu.memory_space<vmem>>[vector<16xi32>], vector<16xi32>, vector<16xi1>
      tpu.vector_store_idx %arg10[%or3A_524], %broadcast_in_dim3A_5 masked %eq3A_580 {add = true} : memref<4096xi32, #tpu.memory_space<vmem>>[vector<16xi32>], vector<16xi32>, vector<16xi1>
      tpu.vector_store_idx %arg10[%or3A_534], %broadcast_in_dim3A_5 masked %eq3A_584 {add = true} : memref<4096xi32, #tpu.memory_space<vmem>>[vector<16xi32>], vector<16xi32>, vector<16xi1>
      tpu.vector_store_idx %arg10[%or3A_544], %broadcast_in_dim3A_5 masked %eq3A_588 {add = true} : memref<4096xi32, #tpu.memory_space<vmem>>[vector<16xi32>], vector<16xi32>, vector<16xi1>
      tpu.vector_store_idx %arg10[%or3A_554], %broadcast_in_dim3A_5 masked %eq3A_592 {add = true} : memref<4096xi32, #tpu.memory_space<vmem>>[vector<16xi32>], vector<16xi32>, vector<16xi1>
      tpu.vector_store_idx %arg10[%or3A_564], %broadcast_in_dim3A_5 masked %eq3A_596 {add = true} : memref<4096xi32, #tpu.memory_space<vmem>>[vector<16xi32>], vector<16xi32>, vector<16xi1>
      %scan3A_597 = arith.constant 0 : i32
      scf.yield %scan3A_597 : i32
    }
    %scan3A_292 = arith.constant 128 : i32
    %scan3A_293 = arith.constant 0 : i32
    %scan3A_294 = arith.constant 16 : i32
    %scan3A_295 = arith.addi %scan3A_293, %scan3A_294 : i32
    %scan3A_296 = arith.constant 1 : i32
    %scan3A_297 = scf.for %scan3A_421 = %scan3A_293 to %scan3A_295 step %scan3A_296 iter_args(%scan3A_422 = %broadcast_in_dim3A_7) -> (vector<16xi32>)  : i32 {
      %mul3A_423 = arith.constant 16 : i32
      %mul3A_424 = arith.muli %scan3A_421, %mul3A_423 : i32
      %add3A_425 = arith.constant 0 : i32
      %add3A_426 = arith.addi %mul3A_424, %add3A_425 : i32
      %mul3A_427 = arith.constant 16 : i32
      %mul3A_428 = arith.muli %add3A_426, %mul3A_427 : i32
      %get3A = arith.index_cast %mul3A_428 : i32 to index
      %get3A_429 = tpu.vector_load %arg10[%get3A] {strides = array<i32>} : memref<4096xi32, #tpu.memory_space<vmem>>, vector<16xi32>,
      %add3A_430 = arith.addi %broadcast_in_dim3A_7, %get3A_429 : vector<16xi32>
      %mul3A_431 = arith.constant 16 : i32
      %mul3A_432 = arith.muli %scan3A_421, %mul3A_431 : i32
      %add3A_433 = arith.constant 1 : i32
      %add3A_434 = arith.addi %mul3A_432, %add3A_433 : i32
      %mul3A_435 = arith.constant 16 : i32
      %mul3A_436 = arith.muli %add3A_434, %mul3A_435 : i32
      %get3A_437 = arith.index_cast %mul3A_436 : i32 to index
      %get3A_438 = tpu.vector_load %arg10[%get3A_437] {strides = array<i32>} : memref<4096xi32, #tpu.memory_space<vmem>>, vector<16xi32>,
      %add3A_439 = arith.addi %add3A_430, %get3A_438 : vector<16xi32>
      %mul3A_440 = arith.constant 16 : i32
      %mul3A_441 = arith.muli %scan3A_421, %mul3A_440 : i32
      %add3A_442 = arith.constant 2 : i32
      %add3A_443 = arith.addi %mul3A_441, %add3A_442 : i32
      %mul3A_444 = arith.constant 16 : i32
      %mul3A_445 = arith.muli %add3A_443, %mul3A_444 : i32
      %get3A_446 = arith.index_cast %mul3A_445 : i32 to index
      %get3A_447 = tpu.vector_load %arg10[%get3A_446] {strides = array<i32>} : memref<4096xi32, #tpu.memory_space<vmem>>, vector<16xi32>,
      %add3A_448 = arith.addi %add3A_439, %get3A_447 : vector<16xi32>
      %mul3A_449 = arith.constant 16 : i32
      %mul3A_450 = arith.muli %scan3A_421, %mul3A_449 : i32
      %add3A_451 = arith.constant 3 : i32
      %add3A_452 = arith.addi %mul3A_450, %add3A_451 : i32
      %mul3A_453 = arith.constant 16 : i32
      %mul3A_454 = arith.muli %add3A_452, %mul3A_453 : i32
      %get3A_455 = arith.index_cast %mul3A_454 : i32 to index
      %get3A_456 = tpu.vector_load %arg10[%get3A_455] {strides = array<i32>} : memref<4096xi32, #tpu.memory_space<vmem>>, vector<16xi32>,
      %add3A_457 = arith.addi %add3A_448, %get3A_456 : vector<16xi32>
      %mul3A_458 = arith.constant 16 : i32
      %mul3A_459 = arith.muli %scan3A_421, %mul3A_458 : i32
      %add3A_460 = arith.constant 4 : i32
      %add3A_461 = arith.addi %mul3A_459, %add3A_460 : i32
      %mul3A_462 = arith.constant 16 : i32
      %mul3A_463 = arith.muli %add3A_461, %mul3A_462 : i32
      %get3A_464 = arith.index_cast %mul3A_463 : i32 to index
      %get3A_465 = tpu.vector_load %arg10[%get3A_464] {strides = array<i32>} : memref<4096xi32, #tpu.memory_space<vmem>>, vector<16xi32>,
      %add3A_466 = arith.addi %add3A_457, %get3A_465 : vector<16xi32>
      %mul3A_467 = arith.constant 16 : i32
      %mul3A_468 = arith.muli %scan3A_421, %mul3A_467 : i32
      %add3A_469 = arith.constant 5 : i32
      %add3A_470 = arith.addi %mul3A_468, %add3A_469 : i32
      %mul3A_471 = arith.constant 16 : i32
      %mul3A_472 = arith.muli %add3A_470, %mul3A_471 : i32
      %get3A_473 = arith.index_cast %mul3A_472 : i32 to index
      %get3A_474 = tpu.vector_load %arg10[%get3A_473] {strides = array<i32>} : memref<4096xi32, #tpu.memory_space<vmem>>, vector<16xi32>,
      %add3A_475 = arith.addi %add3A_466, %get3A_474 : vector<16xi32>
      %mul3A_476 = arith.constant 16 : i32
      %mul3A_477 = arith.muli %scan3A_421, %mul3A_476 : i32
      %add3A_478 = arith.constant 6 : i32
      %add3A_479 = arith.addi %mul3A_477, %add3A_478 : i32
      %mul3A_480 = arith.constant 16 : i32
      %mul3A_481 = arith.muli %add3A_479, %mul3A_480 : i32
      %get3A_482 = arith.index_cast %mul3A_481 : i32 to index
      %get3A_483 = tpu.vector_load %arg10[%get3A_482] {strides = array<i32>} : memref<4096xi32, #tpu.memory_space<vmem>>, vector<16xi32>,
      %add3A_484 = arith.addi %add3A_475, %get3A_483 : vector<16xi32>
      %mul3A_485 = arith.constant 16 : i32
      %mul3A_486 = arith.muli %scan3A_421, %mul3A_485 : i32
      %add3A_487 = arith.constant 7 : i32
      %add3A_488 = arith.addi %mul3A_486, %add3A_487 : i32
      %mul3A_489 = arith.constant 16 : i32
      %mul3A_490 = arith.muli %add3A_488, %mul3A_489 : i32
      %get3A_491 = arith.index_cast %mul3A_490 : i32 to index
      %get3A_492 = tpu.vector_load %arg10[%get3A_491] {strides = array<i32>} : memref<4096xi32, #tpu.memory_space<vmem>>, vector<16xi32>,
      %add3A_493 = arith.addi %add3A_484, %get3A_492 : vector<16xi32>
      %mul3A_494 = arith.constant 16 : i32
      %mul3A_495 = arith.muli %scan3A_421, %mul3A_494 : i32
      %add3A_496 = arith.constant 8 : i32
      %add3A_497 = arith.addi %mul3A_495, %add3A_496 : i32
      %mul3A_498 = arith.constant 16 : i32
      %mul3A_499 = arith.muli %add3A_497, %mul3A_498 : i32
      %get3A_500 = arith.index_cast %mul3A_499 : i32 to index
      %get3A_501 = tpu.vector_load %arg10[%get3A_500] {strides = array<i32>} : memref<4096xi32, #tpu.memory_space<vmem>>, vector<16xi32>,
      %add3A_502 = arith.addi %add3A_493, %get3A_501 : vector<16xi32>
      %mul3A_503 = arith.constant 16 : i32
      %mul3A_504 = arith.muli %scan3A_421, %mul3A_503 : i32
      %add3A_505 = arith.constant 9 : i32
      %add3A_506 = arith.addi %mul3A_504, %add3A_505 : i32
      %mul3A_507 = arith.constant 16 : i32
      %mul3A_508 = arith.muli %add3A_506, %mul3A_507 : i32
      %get3A_509 = arith.index_cast %mul3A_508 : i32 to index
      %get3A_510 = tpu.vector_load %arg10[%get3A_509] {strides = array<i32>} : memref<4096xi32, #tpu.memory_space<vmem>>, vector<16xi32>,
      %add3A_511 = arith.addi %add3A_502, %get3A_510 : vector<16xi32>
      %mul3A_512 = arith.constant 16 : i32
      %mul3A_513 = arith.muli %scan3A_421, %mul3A_512 : i32
      %add3A_514 = arith.constant 10 : i32
      %add3A_515 = arith.addi %mul3A_513, %add3A_514 : i32
      %mul3A_516 = arith.constant 16 : i32
      %mul3A_517 = arith.muli %add3A_515, %mul3A_516 : i32
      %get3A_518 = arith.index_cast %mul3A_517 : i32 to index
      %get3A_519 = tpu.vector_load %arg10[%get3A_518] {strides = array<i32>} : memref<4096xi32, #tpu.memory_space<vmem>>, vector<16xi32>,
      %add3A_520 = arith.addi %add3A_511, %get3A_519 : vector<16xi32>
      %mul3A_521 = arith.constant 16 : i32
      %mul3A_522 = arith.muli %scan3A_421, %mul3A_521 : i32
      %add3A_523 = arith.constant 11 : i32
      %add3A_524 = arith.addi %mul3A_522, %add3A_523 : i32
      %mul3A_525 = arith.constant 16 : i32
      %mul3A_526 = arith.muli %add3A_524, %mul3A_525 : i32
      %get3A_527 = arith.index_cast %mul3A_526 : i32 to index
      %get3A_528 = tpu.vector_load %arg10[%get3A_527] {strides = array<i32>} : memref<4096xi32, #tpu.memory_space<vmem>>, vector<16xi32>,
      %add3A_529 = arith.addi %add3A_520, %get3A_528 : vector<16xi32>
      %mul3A_530 = arith.constant 16 : i32
      %mul3A_531 = arith.muli %scan3A_421, %mul3A_530 : i32
      %add3A_532 = arith.constant 12 : i32
      %add3A_533 = arith.addi %mul3A_531, %add3A_532 : i32
      %mul3A_534 = arith.constant 16 : i32
      %mul3A_535 = arith.muli %add3A_533, %mul3A_534 : i32
      %get3A_536 = arith.index_cast %mul3A_535 : i32 to index
      %get3A_537 = tpu.vector_load %arg10[%get3A_536] {strides = array<i32>} : memref<4096xi32, #tpu.memory_space<vmem>>, vector<16xi32>,
      %add3A_538 = arith.addi %add3A_529, %get3A_537 : vector<16xi32>
      %mul3A_539 = arith.constant 16 : i32
      %mul3A_540 = arith.muli %scan3A_421, %mul3A_539 : i32
      %add3A_541 = arith.constant 13 : i32
      %add3A_542 = arith.addi %mul3A_540, %add3A_541 : i32
      %mul3A_543 = arith.constant 16 : i32
      %mul3A_544 = arith.muli %add3A_542, %mul3A_543 : i32
      %get3A_545 = arith.index_cast %mul3A_544 : i32 to index
      %get3A_546 = tpu.vector_load %arg10[%get3A_545] {strides = array<i32>} : memref<4096xi32, #tpu.memory_space<vmem>>, vector<16xi32>,
      %add3A_547 = arith.addi %add3A_538, %get3A_546 : vector<16xi32>
      %mul3A_548 = arith.constant 16 : i32
      %mul3A_549 = arith.muli %scan3A_421, %mul3A_548 : i32
      %add3A_550 = arith.constant 14 : i32
      %add3A_551 = arith.addi %mul3A_549, %add3A_550 : i32
      %mul3A_552 = arith.constant 16 : i32
      %mul3A_553 = arith.muli %add3A_551, %mul3A_552 : i32
      %get3A_554 = arith.index_cast %mul3A_553 : i32 to index
      %get3A_555 = tpu.vector_load %arg10[%get3A_554] {strides = array<i32>} : memref<4096xi32, #tpu.memory_space<vmem>>, vector<16xi32>,
      %add3A_556 = arith.addi %add3A_547, %get3A_555 : vector<16xi32>
      %mul3A_557 = arith.constant 16 : i32
      %mul3A_558 = arith.muli %scan3A_421, %mul3A_557 : i32
      %add3A_559 = arith.constant 15 : i32
      %add3A_560 = arith.addi %mul3A_558, %add3A_559 : i32
      %mul3A_561 = arith.constant 16 : i32
      %mul3A_562 = arith.muli %add3A_560, %mul3A_561 : i32
      %get3A_563 = arith.index_cast %mul3A_562 : i32 to index
      %get3A_564 = tpu.vector_load %arg10[%get3A_563] {strides = array<i32>} : memref<4096xi32, #tpu.memory_space<vmem>>, vector<16xi32>,
      %add3A_565 = arith.addi %add3A_556, %get3A_564 : vector<16xi32>
      %reduce_sum3A_566 = arith.constant true
      %reduce_sum3A_567 = vector.broadcast %reduce_sum3A_566 : i1 to vector<16xi1>
      %reduce_sum3A_568 = tpu.scan <sum>, %add3A_565 masked %reduce_sum3A_567 : vector<16xi32>, vector<16xi1> -> vector<16xi32>
      %reduce_sum3A_569 = vector.extract %reduce_sum3A_568[15] : i32 from vector<16xi32>
      %broadcast_in_dim3A_570 = vector.broadcast %scan3A_421 : i32 to vector<16xi32>
      %eq3A_571 = arith.cmpi eq, %iota3A, %broadcast_in_dim3A_570 : vector<16xi32>
      %broadcast_in_dim3A_572 = vector.broadcast %reduce_sum3A_569 : i32 to vector<16xi32>
      %select_n3A_573 = arith.select %eq3A_571, %broadcast_in_dim3A_572, %broadcast_in_dim3A_7 : vector<16xi1>, vector<16xi32>
      %add3A_574 = arith.addi %scan3A_422, %select_n3A_573 : vector<16xi32>
      scf.yield %add3A_574 : vector<16xi32>
    }
    %scan3A_298 = arith.constant 16 : i32
    %broadcast_in_dim3A_299 = vector.broadcast %sub3A_277 : i32 to vector<16xi32>
    %broadcast_in_dim3A_300 = arith.constant true
    %broadcast_in_dim3A_301 = vector.broadcast %broadcast_in_dim3A_300 : i1 to vector<16xi1>
    %masked_cumsum3A_302 = tpu.scan <sum>, %scan3A_297 masked %broadcast_in_dim3A_301 : vector<16xi32>, vector<16xi1> -> vector<16xi32>
    %reduce_sum3A_303 = arith.constant true
    %reduce_sum3A_304 = vector.broadcast %reduce_sum3A_303 : i1 to vector<16xi1>
    %reduce_sum3A_305 = tpu.scan <sum>, %scan3A_297 masked %reduce_sum3A_304 : vector<16xi32>, vector<16xi1> -> vector<16xi32>
    %reduce_sum3A_306 = vector.extract %reduce_sum3A_305[15] : i32 from vector<16xi32>
    %broadcast_in_dim3A_307 = vector.broadcast %reduce_sum3A_306 : i32 to vector<16xi32>
    %sub3A_308 = arith.subi %broadcast_in_dim3A_307, %masked_cumsum3A_302 : vector<16xi32>
    %lt3A_309 = arith.cmpi slt, %sub3A_308, %broadcast_in_dim3A_299 : vector<16xi32>
    %add3A_310 = arith.addi %sub3A_308, %scan3A_297 : vector<16xi32>
    %ge3A_311 = arith.cmpi sge, %add3A_310, %broadcast_in_dim3A_299 : vector<16xi32>
    %and3A_312 = arith.andi %lt3A_309, %ge3A_311 : vector<16xi1>
    %select_n3A_313 = arith.select %and3A_312, %iota3A, %broadcast_in_dim3A_7 : vector<16xi1>, vector<16xi32>
    %reduce_sum3A_314 = arith.constant true
    %reduce_sum3A_315 = vector.broadcast %reduce_sum3A_314 : i1 to vector<16xi1>
    %reduce_sum3A_316 = tpu.scan <sum>, %select_n3A_313 masked %reduce_sum3A_315 : vector<16xi32>, vector<16xi1> -> vector<16xi32>
    %reduce_sum3A_317 = vector.extract %reduce_sum3A_316[15] : i32 from vector<16xi32>
    %select_n3A_318 = arith.select %and3A_312, %sub3A_308, %broadcast_in_dim3A_7 : vector<16xi1>, vector<16xi32>
    %reduce_sum3A_319 = arith.constant true
    %reduce_sum3A_320 = vector.broadcast %reduce_sum3A_319 : i1 to vector<16xi1>
    %reduce_sum3A_321 = tpu.scan <sum>, %select_n3A_318 masked %reduce_sum3A_320 : vector<16xi32>, vector<16xi1> -> vector<16xi32>
    %reduce_sum3A_322 = vector.extract %reduce_sum3A_321[15] : i32 from vector<16xi32>
    %scan3A_323 = arith.constant 0 : i32
    %scan3A_324 = arith.constant 16 : i32
    %scan3A_325 = arith.addi %scan3A_323, %scan3A_324 : i32
    %scan3A_326 = arith.constant 1 : i32
    %scan3A_327 = scf.for %scan3A_421 = %scan3A_323 to %scan3A_325 step %scan3A_326 iter_args(%scan3A_422 = %broadcast_in_dim3A_7) -> (vector<16xi32>)  : i32 {
      %mul3A_423 = arith.constant 16 : i32
      %mul3A_424 = arith.muli %reduce_sum3A_317, %mul3A_423 : i32
      %add3A_425 = arith.addi %mul3A_424, %scan3A_421 : i32
      %mul3A_426 = arith.constant 16 : i32
      %mul3A_427 = arith.muli %add3A_425, %mul3A_426 : i32
      %get3A = arith.index_cast %mul3A_427 : i32 to index
      %get3A_428 = tpu.vector_load %arg10[%get3A] {strides = array<i32>} : memref<4096xi32, #tpu.memory_space<vmem>>, vector<16xi32>,
      %reduce_sum3A_429 = arith.constant true
      %reduce_sum3A_430 = vector.broadcast %reduce_sum3A_429 : i1 to vector<16xi1>
      %reduce_sum3A_431 = tpu.scan <sum>, %get3A_428 masked %reduce_sum3A_430 : vector<16xi32>, vector<16xi1> -> vector<16xi32>
      %reduce_sum3A_432 = vector.extract %reduce_sum3A_431[15] : i32 from vector<16xi32>
      %broadcast_in_dim3A_433 = vector.broadcast %scan3A_421 : i32 to vector<16xi32>
      %eq3A_434 = arith.cmpi eq, %iota3A, %broadcast_in_dim3A_433 : vector<16xi32>
      %broadcast_in_dim3A_435 = vector.broadcast %reduce_sum3A_432 : i32 to vector<16xi32>
      %select_n3A_436 = arith.select %eq3A_434, %broadcast_in_dim3A_435, %broadcast_in_dim3A_7 : vector<16xi1>, vector<16xi32>
      %add3A_437 = arith.addi %scan3A_422, %select_n3A_436 : vector<16xi32>
      scf.yield %add3A_437 : vector<16xi32>
    }
    %scan3A_328 = arith.constant 16 : i32
    %broadcast_in_dim3A_329 = arith.constant true
    %broadcast_in_dim3A_330 = vector.broadcast %broadcast_in_dim3A_329 : i1 to vector<16xi1>
    %masked_cumsum3A_331 = tpu.scan <sum>, %scan3A_327 masked %broadcast_in_dim3A_330 : vector<16xi32>, vector<16xi1> -> vector<16xi32>
    %reduce_sum3A_332 = arith.constant true
    %reduce_sum3A_333 = vector.broadcast %reduce_sum3A_332 : i1 to vector<16xi1>
    %reduce_sum3A_334 = tpu.scan <sum>, %scan3A_327 masked %reduce_sum3A_333 : vector<16xi32>, vector<16xi1> -> vector<16xi32>
    %reduce_sum3A_335 = vector.extract %reduce_sum3A_334[15] : i32 from vector<16xi32>
    %add3A_336 = arith.addi %reduce_sum3A_322, %reduce_sum3A_335 : i32
    %broadcast_in_dim3A_337 = vector.broadcast %add3A_336 : i32 to vector<16xi32>
    %sub3A_338 = arith.subi %broadcast_in_dim3A_337, %masked_cumsum3A_331 : vector<16xi32>
    %lt3A_339 = arith.cmpi slt, %sub3A_338, %broadcast_in_dim3A_299 : vector<16xi32>
    %add3A_340 = arith.addi %sub3A_338, %scan3A_327 : vector<16xi32>
    %ge3A_341 = arith.cmpi sge, %add3A_340, %broadcast_in_dim3A_299 : vector<16xi32>
    %and3A_342 = arith.andi %lt3A_339, %ge3A_341 : vector<16xi1>
    %select_n3A_343 = arith.select %and3A_342, %iota3A, %broadcast_in_dim3A_7 : vector<16xi1>, vector<16xi32>
    %reduce_sum3A_344 = arith.constant true
    %reduce_sum3A_345 = vector.broadcast %reduce_sum3A_344 : i1 to vector<16xi1>
    %reduce_sum3A_346 = tpu.scan <sum>, %select_n3A_343 masked %reduce_sum3A_345 : vector<16xi32>, vector<16xi1> -> vector<16xi32>
    %reduce_sum3A_347 = vector.extract %reduce_sum3A_346[15] : i32 from vector<16xi32>
    %select_n3A_348 = arith.select %and3A_342, %sub3A_338, %broadcast_in_dim3A_7 : vector<16xi1>, vector<16xi32>
    %reduce_sum3A_349 = arith.constant true
    %reduce_sum3A_350 = vector.broadcast %reduce_sum3A_349 : i1 to vector<16xi1>
    %reduce_sum3A_351 = tpu.scan <sum>, %select_n3A_348 masked %reduce_sum3A_350 : vector<16xi32>, vector<16xi1> -> vector<16xi32>
    %reduce_sum3A_352 = vector.extract %reduce_sum3A_351[15] : i32 from vector<16xi32>
    %shift_left3A_353 = arith.constant 8 : i32
    %shift_left3A_354 = arith.shli %or3A_276, %shift_left3A_353 : i32
    %mul3A_355 = arith.constant 16 : i32
    %mul3A_356 = arith.muli %reduce_sum3A_317, %mul3A_355 : i32
    %add3A_357 = arith.addi %mul3A_356, %reduce_sum3A_347 : i32
    %or3A_358 = arith.ori %shift_left3A_354, %add3A_357 : i32
    %sub3A_359 = arith.subi %sub3A_277, %reduce_sum3A_352 : i32
    %xor3A = arith.constant -2147483648 : i32
    %xor3A_360 = arith.xori %or3A_358, %xor3A : i32
    %broadcast_in_dim3A_361 = vector.broadcast %xor3A_360 : i32 to vector<16xi32>
    %mul3A_362 = arith.constant 3 : i32
    %mul3A_363 = arith.muli %reduce_sum3A_19, %mul3A_362 : i32
    %min3A_364 = arith.minsi %mul3A_363, %reduce_sum3A_23 : i32
    %eq3A_365 = arith.constant 0 : i32
    %eq3A_366 = arith.cmpi eq, %min3A_364, %eq3A_365 : i32
    %convert_element_type3A_367 = arith.extui %eq3A_366 : i1 to i32
    %broadcast_in_dim3A_368 = vector.broadcast %convert_element_type3A_367 : i32 to vector<16xi32>
    %gt3A_369 = arith.constant 0 : i32
    %gt3A_370 = vector.broadcast %gt3A_369 : i32 to vector<16xi32>
    %gt3A_371 = arith.cmpi sgt, %broadcast_in_dim3A_368, %gt3A_370 : vector<16xi32>
    %broadcast_in_dim3A_372 = arith.constant 0.000000e+00 : f32
    %broadcast_in_dim3A_373 = vector.broadcast %broadcast_in_dim3A_372 : f32 to vector<16xf32>
    %scan3A_374 = arith.constant 0 : i32
    %scan3A_375 = arith.constant 256 : i32
    %scan3A_376 = arith.addi %scan3A_374, %scan3A_375 : i32
    %scan3A_377 = arith.constant 1 : i32
    %scan3A_378:3 = scf.for %scan3A_421 = %scan3A_374 to %scan3A_376 step %scan3A_377 iter_args(%scan3A_422 = %broadcast_in_dim3A_373, %scan3A_423 = %broadcast_in_dim3A_373, %scan3A_424 = %broadcast_in_dim3A_373) -> (vector<16xf32>, vector<16xf32>, vector<16xf32>)  : i32 {
      %mul3A_425 = arith.constant 4 : i32
      %mul3A_426 = arith.muli %scan3A_421, %mul3A_425 : i32
      %add3A_427 = arith.constant 0 : i32
      %add3A_428 = arith.addi %mul3A_426, %add3A_427 : i32
      %mul3A_429 = arith.constant 16 : i32
      %mul3A_430 = arith.muli %add3A_428, %mul3A_429 : i32
      %mul3A_431 = arith.constant 4 : i32
      %mul3A_432 = arith.muli %scan3A_421, %mul3A_431 : i32
      %add3A_433 = arith.constant 1 : i32
      %add3A_434 = arith.addi %mul3A_432, %add3A_433 : i32
      %mul3A_435 = arith.constant 16 : i32
      %mul3A_436 = arith.muli %add3A_434, %mul3A_435 : i32
      %mul3A_437 = arith.constant 4 : i32
      %mul3A_438 = arith.muli %scan3A_421, %mul3A_437 : i32
      %add3A_439 = arith.constant 2 : i32
      %add3A_440 = arith.addi %mul3A_438, %add3A_439 : i32
      %mul3A_441 = arith.constant 16 : i32
      %mul3A_442 = arith.muli %add3A_440, %mul3A_441 : i32
      %mul3A_443 = arith.constant 4 : i32
      %mul3A_444 = arith.muli %scan3A_421, %mul3A_443 : i32
      %add3A_445 = arith.constant 3 : i32
      %add3A_446 = arith.addi %mul3A_444, %add3A_445 : i32
      %mul3A_447 = arith.constant 16 : i32
      %mul3A_448 = arith.muli %add3A_446, %mul3A_447 : i32
      %get3A = arith.index_cast %mul3A_430 : i32 to index
      %get3A_449 = tpu.vector_load %arg7[%get3A] {strides = array<i32>} : memref<16384xf32, #tpu.memory_space<vmem>>, vector<16xf32>,
      %get3A_450 = arith.index_cast %mul3A_436 : i32 to index
      %get3A_451 = tpu.vector_load %arg7[%get3A_450] {strides = array<i32>} : memref<16384xf32, #tpu.memory_space<vmem>>, vector<16xf32>,
      %get3A_452 = arith.index_cast %mul3A_442 : i32 to index
      %get3A_453 = tpu.vector_load %arg7[%get3A_452] {strides = array<i32>} : memref<16384xf32, #tpu.memory_space<vmem>>, vector<16xf32>,
      %get3A_454 = arith.index_cast %mul3A_448 : i32 to index
      %get3A_455 = tpu.vector_load %arg7[%get3A_454] {strides = array<i32>} : memref<16384xf32, #tpu.memory_space<vmem>>, vector<16xf32>,
      %get3A_456 = arith.index_cast %mul3A_430 : i32 to index
      %get3A_457 = tpu.vector_load %arg8[%get3A_456] {strides = array<i32>} : memref<16384xf32, #tpu.memory_space<vmem>>, vector<16xf32>,
      %get3A_458 = arith.index_cast %mul3A_436 : i32 to index
      %get3A_459 = tpu.vector_load %arg8[%get3A_458] {strides = array<i32>} : memref<16384xf32, #tpu.memory_space<vmem>>, vector<16xf32>,
      %get3A_460 = arith.index_cast %mul3A_442 : i32 to index
      %get3A_461 = tpu.vector_load %arg8[%get3A_460] {strides = array<i32>} : memref<16384xf32, #tpu.memory_space<vmem>>, vector<16xf32>,
      %get3A_462 = arith.index_cast %mul3A_448 : i32 to index
      %get3A_463 = tpu.vector_load %arg8[%get3A_462] {strides = array<i32>} : memref<16384xf32, #tpu.memory_space<vmem>>, vector<16xf32>,
      %get3A_464 = arith.index_cast %mul3A_430 : i32 to index
      %get3A_465 = tpu.vector_load %arg6[%get3A_464] {strides = array<i32>} : memref<16384xf32, #tpu.memory_space<vmem>>, vector<16xf32>,
      %get3A_466 = arith.index_cast %mul3A_436 : i32 to index
      %get3A_467 = tpu.vector_load %arg6[%get3A_466] {strides = array<i32>} : memref<16384xf32, #tpu.memory_space<vmem>>, vector<16xf32>,
      %get3A_468 = arith.index_cast %mul3A_442 : i32 to index
      %get3A_469 = tpu.vector_load %arg6[%get3A_468] {strides = array<i32>} : memref<16384xf32, #tpu.memory_space<vmem>>, vector<16xf32>,
      %get3A_470 = arith.index_cast %mul3A_448 : i32 to index
      %get3A_471 = tpu.vector_load %arg6[%get3A_470] {strides = array<i32>} : memref<16384xf32, #tpu.memory_space<vmem>>, vector<16xf32>,
      %bitcast_convert_type3A_472 = tpu.bitcast %get3A_465 : vector<16xf32> -> vector<16xi32>
      %shift_right_arithmetic3A_473 = arith.constant 31 : i32
      %shift_right_arithmetic3A_474 = vector.broadcast %shift_right_arithmetic3A_473 : i32 to vector<16xi32>
      %shift_right_arithmetic3A_475 = arith.shrsi %bitcast_convert_type3A_472, %shift_right_arithmetic3A_474 : vector<16xi32>
      %and3A_476 = arith.constant 2147483647 : i32
      %and3A_477 = vector.broadcast %and3A_476 : i32 to vector<16xi32>
      %and3A_478 = arith.andi %shift_right_arithmetic3A_475, %and3A_477 : vector<16xi32>
      %xor3A_479 = arith.xori %bitcast_convert_type3A_472, %and3A_478 : vector<16xi32>
      %ge3A_480 = arith.cmpi sge, %xor3A_479, %broadcast_in_dim3A_361 : vector<16xi32>
      %gt3A_481 = arith.constant 5.000000e-01 : f32
      %gt3A_482 = vector.broadcast %gt3A_481 : f32 to vector<16xf32>
      %gt3A_483 = arith.cmpf ogt, %get3A_449, %gt3A_482 : vector<16xf32>
      %or3A_484 = arith.ori %ge3A_480, %gt3A_483 : vector<16xi1>
      %gt3A_485 = arith.constant 5.000000e-01 : f32
      %gt3A_486 = vector.broadcast %gt3A_485 : f32 to vector<16xf32>
      %gt3A_487 = arith.cmpf ogt, %get3A_457, %gt3A_486 : vector<16xf32>
      %and3A_488 = arith.andi %or3A_484, %gt3A_487 : vector<16xi1>
      %jit3A = arith.constant 1.000000e+00 : f32
      %jit3A_489 = arith.constant 0.000000e+00 : f32
      %broadcast_in_dim3A_490 = vector.broadcast %jit3A : f32 to vector<16xf32>
      %broadcast_in_dim3A_491 = vector.broadcast %jit3A_489 : f32 to vector<16xf32>
      %select_n3A_492 = arith.select %and3A_488, %broadcast_in_dim3A_490, %broadcast_in_dim3A_491 : vector<16xi1>, vector<16xf32>
      %select_n3A_493 = arith.select %gt3A_371, %get3A_457, %select_n3A_492 : vector<16xi1>, vector<16xf32>
      %jit3A_494 = arith.constant 1.000000e+00 : f32
      %jit3A_495 = arith.constant 0.000000e+00 : f32
      %broadcast_in_dim3A_496 = vector.broadcast %jit3A_494 : f32 to vector<16xf32>
      %broadcast_in_dim3A_497 = vector.broadcast %jit3A_495 : f32 to vector<16xf32>
      %select_n3A_498 = arith.select %ge3A_480, %broadcast_in_dim3A_496, %broadcast_in_dim3A_497 : vector<16xi1>, vector<16xf32>
      %select_n3A_499 = arith.select %gt3A_3, %select_n3A_493, %select_n3A_498 : vector<16xi1>, vector<16xf32>
      %mul3A_500 = arith.mulf %get3A_449, %get3A_465 : vector<16xf32>
      %mul3A_501 = arith.mulf %mul3A_500, %select_n3A_499 : vector<16xf32>
      %add3A_502 = arith.addf %scan3A_422, %mul3A_501 : vector<16xf32>
      %mul3A_503 = arith.mulf %get3A_449, %select_n3A_499 : vector<16xf32>
      %add3A_504 = arith.addf %scan3A_423, %mul3A_503 : vector<16xf32>
      %mul3A_505 = arith.mulf %get3A_465, %select_n3A_499 : vector<16xf32>
      %add3A_506 = arith.addf %scan3A_424, %mul3A_505 : vector<16xf32>
      %bitcast_convert_type3A_507 = tpu.bitcast %get3A_467 : vector<16xf32> -> vector<16xi32>
      %shift_right_arithmetic3A_508 = arith.constant 31 : i32
      %shift_right_arithmetic3A_509 = vector.broadcast %shift_right_arithmetic3A_508 : i32 to vector<16xi32>
      %shift_right_arithmetic3A_510 = arith.shrsi %bitcast_convert_type3A_507, %shift_right_arithmetic3A_509 : vector<16xi32>
      %and3A_511 = arith.constant 2147483647 : i32
      %and3A_512 = vector.broadcast %and3A_511 : i32 to vector<16xi32>
      %and3A_513 = arith.andi %shift_right_arithmetic3A_510, %and3A_512 : vector<16xi32>
      %xor3A_514 = arith.xori %bitcast_convert_type3A_507, %and3A_513 : vector<16xi32>
      %ge3A_515 = arith.cmpi sge, %xor3A_514, %broadcast_in_dim3A_361 : vector<16xi32>
      %gt3A_516 = arith.constant 5.000000e-01 : f32
      %gt3A_517 = vector.broadcast %gt3A_516 : f32 to vector<16xf32>
      %gt3A_518 = arith.cmpf ogt, %get3A_451, %gt3A_517 : vector<16xf32>
      %or3A_519 = arith.ori %ge3A_515, %gt3A_518 : vector<16xi1>
      %gt3A_520 = arith.constant 5.000000e-01 : f32
      %gt3A_521 = vector.broadcast %gt3A_520 : f32 to vector<16xf32>
      %gt3A_522 = arith.cmpf ogt, %get3A_459, %gt3A_521 : vector<16xf32>
      %and3A_523 = arith.andi %or3A_519, %gt3A_522 : vector<16xi1>
      %jit3A_524 = arith.constant 1.000000e+00 : f32
      %jit3A_525 = arith.constant 0.000000e+00 : f32
      %broadcast_in_dim3A_526 = vector.broadcast %jit3A_524 : f32 to vector<16xf32>
      %broadcast_in_dim3A_527 = vector.broadcast %jit3A_525 : f32 to vector<16xf32>
      %select_n3A_528 = arith.select %and3A_523, %broadcast_in_dim3A_526, %broadcast_in_dim3A_527 : vector<16xi1>, vector<16xf32>
      %select_n3A_529 = arith.select %gt3A_371, %get3A_459, %select_n3A_528 : vector<16xi1>, vector<16xf32>
      %jit3A_530 = arith.constant 1.000000e+00 : f32
      %jit3A_531 = arith.constant 0.000000e+00 : f32
      %broadcast_in_dim3A_532 = vector.broadcast %jit3A_530 : f32 to vector<16xf32>
      %broadcast_in_dim3A_533 = vector.broadcast %jit3A_531 : f32 to vector<16xf32>
      %select_n3A_534 = arith.select %ge3A_515, %broadcast_in_dim3A_532, %broadcast_in_dim3A_533 : vector<16xi1>, vector<16xf32>
      %select_n3A_535 = arith.select %gt3A_3, %select_n3A_529, %select_n3A_534 : vector<16xi1>, vector<16xf32>
      %mul3A_536 = arith.mulf %get3A_451, %get3A_467 : vector<16xf32>
      %mul3A_537 = arith.mulf %mul3A_536, %select_n3A_535 : vector<16xf32>
      %add3A_538 = arith.addf %add3A_502, %mul3A_537 : vector<16xf32>
      %mul3A_539 = arith.mulf %get3A_451, %select_n3A_535 : vector<16xf32>
      %add3A_540 = arith.addf %add3A_504, %mul3A_539 : vector<16xf32>
      %mul3A_541 = arith.mulf %get3A_467, %select_n3A_535 : vector<16xf32>
      %add3A_542 = arith.addf %add3A_506, %mul3A_541 : vector<16xf32>
      %bitcast_convert_type3A_543 = tpu.bitcast %get3A_469 : vector<16xf32> -> vector<16xi32>
      %shift_right_arithmetic3A_544 = arith.constant 31 : i32
      %shift_right_arithmetic3A_545 = vector.broadcast %shift_right_arithmetic3A_544 : i32 to vector<16xi32>
      %shift_right_arithmetic3A_546 = arith.shrsi %bitcast_convert_type3A_543, %shift_right_arithmetic3A_545 : vector<16xi32>
      %and3A_547 = arith.constant 2147483647 : i32
      %and3A_548 = vector.broadcast %and3A_547 : i32 to vector<16xi32>
      %and3A_549 = arith.andi %shift_right_arithmetic3A_546, %and3A_548 : vector<16xi32>
      %xor3A_550 = arith.xori %bitcast_convert_type3A_543, %and3A_549 : vector<16xi32>
      %ge3A_551 = arith.cmpi sge, %xor3A_550, %broadcast_in_dim3A_361 : vector<16xi32>
      %gt3A_552 = arith.constant 5.000000e-01 : f32
      %gt3A_553 = vector.broadcast %gt3A_552 : f32 to vector<16xf32>
      %gt3A_554 = arith.cmpf ogt, %get3A_453, %gt3A_553 : vector<16xf32>
      %or3A_555 = arith.ori %ge3A_551, %gt3A_554 : vector<16xi1>
      %gt3A_556 = arith.constant 5.000000e-01 : f32
      %gt3A_557 = vector.broadcast %gt3A_556 : f32 to vector<16xf32>
      %gt3A_558 = arith.cmpf ogt, %get3A_461, %gt3A_557 : vector<16xf32>
      %and3A_559 = arith.andi %or3A_555, %gt3A_558 : vector<16xi1>
      %jit3A_560 = arith.constant 1.000000e+00 : f32
      %jit3A_561 = arith.constant 0.000000e+00 : f32
      %broadcast_in_dim3A_562 = vector.broadcast %jit3A_560 : f32 to vector<16xf32>
      %broadcast_in_dim3A_563 = vector.broadcast %jit3A_561 : f32 to vector<16xf32>
      %select_n3A_564 = arith.select %and3A_559, %broadcast_in_dim3A_562, %broadcast_in_dim3A_563 : vector<16xi1>, vector<16xf32>
      %select_n3A_565 = arith.select %gt3A_371, %get3A_461, %select_n3A_564 : vector<16xi1>, vector<16xf32>
      %jit3A_566 = arith.constant 1.000000e+00 : f32
      %jit3A_567 = arith.constant 0.000000e+00 : f32
      %broadcast_in_dim3A_568 = vector.broadcast %jit3A_566 : f32 to vector<16xf32>
      %broadcast_in_dim3A_569 = vector.broadcast %jit3A_567 : f32 to vector<16xf32>
      %select_n3A_570 = arith.select %ge3A_551, %broadcast_in_dim3A_568, %broadcast_in_dim3A_569 : vector<16xi1>, vector<16xf32>
      %select_n3A_571 = arith.select %gt3A_3, %select_n3A_565, %select_n3A_570 : vector<16xi1>, vector<16xf32>
      %mul3A_572 = arith.mulf %get3A_453, %get3A_469 : vector<16xf32>
      %mul3A_573 = arith.mulf %mul3A_572, %select_n3A_571 : vector<16xf32>
      %add3A_574 = arith.addf %add3A_538, %mul3A_573 : vector<16xf32>
      %mul3A_575 = arith.mulf %get3A_453, %select_n3A_571 : vector<16xf32>
      %add3A_576 = arith.addf %add3A_540, %mul3A_575 : vector<16xf32>
      %mul3A_577 = arith.mulf %get3A_469, %select_n3A_571 : vector<16xf32>
      %add3A_578 = arith.addf %add3A_542, %mul3A_577 : vector<16xf32>
      %bitcast_convert_type3A_579 = tpu.bitcast %get3A_471 : vector<16xf32> -> vector<16xi32>
      %shift_right_arithmetic3A_580 = arith.constant 31 : i32
      %shift_right_arithmetic3A_581 = vector.broadcast %shift_right_arithmetic3A_580 : i32 to vector<16xi32>
      %shift_right_arithmetic3A_582 = arith.shrsi %bitcast_convert_type3A_579, %shift_right_arithmetic3A_581 : vector<16xi32>
      %and3A_583 = arith.constant 2147483647 : i32
      %and3A_584 = vector.broadcast %and3A_583 : i32 to vector<16xi32>
      %and3A_585 = arith.andi %shift_right_arithmetic3A_582, %and3A_584 : vector<16xi32>
      %xor3A_586 = arith.xori %bitcast_convert_type3A_579, %and3A_585 : vector<16xi32>
      %ge3A_587 = arith.cmpi sge, %xor3A_586, %broadcast_in_dim3A_361 : vector<16xi32>
      %gt3A_588 = arith.constant 5.000000e-01 : f32
      %gt3A_589 = vector.broadcast %gt3A_588 : f32 to vector<16xf32>
      %gt3A_590 = arith.cmpf ogt, %get3A_455, %gt3A_589 : vector<16xf32>
      %or3A_591 = arith.ori %ge3A_587, %gt3A_590 : vector<16xi1>
      %gt3A_592 = arith.constant 5.000000e-01 : f32
      %gt3A_593 = vector.broadcast %gt3A_592 : f32 to vector<16xf32>
      %gt3A_594 = arith.cmpf ogt, %get3A_463, %gt3A_593 : vector<16xf32>
      %and3A_595 = arith.andi %or3A_591, %gt3A_594 : vector<16xi1>
      %jit3A_596 = arith.constant 1.000000e+00 : f32
      %jit3A_597 = arith.constant 0.000000e+00 : f32
      %broadcast_in_dim3A_598 = vector.broadcast %jit3A_596 : f32 to vector<16xf32>
      %broadcast_in_dim3A_599 = vector.broadcast %jit3A_597 : f32 to vector<16xf32>
      %select_n3A_600 = arith.select %and3A_595, %broadcast_in_dim3A_598, %broadcast_in_dim3A_599 : vector<16xi1>, vector<16xf32>
      %select_n3A_601 = arith.select %gt3A_371, %get3A_463, %select_n3A_600 : vector<16xi1>, vector<16xf32>
      %jit3A_602 = arith.constant 1.000000e+00 : f32
      %jit3A_603 = arith.constant 0.000000e+00 : f32
      %broadcast_in_dim3A_604 = vector.broadcast %jit3A_602 : f32 to vector<16xf32>
      %broadcast_in_dim3A_605 = vector.broadcast %jit3A_603 : f32 to vector<16xf32>
      %select_n3A_606 = arith.select %ge3A_587, %broadcast_in_dim3A_604, %broadcast_in_dim3A_605 : vector<16xi1>, vector<16xf32>
      %select_n3A_607 = arith.select %gt3A_3, %select_n3A_601, %select_n3A_606 : vector<16xi1>, vector<16xf32>
      %mul3A_608 = arith.mulf %get3A_455, %get3A_471 : vector<16xf32>
      %mul3A_609 = arith.mulf %mul3A_608, %select_n3A_607 : vector<16xf32>
      %add3A_610 = arith.addf %add3A_574, %mul3A_609 : vector<16xf32>
      %mul3A_611 = arith.mulf %get3A_455, %select_n3A_607 : vector<16xf32>
      %add3A_612 = arith.addf %add3A_576, %mul3A_611 : vector<16xf32>
      %mul3A_613 = arith.mulf %get3A_471, %select_n3A_607 : vector<16xf32>
      %add3A_614 = arith.addf %add3A_578, %mul3A_613 : vector<16xf32>
      scf.yield %add3A_610, %add3A_612, %add3A_614 : vector<16xf32>, vector<16xf32>, vector<16xf32>
    }
    %scan3A_379 = arith.constant 256 : i32
    %reduce_sum3A_380 = arith.constant true
    %reduce_sum3A_381 = vector.broadcast %reduce_sum3A_380 : i1 to vector<16xi1>
    %reduce_sum3A_382 = tpu.scan <sum>, %scan3A_378#0 masked %reduce_sum3A_381 : vector<16xf32>, vector<16xi1> -> vector<16xf32>
    %reduce_sum3A_383 = vector.extract %reduce_sum3A_382[15] : f32 from vector<16xf32>
    %bitcast_convert_type3A = arith.bitcast %reduce_sum3A_383 : f32 to i32
    %reduce_sum3A_384 = arith.constant true
    %reduce_sum3A_385 = vector.broadcast %reduce_sum3A_384 : i1 to vector<16xi1>
    %reduce_sum3A_386 = tpu.scan <sum>, %scan3A_378#1 masked %reduce_sum3A_385 : vector<16xf32>, vector<16xi1> -> vector<16xf32>
    %reduce_sum3A_387 = vector.extract %reduce_sum3A_386[15] : f32 from vector<16xf32>
    %bitcast_convert_type3A_388 = arith.bitcast %reduce_sum3A_387 : f32 to i32
    %reduce_sum3A_389 = arith.constant true
    %reduce_sum3A_390 = vector.broadcast %reduce_sum3A_389 : i1 to vector<16xi1>
    %reduce_sum3A_391 = tpu.scan <sum>, %scan3A_378#2 masked %reduce_sum3A_390 : vector<16xf32>, vector<16xi1> -> vector<16xf32>
    %reduce_sum3A_392 = vector.extract %reduce_sum3A_391[15] : f32 from vector<16xf32>
    %bitcast_convert_type3A_393 = arith.bitcast %reduce_sum3A_392 : f32 to i32
    %broadcast_in_dim3A_394 = vector.broadcast %xor3A_360 : i32 to vector<16xi32>
    %eq3A_395 = arith.constant 1 : i32
    %eq3A_396 = vector.broadcast %eq3A_395 : i32 to vector<16xi32>
    %eq3A_397 = arith.cmpi eq, %iota3A, %eq3A_396 : vector<16xi32>
    %broadcast_in_dim3A_398 = vector.broadcast %reduce_sum3A_19 : i32 to vector<16xi32>
    %select_n3A_399 = arith.select %eq3A_397, %broadcast_in_dim3A_398, %broadcast_in_dim3A_394 : vector<16xi1>, vector<16xi32>
    %eq3A_400 = arith.constant 2 : i32
    %eq3A_401 = vector.broadcast %eq3A_400 : i32 to vector<16xi32>
    %eq3A_402 = arith.cmpi eq, %iota3A, %eq3A_401 : vector<16xi32>
    %broadcast_in_dim3A_403 = vector.broadcast %reduce_sum3A_23 : i32 to vector<16xi32>
    %select_n3A_404 = arith.select %eq3A_402, %broadcast_in_dim3A_403, %select_n3A_399 : vector<16xi1>, vector<16xi32>
    %eq3A_405 = arith.constant 3 : i32
    %eq3A_406 = vector.broadcast %eq3A_405 : i32 to vector<16xi32>
    %eq3A_407 = arith.cmpi eq, %iota3A, %eq3A_406 : vector<16xi32>
    %broadcast_in_dim3A_408 = vector.broadcast %bitcast_convert_type3A : i32 to vector<16xi32>
    %select_n3A_409 = arith.select %eq3A_407, %broadcast_in_dim3A_408, %select_n3A_404 : vector<16xi1>, vector<16xi32>
    %eq3A_410 = arith.constant 4 : i32
    %eq3A_411 = vector.broadcast %eq3A_410 : i32 to vector<16xi32>
    %eq3A_412 = arith.cmpi eq, %iota3A, %eq3A_411 : vector<16xi32>
    %broadcast_in_dim3A_413 = vector.broadcast %bitcast_convert_type3A_388 : i32 to vector<16xi32>
    %select_n3A_414 = arith.select %eq3A_412, %broadcast_in_dim3A_413, %select_n3A_409 : vector<16xi1>, vector<16xi32>
    %eq3A_415 = arith.constant 5 : i32
    %eq3A_416 = vector.broadcast %eq3A_415 : i32 to vector<16xi32>
    %eq3A_417 = arith.cmpi eq, %iota3A, %eq3A_416 : vector<16xi32>
    %broadcast_in_dim3A_418 = vector.broadcast %bitcast_convert_type3A_393 : i32 to vector<16xi32>
    %select_n3A_419 = arith.select %eq3A_417, %broadcast_in_dim3A_418, %select_n3A_414 : vector<16xi1>, vector<16xi32>
    %swap3A = arith.constant 0 : index
    %swap3A_420 = tpu.vector_load %arg11[%swap3A] {strides = array<i32>} : memref<16xi32, #tpu.memory_space<vmem>>, vector<16xi32>,
    tpu.vector_store %arg11[%swap3A], %select_n3A_419 {strides = array<i32>} : memref<16xi32, #tpu.memory_space<vmem>>, vector<16xi32>,
    "tpu.region"() ({
      %run_scoped3A = tpu.sem_alloc : memref<!tpu.dma_semaphore, #tpu.memory_space<semaphore_mem>>
      %dma_start3A = arith.constant 0 : i32
      %dma_start3A_421 = tpu.memref_slice %arg5[%add3A, %dma_start3A] : memref<32x16xi32, #tpu.memory_space<hbm>> -> memref<1x16xi32, #tpu.memory_space<hbm>>
      %dma_start3A_422 = tpu.memref_squeeze %dma_start3A_421 : memref<1x16xi32, #tpu.memory_space<hbm>> -> memref<16xi32, #tpu.memory_space<hbm>>
      %dma_start3A_423 = arith.constant 0 : i32
      %dma_start3A_424 = tpu.memref_slice %arg5[%add3A, %dma_start3A_423] : memref<32x16xi32, #tpu.memory_space<hbm>> -> memref<1x16xi32, #tpu.memory_space<hbm>>
      %dma_start3A_425 = tpu.memref_squeeze %dma_start3A_424 : memref<1x16xi32, #tpu.memory_space<hbm>> -> memref<16xi32, #tpu.memory_space<hbm>>
      tpu.enqueue_dma source(%arg11 : memref<16xi32, #tpu.memory_space<vmem>>) target(%dma_start3A_425 : memref<16xi32, #tpu.memory_space<hbm>>) target_semaphore(%run_scoped3A : memref<!tpu.dma_semaphore, #tpu.memory_space<semaphore_mem>>)
      %dma_wait3A = arith.constant 0 : i32
      %dma_wait3A_426 = tpu.memref_slice %arg5[%add3A, %dma_wait3A] : memref<32x16xi32, #tpu.memory_space<hbm>> -> memref<1x16xi32, #tpu.memory_space<hbm>>
      %dma_wait3A_427 = tpu.memref_squeeze %dma_wait3A_426 : memref<1x16xi32, #tpu.memory_space<hbm>> -> memref<16xi32, #tpu.memory_space<hbm>>
      %dma_wait3A_428 = arith.constant 0 : i32
      %dma_wait3A_429 = tpu.memref_slice %arg5[%add3A, %dma_wait3A_428] : memref<32x16xi32, #tpu.memory_space<hbm>> -> memref<1x16xi32, #tpu.memory_space<hbm>>
      %dma_wait3A_430 = tpu.memref_squeeze %dma_wait3A_429 : memref<1x16xi32, #tpu.memory_space<hbm>> -> memref<16xi32, #tpu.memory_space<hbm>>
      tpu.wait_dma2 semaphore(%run_scoped3A : memref<!tpu.dma_semaphore, #tpu.memory_space<semaphore_mem>>) src(%arg11 : memref<16xi32, #tpu.memory_space<vmem>>) dst(%dma_wait3A_430 : memref<16xi32, #tpu.memory_space<hbm>>)
      tpu.yield
    }) : () -> ()
    return
  }
}

module attributes {stable_mosaic.version = 14 : i64} {
  func.func @_tc_geo_body(%arg0: i32, %arg1: memref<1x128x128xf32, #tpu.memory_space<vmem>>, %arg2: memref<1x128x128xf32, #tpu.memory_space<vmem>>, %arg3: memref<1x5x128x128xf32, #tpu.memory_space<vmem>>, %arg4: memref<1x5x128x128xf32, #tpu.memory_space<vmem>>, %arg5: memref<1x1xf32, #tpu.memory_space<smem>>, %arg6: memref<1xf32, #tpu.memory_space<smem>>) attributes {dimension_semantics = [#tpu.dimension_semantics<arbitrary>], iteration_bounds = array<i64: 16>, scalar_prefetch = 0 : i64, scratch_operands = 1 : i64, tpu.core_type = #tpu.core_type<tc>, window_params = [{transform_indices = @transform_0, window_bounds = array<i64: 1, 128, 128>}, {transform_indices = @transform_1, window_bounds = array<i64: 1, 128, 128>}, {transform_indices = @transform_2, window_bounds = array<i64: 1, 5, 128, 128>}, {transform_indices = @transform_3, window_bounds = array<i64: 1, 5, 128, 128>}, {transform_indices = @transform_4, window_bounds = array<i64: 1, 1>}]} {
    %get3A = arith.constant 0 : index
    %get3A_0 = arith.constant 0 : index
    %get3A_1 = arith.constant 0 : index
    %get3A_2 = vector.load %arg1[%get3A, %get3A_0, %get3A_1] : memref<1x128x128xf32, #tpu.memory_space<vmem>>, vector<1x128x128xf32>
    %get3A_3 = vector.shape_cast %get3A_2 : vector<1x128x128xf32> to vector<128x128xf32>
    %get3A_4 = arith.constant 0 : index
    %get3A_5 = arith.constant 0 : index
    %get3A_6 = arith.constant 0 : index
    %get3A_7 = vector.load %arg2[%get3A_4, %get3A_5, %get3A_6] : memref<1x128x128xf32, #tpu.memory_space<vmem>>, vector<1x128x128xf32>
    %get3A_8 = vector.shape_cast %get3A_7 : vector<1x128x128xf32> to vector<128x128xf32>
    %get3A_9 = arith.constant 0 : index
    %get3A_10 = arith.constant 0 : index
    %get3A_11 = arith.constant 0 : index
    %get3A_12 = arith.constant 0 : index
    %get3A_13 = vector.load %arg3[%get3A_9, %get3A_10, %get3A_11, %get3A_12] : memref<1x5x128x128xf32, #tpu.memory_space<vmem>>, vector<1x1x128x128xf32>
    %get3A_14 = vector.shape_cast %get3A_13 : vector<1x1x128x128xf32> to vector<128x128xf32>
    %get3A_15 = arith.constant 0 : index
    %get3A_16 = arith.constant 1 : index
    %get3A_17 = arith.constant 0 : index
    %get3A_18 = arith.constant 0 : index
    %get3A_19 = vector.load %arg3[%get3A_15, %get3A_16, %get3A_17, %get3A_18] : memref<1x5x128x128xf32, #tpu.memory_space<vmem>>, vector<1x1x128x128xf32>
    %get3A_20 = vector.shape_cast %get3A_19 : vector<1x1x128x128xf32> to vector<128x128xf32>
    %get3A_21 = arith.constant 0 : index
    %get3A_22 = arith.constant 2 : index
    %get3A_23 = arith.constant 0 : index
    %get3A_24 = arith.constant 0 : index
    %get3A_25 = vector.load %arg3[%get3A_21, %get3A_22, %get3A_23, %get3A_24] : memref<1x5x128x128xf32, #tpu.memory_space<vmem>>, vector<1x1x128x128xf32>
    %get3A_26 = vector.shape_cast %get3A_25 : vector<1x1x128x128xf32> to vector<128x128xf32>
    %get3A_27 = arith.constant 0 : index
    %get3A_28 = arith.constant 3 : index
    %get3A_29 = arith.constant 0 : index
    %get3A_30 = arith.constant 0 : index
    %get3A_31 = vector.load %arg3[%get3A_27, %get3A_28, %get3A_29, %get3A_30] : memref<1x5x128x128xf32, #tpu.memory_space<vmem>>, vector<1x1x128x128xf32>
    %get3A_32 = vector.shape_cast %get3A_31 : vector<1x1x128x128xf32> to vector<128x128xf32>
    %get3A_33 = arith.constant 0 : index
    %get3A_34 = arith.constant 4 : index
    %get3A_35 = arith.constant 0 : index
    %get3A_36 = arith.constant 0 : index
    %get3A_37 = vector.load %arg3[%get3A_33, %get3A_34, %get3A_35, %get3A_36] : memref<1x5x128x128xf32, #tpu.memory_space<vmem>>, vector<1x1x128x128xf32>
    %get3A_38 = vector.shape_cast %get3A_37 : vector<1x1x128x128xf32> to vector<128x128xf32>
    %get3A_39 = arith.constant 0 : index
    %get3A_40 = arith.constant 0 : index
    %get3A_41 = arith.constant 0 : index
    %get3A_42 = arith.constant 0 : index
    %get3A_43 = vector.load %arg4[%get3A_39, %get3A_40, %get3A_41, %get3A_42] : memref<1x5x128x128xf32, #tpu.memory_space<vmem>>, vector<1x1x128x128xf32>
    %get3A_44 = vector.shape_cast %get3A_43 : vector<1x1x128x128xf32> to vector<128x128xf32>
    %get3A_45 = arith.constant 0 : index
    %get3A_46 = arith.constant 1 : index
    %get3A_47 = arith.constant 0 : index
    %get3A_48 = arith.constant 0 : index
    %get3A_49 = vector.load %arg4[%get3A_45, %get3A_46, %get3A_47, %get3A_48] : memref<1x5x128x128xf32, #tpu.memory_space<vmem>>, vector<1x1x128x128xf32>
    %get3A_50 = vector.shape_cast %get3A_49 : vector<1x1x128x128xf32> to vector<128x128xf32>
    %get3A_51 = arith.constant 0 : index
    %get3A_52 = arith.constant 2 : index
    %get3A_53 = arith.constant 0 : index
    %get3A_54 = arith.constant 0 : index
    %get3A_55 = vector.load %arg4[%get3A_51, %get3A_52, %get3A_53, %get3A_54] : memref<1x5x128x128xf32, #tpu.memory_space<vmem>>, vector<1x1x128x128xf32>
    %get3A_56 = vector.shape_cast %get3A_55 : vector<1x1x128x128xf32> to vector<128x128xf32>
    %get3A_57 = arith.constant 0 : index
    %get3A_58 = arith.constant 3 : index
    %get3A_59 = arith.constant 0 : index
    %get3A_60 = arith.constant 0 : index
    %get3A_61 = vector.load %arg4[%get3A_57, %get3A_58, %get3A_59, %get3A_60] : memref<1x5x128x128xf32, #tpu.memory_space<vmem>>, vector<1x1x128x128xf32>
    %get3A_62 = vector.shape_cast %get3A_61 : vector<1x1x128x128xf32> to vector<128x128xf32>
    %get3A_63 = arith.constant 0 : index
    %get3A_64 = arith.constant 4 : index
    %get3A_65 = arith.constant 0 : index
    %get3A_66 = arith.constant 0 : index
    %get3A_67 = vector.load %arg4[%get3A_63, %get3A_64, %get3A_65, %get3A_66] : memref<1x5x128x128xf32, #tpu.memory_space<vmem>>, vector<1x1x128x128xf32>
    %get3A_68 = vector.shape_cast %get3A_67 : vector<1x1x128x128xf32> to vector<128x128xf32>
    %add3A = arith.addf %get3A_14, %get3A_26 : vector<128x128xf32>
    %add3A_69 = arith.addf %get3A_20, %get3A_32 : vector<128x128xf32>
    %mul3A = arith.mulf %add3A, %add3A_69 : vector<128x128xf32>
    %add3A_70 = arith.addf %get3A_44, %get3A_56 : vector<128x128xf32>
    %add3A_71 = arith.addf %get3A_50, %get3A_62 : vector<128x128xf32>
    %mul3A_72 = arith.mulf %add3A_70, %add3A_71 : vector<128x128xf32>
    %min3A = arith.minimumf %get3A_20, %get3A_50 : vector<128x128xf32>
    %min3A_73 = arith.minimumf %get3A_32, %get3A_62 : vector<128x128xf32>
    %add3A_74 = arith.addf %min3A, %min3A_73 : vector<128x128xf32>
    %min3A_75 = arith.minimumf %get3A_14, %get3A_44 : vector<128x128xf32>
    %min3A_76 = arith.minimumf %get3A_26, %get3A_56 : vector<128x128xf32>
    %add3A_77 = arith.addf %min3A_75, %min3A_76 : vector<128x128xf32>
    %mul3A_78 = arith.mulf %add3A_74, %add3A_77 : vector<128x128xf32>
    %add3A_79 = arith.addf %mul3A, %mul3A_72 : vector<128x128xf32>
    %sub3A = arith.subf %add3A_79, %mul3A_78 : vector<128x128xf32>
    %add3A_80 = arith.constant 1.000000e+00 : f32
    %add3A_81 = vector.broadcast %add3A_80 : f32 to vector<128x128xf32>
    %add3A_82 = arith.addf %mul3A_78, %add3A_81 : vector<128x128xf32>
    %add3A_83 = arith.constant 1.000000e+00 : f32
    %add3A_84 = vector.broadcast %add3A_83 : f32 to vector<128x128xf32>
    %add3A_85 = arith.addf %sub3A, %add3A_84 : vector<128x128xf32>
    %div3A = arith.divf %add3A_82, %add3A_85 : vector<128x128xf32>
    %log3A = math.log %div3A : vector<128x128xf32>
    %neg3A = arith.constant 0.000000e+00 : f32
    %neg3A_86 = vector.broadcast %neg3A : f32 to vector<128x128xf32>
    %neg3A_87 = arith.subf %neg3A_86, %log3A : vector<128x128xf32>
    %sub3A_88 = arith.subf %get3A_68, %get3A_38 : vector<128x128xf32>
    %cos3A = math.cos %sub3A_88 : vector<128x128xf32>
    %sub3A_89 = arith.constant 1.000000e+00 : f32
    %sub3A_90 = vector.broadcast %sub3A_89 : f32 to vector<128x128xf32>
    %sub3A_91 = arith.subf %sub3A_90, %cos3A : vector<128x128xf32>
    %mul3A_92 = arith.constant 2.000000e+01 : f32
    %mul3A_93 = vector.broadcast %mul3A_92 : f32 to vector<128x128xf32>
    %mul3A_94 = arith.mulf %mul3A_93, %sub3A_91 : vector<128x128xf32>
    %add3A_95 = arith.addf %neg3A_87, %mul3A_94 : vector<128x128xf32>
    %mul3A_96 = arith.mulf %add3A_95, %get3A_3 : vector<128x128xf32>
    %mul3A_97 = arith.mulf %mul3A_96, %get3A_8 : vector<128x128xf32>
    %reduce_sum3A = vector.shape_cast %mul3A_97 : vector<128x128xf32> to vector<1x128x128xf32>
    %reduce_sum3A_98 = arith.constant dense<0.000000e+00> : vector<1xf32>
    %reduce_sum3A_99 = vector.multi_reduction <add>, %reduce_sum3A, %reduce_sum3A_98 [1, 2] : vector<1x128x128xf32> to vector<1xf32>
    %reduce_sum3A_100 = vector.shape_cast %reduce_sum3A_99 : vector<1xf32> to vector<1x1x1xf32>
    %reduce_sum3A_101 = vector.extract %reduce_sum3A_100[0, 0, 0] : f32 from vector<1x1x1xf32>
    %eq3A = arith.constant 0 : i32
    %eq3A_102 = arith.cmpi eq, %arg0, %eq3A : i32
    %convert_element_type3A = arith.extui %eq3A_102 : i1 to i32
    %cond3A = arith.constant 0 : i32
    %cond3A_103 = arith.cmpi ne, %convert_element_type3A, %cond3A : i32
    scf.if %cond3A_103 {
      %swap3A_113 = arith.constant 0.000000e+00 : f32
      %swap3A_114 = arith.constant 0 : index
      %swap3A_115 = memref.load %arg6[%swap3A_114] : memref<1xf32, #tpu.memory_space<smem>>
      memref.store %swap3A_113, %arg6[%swap3A_114] : memref<1xf32, #tpu.memory_space<smem>>
    } else {
    }
    %get3A_104 = arith.constant 0 : index
    %get3A_105 = memref.load %arg6[%get3A_104] : memref<1xf32, #tpu.memory_space<smem>>
    %add3A_106 = arith.addf %get3A_105, %reduce_sum3A_101 : f32
    %swap3A = arith.constant 0 : index
    %swap3A_107 = memref.load %arg6[%swap3A] : memref<1xf32, #tpu.memory_space<smem>>
    memref.store %add3A_106, %arg6[%swap3A] : memref<1xf32, #tpu.memory_space<smem>>
    %eq3A_108 = arith.constant 15 : i32
    %eq3A_109 = arith.cmpi eq, %arg0, %eq3A_108 : i32
    %convert_element_type3A_110 = arith.extui %eq3A_109 : i1 to i32
    %cond3A_111 = arith.constant 0 : i32
    %cond3A_112 = arith.cmpi ne, %convert_element_type3A_110, %cond3A_111 : i32
    scf.if %cond3A_112 {
      %get3A_113 = arith.constant 0 : index
      %get3A_114 = memref.load %arg6[%get3A_113] : memref<1xf32, #tpu.memory_space<smem>>
      %swap3A_115 = arith.constant 0 : index
      %swap3A_116 = arith.constant 0 : index
      %swap3A_117 = memref.load %arg5[%swap3A_115, %swap3A_116] : memref<1x1xf32, #tpu.memory_space<smem>>
      memref.store %get3A_114, %arg5[%swap3A_115, %swap3A_116] : memref<1x1xf32, #tpu.memory_space<smem>>
    } else {
    }
    return
  }
  func.func @transform_0(%arg0: i32) -> (i32, i32, i32) {
    %c0_i32 = arith.constant 0 : i32
    %c0_i32_0 = arith.constant 0 : i32
    %c0_i32_1 = arith.constant 0 : i32
    return %arg0, %c0_i32, %c0_i32_0 : i32, i32, i32
  }
  func.func @transform_1(%arg0: i32) -> (i32, i32, i32) {
    %c0_i32 = arith.constant 0 : i32
    %c0_i32_0 = arith.constant 0 : i32
    %c0_i32_1 = arith.constant 0 : i32
    return %arg0, %c0_i32, %c0_i32_0 : i32, i32, i32
  }
  func.func @transform_2(%arg0: i32) -> (i32, i32, i32, i32) {
    %c0_i32 = arith.constant 0 : i32
    %c0_i32_0 = arith.constant 0 : i32
    %c0_i32_1 = arith.constant 0 : i32
    %c0_i32_2 = arith.constant 0 : i32
    return %arg0, %c0_i32, %c0_i32_0, %c0_i32_1 : i32, i32, i32, i32
  }
  func.func @transform_3(%arg0: i32) -> (i32, i32, i32, i32) {
    %c0_i32 = arith.constant 0 : i32
    %c0_i32_0 = arith.constant 0 : i32
    %c0_i32_1 = arith.constant 0 : i32
    %c0_i32_2 = arith.constant 0 : i32
    return %arg0, %c0_i32, %c0_i32_0, %c0_i32_1 : i32, i32, i32, i32
  }
  func.func @transform_4(%arg0: i32) -> (i32, i32) {
    %c0_i32 = arith.constant 0 : i32
    %c0_i32_0 = arith.constant 0 : i32
    %c0_i32_1 = arith.constant 0 : i32
    return %c0_i32, %c0_i32_0 : i32, i32
  }
}

</mosaic_0001>

<sc_bundles>
// kernel: kernel.4.cloned.1.call-start
scs
__scs_entry_jumppad:
0x0: {  	(pc) =	sbr.rel $0x88, $3  }
0x1: {  	(tag) =	ssettag $0x0;
	lr =	simm.s32 $0x1  }
0x2: {  	[smem:$0x3F9C] =	sst lr;
	_ =	strace $0xD0000000  }
0x3: {  	_ = 	snop  }
0x4: {  	_ = 	snop  }
0x5: {  	_ = 	snop  }
0x6: {  	_ = 	snop  }
0x7: {  	_ = 	snop  }
__scs_overlays_trampoline_lowered:
0x8: {  	[smem:$0x3FAB] =	sst s0  }
0x9: {  	[smem:$0x3FAC] =	sst s1  }
0xa: {  	[smem:$0x3FAD] =	sst s2  }
0xb: {  	[smem:$0x3FAE] =	sst s3  }
0xc: {  	[smem:$0x3FAF] =	sst s4  }
0xd: {  	[smem:$0x3FB0] =	sst s5  }
0xe: {  	[smem:$0x3FB1] =	sst s6  }
0xf: {  	[smem:$0x3FB2] =	sst s7  }
0x10: {  	[smem:$0x3FB3] =	sst s8  }
0x11: {  	[smem:$0x3FB4] =	sst s9;
	s0 =	simm.s32 @!p0 $0x0  }
0x12: {  	s1 =	sld [smem:$0x3F9A];
	s0 =	simm.s32 @p0 $0x1  }
0x13: {  	[smem:$0x3FB5] =	sst s0;
	s0 =	simm.s32 @!p1 $0x0  }
0x14: {  	s2 =	sld [smem:$0x3F99];
	s0 =	simm.s32 @p1 $0x1  }
0x15: {  	[smem:$0x3FB6] =	sst s0;
	s0 =	simm.s32 @!p2 $0x0  }
0x16: {  	s3 =	sld [smem:$0x3FDB];
	s0 =	simm.s32 @p2 $0x1  }
0x17: {  	s4 =	simm.s32 $0x1BF5;
	[smem:$0x3FB8] =	sst s0  }
0x18: {  	s0 =	sld [smem:$0x3F9B];
	_ =	swait.ge [sflag:s4], $0x0  }
0x19: {  	s7 =	sld [smem:$0x3F9C]  }
0x1a: {  	s8 =	sadd.s32 $0xFFFFE003, lr  }
0x1b: {  	s9 =	sadd.s32 $0xFFFFFEF7, lr;
	s5 =	simm.s32 $0xFFFFFFFF;
	p2 =	slt.u32 s8, $0xFFFFF086  }
0x1c: {  	p1 =	slt.u32 s9, $0xF7A;
	s5 =	simm.s32 @!p2 $0x0  }
0x1d: {  	s5 =	simm.s32 @p1 $0x1;
	p0 =	seq.s32 s7, s2  }
0x1e: {  	s7 =	smul.u32 @!p0 $0xF7A, s2;
	p2 =	seq.s32 @!p0 s5, $0x0  }
0x1f: {  	s9 =	smul.u32 $0xF7A, s1;
	s8 =	simm.s32 @!p0 $0x1BF5;
	p2 =	por !p2, p0  }
0x20: {  	[sflag:s8] =	ssyncset.s32 @!p0 $0xFFFFF086;
	s6 =	sadd.s32 @!p0 s3, s7;
	s7 =	simm.s32 @!p0 $0x108  }
0x21: {  	s3 =	sadd.s32 s3, s9;
	s6 =	sadd.s32 @!p0 $0x88, s6;
	s7 =	simm.s32 @p2 $0x1082  }
0x22: {  	[simem:s7], [sflag:s8] =	dma.local @!p0 [hbm:s6], $0xF7A  }
0x23: {  	s9 =	sor.u32 $0xD0000000, s2;
	s6 =	simm.s32 $0x108;
	_ =	swait.ge @!p0 [sflag:s8], $0x0  }
0x24: {  	s3 =	sadd.s32 $0x88, s3;
	s6 =	simm.s32 @!p1 $0x1082;
	[sflag:s4] =	ssyncset.s32 $0xFFFFF086  }
0x25: {  	[simem:s6], [sflag:s4] =	dma.local [hbm:s3], $0xF7A  }
0x26: {  	[smem:$0x3F9C] =	sst s1;
	(tag) =	ssettag s2;
	_ =	strace s9  }
0x27: {  	s1 =	sld [smem:$0x3FAC]  }
0x28: {  	s2 =	sld [smem:$0x3FAD]  }
0x29: {  	s4 =	sld [smem:$0x3FAF]  }
0x2a: {  	p0 =	seq.s32 s5, $0x0;
	s5 =	sld [smem:$0x3FB0]  }
0x2b: {  	s6 =	sld [smem:$0x3FB1]  }
0x2c: {  	s7 =	sld [smem:$0x3FB2]  }
0x2d: {  	s3 =	simm.s32 $0x108;
	s8 =	sld [smem:$0x3FB3]  }
0x2e: {  	s3 =	simm.s32 @!p0 $0x1082;
	s9 =	sld [smem:$0x3FB4]  }
0x2f: {  	lr =	sadd.s32 s0, s3;
	s0 =	sld [smem:$0x3FAB]  }
0x30: {  	s3 =	sld [smem:$0x3FAE]  }
0x31: {  	[smem:$0x3FB7] =	sst s10  }
0x32: {  	s10 =	sld [smem:$0x3FB5];
	_ =	sdelay $0x3  }
0x33: {  	p0 =	seq.s32 s10, $0x1;
	s10 =	sld [smem:$0x3FB7];
	_ =	sdelay $0x3  }
0x34: {  	[smem:$0x3FB7] =	sst s10  }
0x35: {  	s10 =	sld [smem:$0x3FB6];
	_ =	sdelay $0x3  }
0x36: {  	p1 =	seq.s32 s10, $0x1;
	s10 =	sld [smem:$0x3FB7];
	_ =	sdelay $0x3  }
0x37: {  	[smem:$0x3FB7] =	sst s10  }
0x38: {  	s10 =	sld [smem:$0x3FB8]  }
0x39: {  	_ = 	snop;
	(pc) =	sbr.ind lr, $3  }
0x3a: {  	_ = 	snop  }
0x3b: {  	_ = 	snop  }
0x3c: {  	p2 =	seq.s32 s10, $0x1;
	s10 =	sld [smem:$0x3FB7]  }
0x3d: {  	_ =	shalt  }
0x3e: {  	_ =	shalt  }
0x3f: {  	_ =	shalt  }
0x40: {  	_ =	shalt  }
0x41: {  	_ =	shalt  }
0x42: {  	_ =	shalt  }
0x43: {  	_ =	shalt  }
0x44: {  	_ =	shalt  }
0x45: {  	_ =	shalt  }
0x46: {  	_ =	shalt  }
0x47: {  	_ =	shalt  }
0x48: {  	_ =	shalt  }
0x49: {  	_ =	shalt  }
0x4a: {  	_ =	shalt  }
0x4b: {  	_ =	shalt  }
0x4c: {  	_ =	shalt  }
0x4d: {  	_ =	shalt  }
0x4e: {  	_ =	shalt  }
0x4f: {  	_ =	shalt  }
0x50: {  	_ =	shalt  }
0x51: {  	_ =	shalt  }
0x52: {  	_ =	shalt  }
0x53: {  	_ =	shalt  }
0x54: {  	_ =	shalt  }
0x55: {  	_ =	shalt  }
0x56: {  	_ =	shalt  }
0x57: {  	_ =	shalt  }
0x58: {  	_ =	shalt  }
0x59: {  	_ =	shalt  }
0x5a: {  	_ =	shalt  }
0x5b: {  	_ =	shalt  }
0x5c: {  	_ =	shalt  }
0x5d: {  	_ =	shalt  }
0x5e: {  	_ =	shalt  }
0x5f: {  	_ =	shalt  }
0x60: {  	_ =	shalt  }
0x61: {  	_ =	shalt  }
0x62: {  	_ =	shalt  }
0x63: {  	_ =	shalt  }
0x64: {  	_ =	shalt  }
0x65: {  	_ =	shalt  }
0x66: {  	_ =	shalt  }
0x67: {  	_ =	shalt  }
0x68: {  	_ =	shalt  }
0x69: {  	_ =	shalt  }
0x6a: {  	_ =	shalt  }
0x6b: {  	_ =	shalt  }
0x6c: {  	_ =	shalt  }
0x6d: {  	_ =	shalt  }
0x6e: {  	_ =	shalt  }
0x6f: {  	_ =	shalt  }
0x70: {  	_ =	shalt  }
0x71: {  	_ =	shalt  }
0x72: {  	_ =	shalt  }
0x73: {  	_ =	shalt  }
0x74: {  	_ =	shalt  }
0x75: {  	_ =	shalt  }
0x76: {  	_ =	shalt  }
0x77: {  	_ =	shalt  }
0x78: {  	_ =	shalt  }
0x79: {  	_ =	shalt  }
0x7a: {  	_ =	shalt  }
0x7b: {  	_ =	shalt  }
0x7c: {  	_ =	shalt  }
0x7d: {  	_ =	shalt  }
0x7e: {  	_ =	shalt  }
0x7f: {  	_ =	shalt  }
0x80: {  	_ =	shalt  }
0x81: {  	_ =	shalt  }
0x82: {  	_ =	shalt  }
0x83: {  	_ =	shalt  }
0x84: {  	_ =	shalt  }
0x85: {  	_ =	shalt  }
0x86: {  	_ =	shalt  }
0x87: {  	_ =	shalt  }
.Lfunc_end0:
.L_simem_size_0:
called_computation_lowered:
.L_overlay_start_0:
0x88: {  	s2 =	sld [smem:$0x3FD9]  }
0x89: {  	s3 =	sld [smem:$0x3FFE];
	_ =	sdelay $0x1  }
0x8a: {  	s1 =	srdreg.scid  }
0x8b: {  	s0 =	sand.u32 $0x1, s1  }
0x8c: {  	s16 =	sshll.u32 s0, $0xA;
	s2 =	sadd.s32 s3, s2  }
0x8d: {  	s2 =	sadd.s32 s2, s16  }
0x8e: {  	[smem:$0x3FC3] =	sst s2  }
0x8f: {  	_ = 	snop  }
0x90: {  	(tm) =	ssettm $0x1  }
0x91: {  	s17 =	sld [smem:$0x3FFB];
	_ =	sdelay $0x3  }
0x92: {  	_ =	strace s17  }
0x93: {  	s2 =	sld [smem:$0x3FFC];
	_ =	sdelay $0x3  }
0x94: {  	_ =	strace s2  }
0x95: {  	s2 =	sld [smem:$0x3FFD];
	_ =	sdelay $0x3  }
0x96: {  	_ =	strace s2  }
0x97: {  	_ =	strace $0x8FFFFFFF  }
0x98: {  	s18 =	sld [smem:$0x3FDB];
	_ =	sdelay $0x1  }
0x99: {  	s19 =	simm.s32 $_scs_section_size  }
0x9a: {  	s4 =	simm.s32 $_size__tile_overlayer_lowered;
	s5 =	simm.s32 $_tile_overlayer_lowered  }
0x9b: {  	s22 =	simm.s32 $0x1BFF;
	s21 =	sshll.u32 s5, $0x1;
	s2 =	sadd.s32 s19, s18  }
0x9c: {  	s6 =	simm.s32 $0x0;
	s20 =	sshll.u32 s4, $0x1;
	s4 =	sadd.s32 s21, s2  }
0x9d: {  	[timem:s6], [sflag:s22] =	dma.local [hbm:s4], s20  }
0x9e: {  	_ =	swait.ge [sflag:s22], s20  }
0x9f: {  	s3 =	ssub.s32 $0x0, s20;
	[sflag:s22] =	ssyncset.done $0x0  }
0xa0: {  	[sflag:s22] =	ssyncadd.s32 s3;
	_ =	sdelay $0x1  }
0xa1: {  	s23 =	simm.s32 $0x1B8B  }
0xa2: {  	_ =	swait.ge [sflag:s23], $0x1  }
0xa3: {  	[sflag:s23] =	ssyncset.done $0x0  }
0xa4: {  	s25 =	simm.s32 $0x1B8E;
	s24 =	sld [smem:$0x3FFE];
	[sflag:s23] =	ssyncadd.s32 $0xFFFFFFFF  }
0xa5: {  	s26 =	simm.s32 $execute0_lowered;
	[smem:$0x3FD2] =	sst s25  }
0xa6: {  	s4 =	sshll.u32 s26, $0x1;
	_ =	strace $0x80000046;
	[dreg:$0x1] =	wrdreg $0xFFFFFFFF  }
0xa7: {  	s28 =	simm.s32 $_size_execute0_lowered;
	s2 =	sadd.s32 s2, s4;
	[dreg:$0x0] =	wrdreg $0x0  }
0xa8: {  	s4 =	sshll.u32 s28, $0x1;
	[dreg:$0x2] =	wrdreg s2  }
0xa9: {  	[dreg:$0x3] =	wrdreg s4  }
0xaa: {  	[dreg:$0x4] =	wrdreg $0xC0  }
0xab: {  	_ =	task [dreg:s6], $0x5FFFF  }
0xac: {  	[dreg:$0x1] =	wrdreg $0xFFFFFFFF  }
0xad: {  	[dreg:$0x0] =	wrdreg $0x60  }
0xae: {  	[dreg:$0x2] =	wrdreg s24  }
0xaf: {  	[dreg:$0x3] =	wrdreg $0x9  }
0xb0: {  	_ =	task.clear_ibuf [dreg:s6], $0x4FFFF;
	_ =	strace $0x90000046  }
0xb1: {  	s29 =	simm.s32 $0x9;
	_ =	strace $0x80000048  }
0xb2: {  	_ =	swait.ge [sflag:s29], $0x1  }
0xb3: {  	[sflag:s29] =	ssyncadd.s32 $0xFFFFFFFF  }
0xb4: {  	_ =	strace $0x90000048  }
0xb5: {  	_ =	sfence  }
0xb6: {  	s30 =	sld [smem:$0x0];
	_ =	sdelay $0x2  }
0xb7: {  	s31 =	sshll.u32 s1, $0xD;
	s1 =	sshrl.u32 s1, $0x2  }
0xb8: {  	s3 =	sand.u32 $0x4000, s31;
	s1 =	sadd.s32 s1, s30  }
0xb9: {  	s0 =	sor.u32 s3, s0;
	s1 =	sshll.u32 s1, $0x11  }
0xba: {  	s0 =	sor.u32 s1, s0  }
0xbb: {  	s0 =	sadd.s32 $0x8F2B, s0  }
0xbc: {  	[sflag:s0] =	ssyncadd.remote.s32 $0x1  }
0xbd: {  	_ =	sfence.sel $0xFFFF  }
0xbe: {  	[dreg:$0x0] =	wrdreg $0xFFFFFFFF;
	(pc) =	sbr.abs _section_cstart, $3  }
0xbf: {  	[dreg:$0x1] =	wrdreg $0xFFFFFFFF  }
0xc0: {  	_ =	task.clear_ibuf [dreg:s6], $0x2FFFF;
	_ =	strace $0x9FFFFFFF  }
0xc1: {  	(tm) =	ssettm $0x7FFFFFFF  }
tec
execute0_lowered:
.L_overlay_start_1:
0x0: {  	(tag) =	ssettag $0x1  }
0x1: {  	s3 =	rddreg [dreg:$0x0]  }
0x2: {  	s0 =	rddreg [dreg:$0x1];
	s2 =	simm.s32 $0x0;
	s1 =	stileid.u32  }
0x3: {  	s6 =	srdreg.scid;
	s9 =	simm.s32 $0x400;
	s10 =	simm.s32 $0x1  }
0x4: {  	s11 =	simm.s32 $0x4000;
	s12 =	simm.s32 $0x8000;
	s13 =	simm.s32 $0x10000  }
0x5: {  	s14 =	simm.s32 $0x11000;
	s15 =	simm.s32 $0x0;
	s4 =	sshll.u32 s1, $0xB  }
0x6: {  	s5 =	sshll.u32 s1, $0x4;
	[smem:$0x7FF] =	sst s2;
	s29 =	sand.u32 $0x1, s6  }
0x7: {  	s31 =	sshll.u32 s1, $0x5;
	s4 =	sor.u32 s5, s4;
	_ =	strace $0x80000047  }
0x8: {  	s6 =	ssub.s32 $0x2, s29;
	s30 =	sshll.u32 s29, $0x4;
	s4 =	sand.u32 $0x4070, s4  }
0x9: {  	p0 =	seq.s32 s29, $0x1;
	s8 =	sshrl.u32 s6, $0x1;
	s7 =	sadd.s32 s4, s3  }
0xa: {  	vm0 =	vmxor vm0, vm0;
	v0 =	vimm.s32 $0x0;
	s4 =	sadd.s32 s30, s3;
	s8 =	ssub.s32 s6, s8;
	s3 =	sadd.s32 $0xC00, s7  }
0xb: {  	v1 =	vlaneseq.u32;
	v2 =	vimm.s32 $0x1;
	v3 =	vimm.f32 $0.0e+00;
	s6 =	sadd.s32 s31, s4;
	s4 =	sadd.s32 $0x10C00, s7;
	s5 =	sadd.s32 $0x8C00, s7  }
0xc: {  	vm4 =	vcmask $0xF18;
	vm5 =	vcmask $0x1318;
	vm0 =	vmneg @p0 vm0;
	s7 =	smax.u32 s8, $0x1;
	s8 =	simm.s32 $0x80;
	s6 =	sadd.s32 $0x18C00, s6  }
.LBB2_1:
0xd: {  	[tilespmem:s2], [sflag:$0x1] =	stream.strided.gather [hbm4b:s3+s8], $0x4000, s9, s8, $0x38;
	[tilespmem:$0x11080] =	vst v63  }
0xe: {  	_ =	swait.ge [sflag:s10], $0x4000  }
0xf: {  	[sflag:s10] =	ssyncset.done $0x0  }
0x10: {  	[sflag:s10] =	ssyncadd.s32 $0xFFFFC000  }
0x11: {  	[tilespmem:s11], [sflag:$0x1] =	stream.strided.gather [hbm4b:s4+s8], $0x4000, s9, s8, $0x38;
	[tilespmem:$0x11080] =	vst v63  }
0x12: {  	_ =	swait.ge [sflag:s10], $0x4000  }
0x13: {  	[sflag:s10] =	ssyncset.done $0x0  }
0x14: {  	[sflag:s10] =	ssyncadd.s32 $0xFFFFC000  }
0x15: {  	[tilespmem:s12], [sflag:$0x1] =	stream.strided.gather [hbm4b:s5+s8], $0x4000, s9, s8, $0x38;
	[tilespmem:$0x11080] =	vst v63  }
0x16: {  	_ =	swait.ge [sflag:s10], $0x4000  }
0x17: {  	[sflag:s10] =	ssyncset.done $0x0  }
0x18: {  	s16 =	simm.s32 $0x0;
	[sflag:s10] =	ssyncadd.s32 $0xFFFFC000  }
0x19: {  	v4 =	vld [tilespmem:s16+$0x8030]  }
0x1a: {  	v5 =	vld [tilespmem:s16+$0x4020]  }
0x1b: {  	v6 =	vld [tilespmem:s16+$0x4030]  }
0x1c: {  	v7 =	vld [tilespmem:s16+$0x8020]  }
0x1d: {  	v8 =	vld [tilespmem:s16+$0x4010]  }
0x1e: {  	v9 =	vld [tilespmem:s16+$0x8010]  }
0x1f: {  	v10 =	vld [tilespmem:s16+$0x4000]  }
0x20: {  	v11 =	vld [tilespmem:s16+$0x8000]  }
0x21: {  	v13 =	vld [tilespmem:s16+$0x30]  }
0x22: {  	vm6 =	vlt.f32 v8, $5.000000000e-01;
	vm10 =	vgt.f32 v6, $5.000000000e-01;
	vm11 =	vgt.f32 v4, $5.000000000e-01  }
0x23: {  	vm7 =	vlt.f32 v5, $5.000000000e-01;
	vm12 =	vgt.f32 v5, $5.000000000e-01;
	vm13 =	vgt.f32 v7, $5.000000000e-01  }
0x24: {  	vm9 =	vlt.f32 v10, $5.000000000e-01;
	vm14 =	vgt.f32 v8, $5.000000000e-01;
	vm8 =	vlt.f32 v6, $5.000000000e-01  }
0x25: {  	vm15 =	vgt.f32 v10, $5.000000000e-01;
	vm1 =	vgt.f32 v11, $5.000000000e-01;
	vm2 =	vgt.f32 v9, $5.000000000e-01  }
0x26: {  	v15 =	vshra.s32 v13, $0x1F;
	v4 =	vsel vm7, $0x1, v0;
	vm10 =	vmand vm10, vm11  }
0x27: {  	v6 =	vsel vm8, $0x1, v0;
	vm1 =	vmand vm15, vm1;
	v5 =	vsel vm6, $0x1, v0  }
0x28: {  	v12 =	vld [tilespmem:s16+$0x0];
	vm11 =	vmand vm12, vm13;
	v8 =	vsel vm9, $0x1, v0;
	vm7 =	vmneg vm7  }
0x29: {  	v9 =	vld [tilespmem:s16+$0x10];
	vm8 =	vmneg vm8;
	v7 =	vsel vm1, $0x1, v0;
	vm1 =	vmand vm14, vm2  }
0x2a: {  	v11 =	vld [tilespmem:s16+$0x20];
	v8 =	vadd.s32 v8, v0;
	vm2 =	vmneg vm6;
	vm7 =	vmand vm0, vm7  }
0x2b: {  	v7 =	vadd.s32 v7, v0;
	v10 =	vsel vm1, $0x1, v0;
	v5 =	vadd.s32 v5, v8  }
0x2c: {  	s17 =	simm.s32 $0x40;
	v8 =	vsel vm11, $0x1, v0;
	v7 =	vadd.s32 v10, v7;
	v4 =	vadd.s32 v4, v5  }
0x2d: {  	v5 =	vsel vm10, $0x1, v0;
	v10 =	vshra.s32 v12, $0x1F;
	v7 =	vadd.s32 v8, v7;
	v8 =	vld [tilespmem:s17+$0x4020]  }
0x2e: {  	v4 =	vadd.s32 v6, v4;
	v6 =	vshra.s32 v9, $0x1F;
	v5 =	vadd.s32 v5, v7;
	v7 =	vld [tilespmem:s17+$0x8030]  }
0x2f: {  	v14 =	vshra.s32 v11, $0x1F;
	v10 =	vand.u32 $0x7FFFFFFF, v10;
	v16 =	vand.u32 $0x7FFFFFFF, v6;
	v6 =	vld [tilespmem:s17+$0x4030]  }
0x30: {  	vm8 =	vmand vm0, vm8;
	v14 =	vand.u32 $0x7FFFFFFF, v14;
	v12 =	vxor.u32 v10, v12;
	v10 =	vld [tilespmem:s17+$0x8020]  }
0x31: {  	vm1 =	vmneg vm9;
	vm6 =	vmand vm0, vm2;
	v14 =	vxor.u32 v14, v11;
	v11 =	vld [tilespmem:s17+$0x4010]  }
0x32: {  	v16 =	vxor.u32 v16, v9;
	v9 =	vand.u32 $0x7FFFFFFF, v15;
	v17 =	vxor.u32 $0x80000000, v12;
	v12 =	vld [tilespmem:s17+$0x4000]  }
0x33: {  	vm1 =	vmand vm0, vm1;
	v13 =	vxor.u32 v9, v13;
	v9 =	vld [tilespmem:s17+$0x8010];
	v15 =	vxor.u32 $0x80000000, v16  }
0x34: {  	s18 =	simm.s32 $0x200;
	v14 =	vxor.u32 $0x80000000, v14;
	v17 =	vsel vm1, $0x0, v17;
	v16 =	vxor.u32 $0x80000000, v13;
	v13 =	vld [tilespmem:s17+$0x8000]  }
.LBB2_2:
0x35: {  	p1 =	sne.s32 s18, $0xFF00;
	v18 =	vld [tilespmem:s17+$0x0];
	v15 =	vsel vm6, $0x0, v15;
	v14 =	vsel vm7, $0x0, v14;
	v16 =	vsel vm8, $0x0, v16;
	[tilespmem:s16+$0xC000] =	vst v17  }
0x36: {  	vm1 =	vgt.f32 v6, $5.000000000e-01;
	vm2 =	vgt.f32 v7, $5.000000000e-01;
	v17 =	vld [tilespmem:s17+$0x10];
	vm6 =	vlt.f32 v11, $5.000000000e-01;
	[tilespmem:s16+$0xC010] =	vst v15  }
0x37: {  	vm7 =	vlt.f32 v8, $5.000000000e-01;
	vm10 =	vgt.f32 v8, $5.000000000e-01;
	vm11 =	vgt.f32 v10, $5.000000000e-01;
	v15 =	vld [tilespmem:s17+$0x20];
	[tilespmem:s16+$0xC020] =	vst v14  }
0x38: {  	vm8 =	vlt.f32 v6, $5.000000000e-01;
	vm12 =	vgt.f32 v11, $5.000000000e-01;
	v14 =	vld [tilespmem:s17+$0x30];
	vm9 =	vlt.f32 v12, $5.000000000e-01;
	[tilespmem:s16+$0xC030] =	vst v16;
	s16 =	smov.u32 s17  }
0x39: {  	vm15 =	vgt.f32 v9, $5.000000000e-01;
	vm13 =	vgt.f32 v12, $5.000000000e-01;
	vm14 =	vgt.f32 v13, $5.000000000e-01  }
0x3a: {  	v6 =	vsel vm7, $0x1, v0;
	vm1 =	vmand vm1, vm2;
	v7 =	vsel vm8, $0x1, v0  }
0x3b: {  	vm10 =	vmand vm10, vm11;
	v8 =	vsel vm6, $0x1, v0;
	vm2 =	vmand vm13, vm14  }
0x3c: {  	v10 =	vsel vm9, $0x1, v0;
	v9 =	vsel vm2, $0x1, v0;
	vm2 =	vmand vm12, vm15  }
0x3d: {  	v4 =	vadd.s32 v10, v4;
	v5 =	vadd.s32 v9, v5;
	v9 =	vsel vm2, $0x1, v0  }
0x3e: {  	v4 =	vadd.s32 v8, v4;
	v8 =	vsel vm10, $0x1, v0;
	v5 =	vadd.s32 v9, v5  }
0x3f: {  	v4 =	vadd.s32 v6, v4;
	v6 =	vsel vm1, $0x1, v0;
	v5 =	vadd.s32 v8, v5  }
0x40: {  	s17 =	sshra.s32 s18, $0x2;
	v9 =	vshra.s32 v18, $0x1F;
	v4 =	vadd.s32 v7, v4;
	v5 =	vadd.s32 v6, v5  }
0x41: {  	v10 =	vshra.s32 v15, $0x1F;
	v11 =	vshra.s32 v14, $0x1F;
	v6 =	vshra.s32 v17, $0x1F;
	v7 =	vld [tilespmem:s17+$0x8030]  }
0x42: {  	v13 =	vand.u32 $0x7FFFFFFF, v10;
	v9 =	vand.u32 $0x7FFFFFFF, v9;
	v12 =	vand.u32 $0x7FFFFFFF, v6;
	v8 =	vld [tilespmem:s17+$0x4020]  }
0x43: {  	v16 =	vxor.u32 v9, v18;
	v9 =	vand.u32 $0x7FFFFFFF, v11;
	v12 =	vxor.u32 v12, v17;
	v6 =	vld [tilespmem:s17+$0x4030]  }
.Ltmp0:
0x44: {  	vm1 =	vmneg vm9;
	v13 =	vxor.u32 v13, v15;
	v17 =	vxor.u32 v9, v14;
	v10 =	vld [tilespmem:s17+$0x8020];
	(pc) =	sbr.rel @p1 .LBB2_2-.Ltmp0, $4  }
0x45: {  	vm7 =	vmneg vm7;
	vm8 =	vmneg vm8;
	vm2 =	vmneg vm6;
	v11 =	vld [tilespmem:s17+$0x4010]  }
0x46: {  	v18 =	vxor.u32 $0x80000000, v16;
	v14 =	vxor.u32 $0x80000000, v13;
	v15 =	vxor.u32 $0x80000000, v12;
	v9 =	vld [tilespmem:s17+$0x8010]  }
0x47: {  	vm1 =	vmand vm0, vm1;
	vm6 =	vmand vm0, vm2;
	v16 =	vxor.u32 $0x80000000, v17;
	v12 =	vld [tilespmem:s17+$0x4000]  }
0x48: {  	vm7 =	vmand vm0, vm7;
	vm8 =	vmand vm0, vm8;
	s18 =	sadd.s32 $0x100, s18;
	v17 =	vsel vm1, $0x0, v18;
	v13 =	vld [tilespmem:s17+$0x8000]  }
0x49: {  	v15 =	vsel vm6, $0x0, v15  }
0x4a: {  	v14 =	vsel vm7, $0x0, v14;
	v16 =	vsel vm8, $0x0, v16;
	vm1 =	vgt.f32 v6, $5.000000000e-01  }
0x4b: {  	vm2 =	vgt.f32 v7, $5.000000000e-01;
	vm8 =	vlt.f32 v8, $5.000000000e-01;
	vm11 =	vgt.f32 v8, $5.000000000e-01  }
0x4c: {  	vm12 =	vgt.f32 v10, $5.000000000e-01;
	vm9 =	vlt.f32 v6, $5.000000000e-01;
	vm6 =	vlt.f32 v11, $5.000000000e-01  }
0x4d: {  	v18 =	vld [tilespmem:s17+$0x0];
	vm13 =	vgt.f32 v11, $5.000000000e-01;
	v49 =	vsel vm8, $0x1, v0;
	vm7 =	vmand vm1, vm2  }
0x4e: {  	[tilespmem:s16+$0xC000] =	vst v17;
	vm2 =	vmand vm11, vm12;
	v56 =	vsel vm9, $0x1, v0;
	vm3 =	vgt.f32 v9, $5.000000000e-01  }
0x4f: {  	v7 =	vld [tilespmem:s17+$0x10];
	[tilespmem:s16+$0xC010] =	vst v15;
	v50 =	vsel vm6, $0x1, v0;
	v55 =	vsel vm2, $0x1, v0;
	vm2 =	vmneg vm6  }
0x50: {  	v6 =	vld [tilespmem:s17+$0x20];
	vm6 =	vmneg vm9;
	vm10 =	vlt.f32 v12, $5.000000000e-01;
	vm14 =	vgt.f32 v12, $5.000000000e-01  }
0x51: {  	[tilespmem:s16+$0xC020] =	vst v14;
	vm2 =	vmand vm0, vm2;
	vm15 =	vgt.f32 v13, $5.000000000e-01;
	v53 =	vsel vm10, $0x1, v0  }
0x52: {  	v51 =	vld [tilespmem:s17+$0x30];
	vm1 =	vmand vm14, vm15;
	v4 =	vadd.s32 v53, v4;
	v57 =	vshra.s32 v18, $0x1F  }
0x53: {  	v52 =	vsel vm1, $0x1, v0;
	vm1 =	vmand vm13, vm3;
	v4 =	vadd.s32 v50, v4  }
0x54: {  	v58 =	vshra.s32 v7, $0x1F;
	v9 =	vand.u32 $0x7FFFFFFF, v57;
	vm3 =	vmneg vm8  }
0x55: {  	v5 =	vadd.s32 v52, v5;
	v54 =	vsel vm1, $0x1, v0;
	v59 =	vshra.s32 v6, $0x1F  }
0x56: {  	v11 =	vand.u32 $0x7FFFFFFF, v58;
	v9 =	vxor.u32 v9, v18;
	vm1 =	vmneg vm10  }
0x57: {  	v5 =	vadd.s32 v54, v5;
	v60 =	vshra.s32 v51, $0x1F;
	v13 =	vand.u32 $0x7FFFFFFF, v59  }
0x58: {  	v7 =	vxor.u32 v11, v7;
	v9 =	vxor.u32 $0x80000000, v9;
	vm1 =	vmand vm0, vm1  }
0x59: {  	p1 =	por $0x1, $0x1;
	v5 =	vadd.s32 v55, v5;
	v61 =	vand.u32 $0x7FFFFFFF, v60;
	v6 =	vxor.u32 v13, v6  }
.Ltmp1:
0x5a: {  	[tilespmem:s16+$0xC030] =	vst v16;
	v7 =	vxor.u32 $0x80000000, v7;
	v9 =	vsel vm1, $0x0, v9;
	vm1 =	vmand vm0, vm3;
	(pc) =	sbr.rel @!p1 .LBB2_5-.Ltmp1, $4  }
0x5b: {  	v10 =	vxor.u32 v61, v51;
	v6 =	vxor.u32 $0x80000000, v6;
	v7 =	vsel vm2, $0x0, v7;
	[tilespmem:s17+$0xC000] =	vst v9  }
0x5c: {  	vm2 =	vmand vm0, vm6;
	v62 =	vxor.u32 $0x80000000, v10;
	v6 =	vsel vm1, $0x0, v6;
	[tilespmem:s17+$0xC010] =	vst v7  }
0x5d: {  	v7 =	vadd.s32 v49, v4;
	v4 =	vsel vm7, $0x1, v0;
	v63 =	vsel vm2, $0x0, v62;
	[tilespmem:s17+$0xC020] =	vst v6  }
0x5e: {  	s18 =	simm.s32 $0x100;
	s16 =	simm.s32 $0x0;
	v4 =	vadd.s32 v4, v5;
	v5 =	vadd.s32 v56, v7;
	[tilespmem:s17+$0xC030] =	vst v63;
	s17 =	simm.s32 $0x0  }
.LBB2_4:
0x5f: {  	p1 =	sne.s32 s18, $0x3F00;
	[tilespmem:s17+$0x10030] =	vst v0;
	s19 =	smov.u32 s18;
	s18 =	sadd.s32 $0x100, s18  }
.Ltmp2:
0x60: {  	[tilespmem:s17+$0x10020] =	vst v0;
	(pc) =	sbr.rel @p1 .LBB2_4-.Ltmp2, $3  }
0x61: {  	[tilespmem:s17+$0x10000] =	vst v0  }
0x62: {  	[tilespmem:s17+$0x10010] =	vst v0;
	_ =	sdelay $0x1  }
0x63: {  	s17 =	sshra.s32 s19, $0x2  }
.LBB2_5:
0x64: {  	[tilespmem:s17+$0x10030] =	vst v0  }
0x65: {  	[tilespmem:s17+$0x10020] =	vst v0  }
0x66: {  	[tilespmem:s17+$0x10000] =	vst v0  }
0x67: {  	[tilespmem:s17+$0x10010] =	vst v0  }
.LBB2_6:
0x68: {  	s17 =	sshra.s32 s16, $0x2  }
0x69: {  	v6 =	vld [tilespmem:s17+$0xC000]  }
0x6a: {  	v7 =	vld [tilespmem:s17+$0xC010]  }
0x6b: {  	v8 =	vld [tilespmem:s17+$0xC020]  }
0x6c: {  	v9 =	vld [tilespmem:s17+$0xC030]  }
0x6d: {  	v10 =	vld [tilespmem:s17+$0xC040]  }
0x6e: {  	v11 =	vld [tilespmem:s17+$0xC050];
	v6 =	vshrl.u32 v6, $0x14  }
0x6f: {  	v12 =	vld [tilespmem:s17+$0xC060];
	v7 =	vshrl.u32 v7, $0x14;
	v6 =	vand.u32 $0xFF0, v6  }
0x70: {  	v13 =	vld [tilespmem:s17+$0xC070];
	v8 =	vshrl.u32 v8, $0x14;
	v7 =	vand.u32 $0xFF0, v7;
	v6 =	vor.u32 v1, v6  }
0x71: {  	v9 =	vshrl.u32 v9, $0x14;
	v8 =	vand.u32 $0xFF0, v8;
	v7 =	vor.u32 v1, v7  }
0x72: {  	v10 =	vshrl.u32 v10, $0x14;
	v9 =	vand.u32 $0xFF0, v9;
	v8 =	vor.u32 v1, v8  }
0x73: {  	v11 =	vshrl.u32 v11, $0x14;
	v10 =	vand.u32 $0xFF0, v10;
	v9 =	vor.u32 v1, v9  }
0x74: {  	v12 =	vshrl.u32 v12, $0x14;
	v11 =	vand.u32 $0xFF0, v11;
	v10 =	vor.u32 v1, v10  }
0x75: {  	v13 =	vshrl.u32 v13, $0x14;
	v61 =	vand.u32 $0xFF0, v12;
	[tilespmem:v6+s13+$0x0] =	vst.idx.add.s32.msk $0xffff, v2;
	v6 =	vor.u32 v1, v11  }
0x76: {  	v62 =	vand.u32 $0xFF0, v13;
	[tilespmem:v7+s13+$0x0] =	vst.idx.add.s32.msk $0xffff, v2;
	v7 =	vor.u32 v1, v61  }
0x77: {  	p1 =	sne.s32 s16, $0xFE00;
	v63 =	vor.u32 v1, v62;
	[tilespmem:v8+s13+$0x0] =	vst.idx.add.s32.msk $0xffff, v2  }
.Ltmp3:
0x78: {  	[tilespmem:v9+s13+$0x0] =	vst.idx.add.s32.msk $0xffff, v2;
	(pc) =	sbr.rel @p1 .LBB2_6-.Ltmp3, $4  }
0x79: {  	[tilespmem:v10+s13+$0x0] =	vst.idx.add.s32.msk $0xffff, v2  }
0x7a: {  	[tilespmem:v6+s13+$0x0] =	vst.idx.add.s32.msk $0xffff, v2  }
0x7b: {  	[tilespmem:v7+s13+$0x0] =	vst.idx.add.s32.msk $0xffff, v2  }
0x7c: {  	s16 =	sadd.s32 $0x200, s16;
	[tilespmem:v63+s13+$0x0] =	vst.idx.add.s32.msk $0xffff, v2  }
0x7d: {  	s16 =	simm.s32 $0x10080  }
0x7e: {  	v6 =	vld [tilespmem:s16+$0xFFFFFF80]  }
0x7f: {  	v7 =	vld [tilespmem:s16+$0xFFFFFF90]  }
0x80: {  	v8 =	vld [tilespmem:s16+$0xFFFFFFA0]  }
0x81: {  	v9 =	vld [tilespmem:s16+$0xFFFFFFB0]  }
0x82: {  	v10 =	vld [tilespmem:s16+$0xFFFFFFC0]  }
0x83: {  	v11 =	vld [tilespmem:s16+$0xFFFFFFD0]  }
0x84: {  	v6 =	vadd.s32 v6, v7;
	v7 =	vld [tilespmem:s16+$0xFFFFFFE0]  }
0x85: {  	v6 =	vadd.s32 v8, v6;
	v8 =	vld [tilespmem:s16+$0xFFFFFFF0]  }
0x86: {  	v6 =	vadd.s32 v9, v6;
	v9 =	vld [tilespmem:s16+$0x0]  }
0x87: {  	v6 =	vadd.s32 v10, v6;
	v10 =	vld [tilespmem:s16+$0x10]  }
0x88: {  	v6 =	vadd.s32 v11, v6;
	v11 =	vld [tilespmem:s16+$0x20]  }
0x89: {  	v12 =	vld [tilespmem:s16+$0x30];
	v6 =	vadd.s32 v7, v6  }
0x8a: {  	v13 =	vld [tilespmem:s16+$0x40];
	v6 =	vadd.s32 v8, v6  }
0x8b: {  	v7 =	vld [tilespmem:s16+$0x50];
	v6 =	vadd.s32 v9, v6  }
0x8c: {  	v8 =	vld [tilespmem:s16+$0x60];
	v6 =	vadd.s32 v10, v6  }
0x8d: {  	s18 =	simm.s32 $0x10180;
	v9 =	vld [tilespmem:s16+$0x70];
	v6 =	vadd.s32 v11, v6  }
0x8e: {  	v10 =	vld [tilespmem:s18+$0xFFFFFF80];
	v11 =	vadd.s32 v12, v6  }
0x8f: {  	s17 =	simm.s32 $0x0;
	s19 =	simm.s32 $0x2;
	s16 =	simm.s32 $0x1;
	v6 =	vimm.s32 $0x0;
	v12 =	vld [tilespmem:s18+$0xFFFFFF90];
	v11 =	vadd.s32 v13, v11  }
.LBB2_8:
0x90: {  	p1 =	sne.s32 s19, $0xF;
	v13 =	vld [tilespmem:s18+$0xFFFFFFA0];
	v7 =	vadd.s32 v7, v11  }
0x91: {  	v11 =	vld [tilespmem:s18+$0xFFFFFFB0];
	v7 =	vadd.s32 v8, v7  }
0x92: {  	v8 =	vld [tilespmem:s18+$0xFFFFFFC0];
	v7 =	vadd.s32 v9, v7  }
0x93: {  	v9 =	vld [tilespmem:s18+$0xFFFFFFD0];
	(xrf0) =	vadd.scan.msk.s32 $0xffff, v7  }
0x94: {  	v7 =	vadd.s32 v10, v12;
	v10 =	vld [tilespmem:s18+$0xFFFFFFE0]  }
0x95: {  	v7 =	vadd.s32 v13, v7;
	v12 =	vld [tilespmem:s18+$0xFFFFFFF0]  }
0x96: {  	v7 =	vadd.s32 v11, v7;
	v11 =	vld [tilespmem:s18+$0x0]  }
0x97: {  	v7 =	vadd.s32 v8, v7;
	v8 =	vld [tilespmem:s18+$0x10]  }
0x98: {  	v7 =	vadd.s32 v9, v7;
	v9 =	vld [tilespmem:s18+$0x20]  }
0x99: {  	v7 =	vadd.s32 v10, v7;
	v13 =	vld [tilespmem:s18+$0x30];
	v10, _, _ =	vpop (xrf0)  }
0x9a: {  	v7 =	vadd.s32 v12, v7;
	v14 =	vld [tilespmem:s18+$0x40];
	v12 =	vmov s17;
	v10 =	vbroadcast v10, $0xF;
	s17 =	smov.u32 s16;
	s16 =	smov.u32 s19  }
.Ltmp4:
0x9b: {  	v11 =	vadd.s32 v11, v7;
	v7 =	vld [tilespmem:s18+$0x50];
	vm1 =	veq.s32 v12, v1;
	(pc) =	sbr.rel @p1 .LBB2_8-.Ltmp4, $4  }
0x9c: {  	v11 =	vadd.s32 v8, v11;
	v8 =	vld [tilespmem:s18+$0x60];
	v10 =	vnsel vm1, $0x0, v10  }
0x9d: {  	v11 =	vadd.s32 v9, v11;
	v9 =	vld [tilespmem:s18+$0x70];
	s18 =	sadd.s32 $0x100, s18;
	v6 =	vadd.s32 v6, v10  }
0x9e: {  	v10 =	vld [tilespmem:s18+$0xFFFFFF80];
	v11 =	vadd.s32 v13, v11  }
0x9f: {  	s19 =	sadd.s32 $0x1, s19;
	v12 =	vld [tilespmem:s18+$0xFFFFFF90];
	v11 =	vadd.s32 v14, v11  }
0xa0: {  	v13 =	vld [tilespmem:s18+$0xFFFFFFA0]  }
0xa1: {  	v14 =	vld [tilespmem:s18+$0xFFFFFFB0]  }
0xa2: {  	v15 =	vld [tilespmem:s18+$0xFFFFFFC0]  }
0xa3: {  	v16 =	vld [tilespmem:s18+$0xFFFFFFD0]  }
0xa4: {  	v54 =	vld [tilespmem:s18+$0xFFFFFFE0];
	v10 =	vadd.s32 v10, v12  }
0xa5: {  	v55 =	vld [tilespmem:s18+$0xFFFFFFF0];
	v10 =	vadd.s32 v13, v10  }
0xa6: {  	v56 =	vld [tilespmem:s18+$0x0];
	v10 =	vadd.s32 v14, v10  }
0xa7: {  	v57 =	vld [tilespmem:s18+$0x10];
	v10 =	vadd.s32 v15, v10  }
0xa8: {  	v58 =	vld [tilespmem:s18+$0x20];
	v10 =	vadd.s32 v16, v10  }
0xa9: {  	v59 =	vld [tilespmem:s18+$0x30];
	v10 =	vadd.s32 v54, v10  }
0xaa: {  	v60 =	vld [tilespmem:s18+$0x40];
	v10 =	vadd.s32 v55, v10  }
0xab: {  	v61 =	vld [tilespmem:s18+$0x50];
	v10 =	vadd.s32 v56, v10  }
0xac: {  	v62 =	vld [tilespmem:s18+$0x60];
	v10 =	vadd.s32 v57, v10  }
0xad: {  	v63 =	vld [tilespmem:s18+$0x70];
	v10 =	vadd.s32 v58, v10  }
0xae: {  	v10 =	vadd.s32 v59, v10  }
0xaf: {  	v7 =	vadd.s32 v7, v11;
	v10 =	vadd.s32 v60, v10  }
0xb0: {  	v7 =	vadd.s32 v8, v7;
	v8 =	vadd.s32 v61, v10  }
0xb1: {  	v7 =	vadd.s32 v9, v7;
	v8 =	vadd.s32 v62, v8  }
0xb2: {  	(xrf0) =	vadd.scan.msk.s32 $0xffff, v7;
	v7 =	vadd.s32 v63, v8  }
0xb3: {  	(xrf0) =	vadd.scan.msk.s32 $0xffff, v7  }
0xb4: {  	(xrf0) =	vadd.scan.msk.s32 $0xffff, v4  }
0xb5: {  	(xrf0) =	vadd.scan.msk.s32 $0xffff, v5;
	_ =	sdelay $0x2  }
0xb6: {  	v7, _, _ =	vpop (xrf0)  }
0xb7: {  	v8, _, _ =	vpop (xrf0)  }
0xb8: {  	v4, _, _ =	vpop (xrf0)  }
0xb9: {  	(v2sf) =	vpush v4, $0xF;
	v5, _, _ =	vpop (xrf0)  }
0xba: {  	(v2sf) =	vpush v5, $0xF;
	_ =	sdelay $0x5  }
0xbb: {  	v9 =	vmov s17;
	v7 =	vbroadcast v7, $0xF  }
0xbc: {  	vm1 =	veq.s32 v9, v1;
	v9 =	vmov s16;
	v8 =	vbroadcast v8, $0xF  }
0xbd: {  	v7 =	vnsel vm1, $0x0, v7;
	vm1 =	veq.s32 v9, v1  }
0xbe: {  	v6 =	vadd.s32 v6, v7;
	v7 =	vnsel vm1, $0x0, v8  }
0xbf: {  	v7 =	vadd.s32 v6, v7  }
0xc0: {  	(xrf0) =	vadd.scan.msk.s32 $0xffff, v7;
	_ =	sdelay $0x2  }
0xc1: {  	s23 =	spop (v2sf)  }
0xc2: {  	s16 =	spop (v2sf);
	s17 =	smul.u32 $0x3, s23  }
0xc3: {  	s24 =	sshra.s32 s16, $0x1  }
0xc4: {  	s19 =	simm.s32 $0x3FFF;
	v6, _, _ =	vpop (xrf0);
	p1 =	slt.s32 s24, $0x1;
	p2 =	slt.s32 s17, s16  }
0xc5: {  	v8 =	vbroadcast v6, $0xF;
	s19 =	simm.s32 @!p1 $0xFFFFFFFF;
	s16 =	smov.u32 @p2 s17  }
0xc6: {  	s25 =	sadd.s32 s19, s24;
	p1 =	sgt.s32 s16, $0x1;
	s18 =	smov.u32 s16  }
0xc7: {  	v6 =	vsub.s32 v8, v6;
	s17 =	sadd.s32 $0x1, s25;
	s18 =	simm.s32 @!p1 $0x1  }
0xc8: {  	v7 =	vadd.s32 v7, v6;
	s17 =	smov.u32 @p0 s18  }
0xc9: {  	vm1 =	vlt.s32 v6, s17;
	vm2 =	vge.s32 v7, s17  }
0xca: {  	vm6 =	vmand vm1, vm2  }
0xcb: {  	v7 =	vnsel vm6, $0x0, v1  }
0xcc: {  	(xrf0) =	vadd.scan.msk.s32 $0xffff, v7;
	_ =	sdelay $0x5  }
0xcd: {  	v7, _, _ =	vpop (xrf0)  }
0xce: {  	(v2sf) =	vpush v7, $0xF;
	_ =	sdelay $0xe  }
0xcf: {  	s18 =	spop (v2sf)  }
0xd0: {  	s26 =	sshll.u32 s18, $0xA  }
0xd1: {  	s20 =	simm.s32 $0x0;
	s19 =	sshra.s32 s26, $0x2  }
0xd2: {  	s21 =	sand.u32 $0x80, s20;
	s19 =	sadd.s32 $0x10000, s19  }
0xd3: {  	s22 =	sand.u32 $0x70, s20;
	s21 =	sadd.s32 s21, s19  }
0xd4: {  	s21 =	sadd.s32 s22, s21  }
0xd5: {  	v7 =	vld [tilespmem:s21+$0x0];
	_ =	sdelay $0x2  }
0xd6: {  	s28 =	simm.s32 $0x10  }
0xd7: {  	s29 =	sand.u32 $0x80, s28  }
0xd8: {  	s22 =	sadd.s32 s29, s19;
	s21 =	sand.u32 $0x70, s28;
	(xrf0) =	vadd.scan.msk.s32 $0xffff, v7  }
0xd9: {  	s21 =	sadd.s32 s21, s22  }
0xda: {  	v9 =	vld [tilespmem:s21+$0x0];
	_ =	sdelay $0x1  }
0xdb: {  	s30 =	simm.s32 $0x20  }
0xdc: {  	s31 =	sand.u32 $0x80, s30  }
0xdd: {  	s22 =	sadd.s32 s31, s19;
	s21 =	sand.u32 $0x70, s30;
	v7, _, _ =	vpop (xrf0)  }
0xde: {  	v8 =	vmov s20;
	s23 =	sadd.s32 s21, s22;
	(xrf0) =	vadd.scan.msk.s32 $0xffff, v9;
	v10 =	vbroadcast v7, $0xF  }
0xdf: {  	s20 =	simm.s32 $0x1;
	vm1 =	veq.s32 v8, v1;
	v9 =	vld [tilespmem:s23+$0x0]  }
0xe0: {  	v8 =	vimm.s32 $0x0;
	s21 =	simm.s32 $0x2;
	s22 =	simm.s32 $0x3;
	s23 =	simm.s32 $0x30;
	v7 =	vmov s17;
	v10 =	vnsel vm1, $0x0, v10  }
.LBB2_10:
0xe1: {  	s24 =	sand.u32 $0x80, s23  }
0xe2: {  	p1 =	sne.s32 s22, $0xF;
	v8 =	vadd.s32 v8, v10;
	s25 =	smov.u32 s22;
	s22 =	sadd.s32 $0x1, s22  }
.Ltmp5:
0xe3: {  	s26 =	sand.u32 $0x70, s23;
	s24 =	sadd.s32 s24, s19;
	(pc) =	sbr.rel @p1 .LBB2_10-.Ltmp5, $4  }
0xe4: {  	s24 =	sadd.s32 s26, s24;
	(xrf0) =	vadd.scan.msk.s32 $0xffff, v9;
	v10, _, _ =	vpop (xrf0)  }
0xe5: {  	v11 =	vmov s20;
	s20 =	smov.u32 s21;
	s21 =	smov.u32 s25;
	v9 =	vld [tilespmem:s24+$0x0];
	v10 =	vbroadcast v10, $0xF  }
0xe6: {  	vm1 =	veq.s32 v11, v1  }
0xe7: {  	s23 =	sadd.s32 $0x10, s23;
	v10 =	vnsel vm1, $0x0, v10  }
0xe8: {  	_ =	sdelay $0x1  }
0xe9: {  	(xrf0) =	vadd.scan.msk.s32 $0xffff, v9;
	_ =	sdelay $0x4  }
0xea: {  	v9, _, _ =	vpop (xrf0)  }
0xeb: {  	v11 =	vmov s20;
	v9 =	vbroadcast v9, $0xF;
	v12, _, _ =	vpop (xrf0)  }
0xec: {  	vm1 =	veq.s32 v11, v1;
	v11 =	vmov s21;
	v12 =	vbroadcast v12, $0xF  }
0xed: {  	v8 =	vadd.s32 v8, v10;
	v9 =	vnsel vm1, $0x0, v9;
	vm1 =	veq.s32 v11, v1  }
0xee: {  	v8 =	vadd.s32 v8, v9;
	v9 =	vnsel vm1, $0x0, v12  }
0xef: {  	s20 =	simm.s32 $0x100;
	s19 =	simm.s32 $0x0;
	v8 =	vadd.s32 v8, v9  }
.LBB2_12:
0xf0: {  	p1 =	sne.s32 s20, $0x3F00;
	[tilespmem:s19+$0x10030] =	vst v0;
	s21 =	smov.u32 s20;
	s20 =	sadd.s32 $0x100, s20  }
.Ltmp6:
0xf1: {  	[tilespmem:s19+$0x10020] =	vst v0;
	(pc) =	sbr.rel @p1 .LBB2_12-.Ltmp6, $3  }
0xf2: {  	[tilespmem:s19+$0x10000] =	vst v0  }
0xf3: {  	[tilespmem:s19+$0x10010] =	vst v0;
	_ =	sdelay $0x1  }
0xf4: {  	s19 =	sshra.s32 s21, $0x2  }
0xf5: {  	v6 =	vnsel vm6, $0x0, v6  }
0xf6: {  	(xrf0) =	vadd.scan.msk.s32 $0xffff, v6  }
0xf7: {  	(xrf0) =	vadd.scan.msk.s32 $0xffff, v8;
	_ =	sdelay $0x4  }
0xf8: {  	v6, _, _ =	vpop (xrf0)  }
0xf9: {  	(v2sf) =	vpush v6, $0xF;
	v6, _, _ =	vpop (xrf0)  }
0xfa: {  	(v2sf) =	vpush v6, $0xF;
	_ =	sdelay $0xd  }
0xfb: {  	s20 =	spop (v2sf)  }
0xfc: {  	s21 =	spop (v2sf)  }
0xfd: {  	s20 =	sadd.s32 s20, s21  }
0xfe: {  	v6 =	vsub.s32 s20, v6  }
0xff: {  	v8 =	vadd.s32 v8, v6  }
0x100: {  	vm1 =	vlt.s32 v6, v7;
	vm2 =	vge.s32 v8, v7  }
0x101: {  	vm6 =	vmand vm1, vm2  }
0x102: {  	v7 =	vnsel vm6, $0x0, v1  }
0x103: {  	(xrf0) =	vadd.scan.msk.s32 $0xffff, v7;
	_ =	sdelay $0x5  }
0x104: {  	v7, _, _ =	vpop (xrf0)  }
0x105: {  	(v2sf) =	vpush v7, $0xF;
	_ =	sdelay $0x2  }
0x106: {  	[tilespmem:s19+$0x10030] =	vst v0  }
0x107: {  	[tilespmem:s19+$0x10020] =	vst v0  }
0x108: {  	[tilespmem:s19+$0x10000] =	vst v0  }
0x109: {  	[tilespmem:s19+$0x10010] =	vst v0;
	s30 =	simm.s32 $0x0  }
0x10a: {  	v9 =	vld [tilespmem:s30+$0xC000]  }
0x10b: {  	v11 =	vld [tilespmem:s30+$0xC030]  }
0x10c: {  	v13 =	vld [tilespmem:s30+$0xC040]  }
0x10d: {  	v8 =	vld [tilespmem:s30+$0xC010]  }
0x10e: {  	v57 =	vld [tilespmem:s30+$0xC050];
	_ =	sdelay $0x2  }
0x10f: {  	v10 =	vld [tilespmem:s30+$0xC020];
	v14 =	vshrl.u32 v9, $0xC;
	v9 =	vshrl.u32 v9, $0x18;
	v16 =	vshrl.u32 v11, $0xC  }
0x110: {  	s18 =	sshll.u32 s18, $0x4;
	v11 =	vshrl.u32 v11, $0x18;
	v58 =	vshrl.u32 v13, $0xC;
	v12 =	vshrl.u32 v8, $0xC;
	s31 =	spop (v2sf)  }
0x111: {  	v15 =	vld [tilespmem:s30+$0xC060];
	v13 =	vshrl.u32 v13, $0x18;
	v60 =	vshrl.u32 v57, $0xC;
	v12 =	vand.u32 $0xFF0, v12;
	s18 =	sadd.s32 s18, s31  }
0x112: {  	v8 =	vshrl.u32 v8, $0x18;
	v12 =	vor.u32 v1, v12;
	v7 =	vmov s18  }
0x113: {  	vm8 =	veq.s32 v8, v7;
	vm1 =	veq.s32 v9, v7;
	v9 =	vand.u32 $0xFF0, v14  }
0x114: {  	v8 =	vshrl.u32 v10, $0xC;
	v10 =	vshrl.u32 v10, $0x18;
	v9 =	vor.u32 v1, v9  }
0x115: {  	vm3 =	veq.s32 v11, v7;
	v11 =	vld [tilespmem:s30+$0xC070];
	v8 =	vand.u32 $0xFF0, v8;
	vm2 =	veq.s32 v10, v7  }
0x116: {  	v61 =	vshrl.u32 v15, $0x18;
	v10 =	vand.u32 $0xFF0, v16;
	v59 =	vor.u32 v1, v8  }
0x117: {  	vm7 =	veq.s32 v13, v7;
	v8 =	vand.u32 $0xFF0, v58;
	v17 =	vor.u32 v1, v10  }
0x118: {  	v14 =	vshrl.u32 v57, $0x18;
	vm10 =	veq.s32 v61, v7;
	v8 =	vor.u32 v1, v8  }
0x119: {  	v16 =	vand.u32 $0xFF0, v60;
	vm9 =	veq.s32 v14, v7;
	v10 =	vshrl.u32 v15, $0xC;
	[tilespmem:v9+s13+$0x0] =	vst.idx.add.s32.msk vm1, v2  }
0x11a: {  	v10 =	vand.u32 $0xFF0, v10;
	v62 =	vshrl.u32 v11, $0xC;
	v9 =	vor.u32 v1, v16;
	[tilespmem:v12+s13+$0x0] =	vst.idx.add.s32.msk vm8, v2  }
0x11b: {  	v10 =	vor.u32 v1, v10;
	v11 =	vshrl.u32 v11, $0x18;
	v63 =	vand.u32 $0xFF0, v62;
	[tilespmem:v59+s13+$0x0] =	vst.idx.add.s32.msk vm2, v2  }
0x11c: {  	s19 =	simm.s32 $0x0;
	s20 =	simm.s32 $0x200;
	vm8 =	veq.s32 v11, v7;
	v11 =	vor.u32 v1, v63;
	[tilespmem:v17+s13+$0x0] =	vst.idx.add.s32.msk vm3, v2  }
.LBB2_14:
0x11d: {  	p1 =	sne.s32 s20, $0xFE00;
	[tilespmem:v8+s13+$0x0] =	vst.idx.add.s32.msk vm7, v2;
	s21 =	smov.u32 s20;
	s20 =	sadd.s32 $0x200, s20  }
0x11e: {  	_ = 	snop  }
0x11f: {  	[tilespmem:v9+s13+$0x0] =	vst.idx.add.s32.msk vm9, v2  }
0x120: {  	[tilespmem:v10+s13+$0x0] =	vst.idx.add.s32.msk vm10, v2;
	_ =	sdelay $0x1  }
0x121: {  	s21 =	sshra.s32 s21, $0x2;
	[tilespmem:v11+s13+$0x0] =	vst.idx.add.s32.msk vm8, v2  }
0x122: {  	v8 =	vld [tilespmem:s21+$0xC010]  }
0x123: {  	v9 =	vld [tilespmem:s21+$0xC000]  }
0x124: {  	v10 =	vld [tilespmem:s21+$0xC020];
	_ =	sdelay $0x1  }
0x125: {  	v11 =	vld [tilespmem:s21+$0xC030]  }
0x126: {  	v12 =	vshrl.u32 v8, $0xC;
	v8 =	vshrl.u32 v8, $0x18  }
0x127: {  	v13 =	vld [tilespmem:s21+$0xC040];
	v14 =	vshrl.u32 v9, $0xC;
	v9 =	vshrl.u32 v9, $0x18;
	vm8 =	veq.s32 v8, v7  }
0x128: {  	v8 =	vshrl.u32 v10, $0xC;
	vm1 =	veq.s32 v9, v7;
	v9 =	vand.u32 $0xFF0, v14  }
0x129: {  	v12 =	vand.u32 $0xFF0, v12;
	v10 =	vshrl.u32 v10, $0x18;
	v14 =	vld [tilespmem:s21+$0xC050];
	v9 =	vor.u32 v1, v9  }
0x12a: {  	v8 =	vand.u32 $0xFF0, v8;
	v15 =	vld [tilespmem:s21+$0xC060];
	v16 =	vshrl.u32 v11, $0xC;
	v11 =	vshrl.u32 v11, $0x18  }
0x12b: {  	vm2 =	veq.s32 v10, v7;
	vm11 =	veq.s32 v11, v7;
	v10 =	vand.u32 $0xFF0, v16  }
0x12c: {  	v12 =	vor.u32 v1, v12;
	v11 =	vld [tilespmem:s21+$0xC070];
	v16 =	vshrl.u32 v13, $0xC;
	v13 =	vshrl.u32 v13, $0x18  }
0x12d: {  	vm7 =	veq.s32 v13, v7;
	v13 =	vor.u32 v1, v8;
	v8 =	vand.u32 $0xFF0, v16  }
0x12e: {  	v17 =	vor.u32 v1, v10;
	v16 =	vshrl.u32 v14, $0xC;
	[tilespmem:v9+s13+$0x0] =	vst.idx.add.s32.msk vm1, v2;
	v8 =	vor.u32 v1, v8  }
.Ltmp7:
0x12f: {  	v9 =	vshrl.u32 v14, $0x18;
	v10 =	vshrl.u32 v15, $0xC;
	v14 =	vand.u32 $0xFF0, v16;
	(pc) =	sbr.rel @p1 .LBB2_14-.Ltmp7, $4  }
0x130: {  	vm9 =	veq.s32 v9, v7;
	v15 =	vshrl.u32 v15, $0x18;
	v9 =	vor.u32 v1, v14  }
0x131: {  	vm10 =	veq.s32 v15, v7;
	v10 =	vand.u32 $0xFF0, v10;
	v14 =	vshrl.u32 v11, $0xC;
	[tilespmem:v12+s13+$0x0] =	vst.idx.add.s32.msk vm8, v2  }
0x132: {  	v11 =	vshrl.u32 v11, $0x18;
	v10 =	vor.u32 v1, v10;
	[tilespmem:v13+s13+$0x0] =	vst.idx.add.s32.msk vm2, v2;
	v12 =	vand.u32 $0xFF0, v14  }
0x133: {  	vm8 =	veq.s32 v11, v7;
	[tilespmem:v17+s13+$0x0] =	vst.idx.add.s32.msk vm11, v2;
	v11 =	vor.u32 v1, v12  }
0x134: {  	_ =	sdelay $0x4  }
0x135: {  	[tilespmem:v8+s13+$0x0] =	vst.idx.add.s32.msk vm7, v2  }
0x136: {  	[tilespmem:v9+s13+$0x0] =	vst.idx.add.s32.msk vm9, v2  }
0x137: {  	[tilespmem:v10+s13+$0x0] =	vst.idx.add.s32.msk vm10, v2  }
0x138: {  	s20 =	simm.s32 $0x10080;
	[tilespmem:v11+s13+$0x0] =	vst.idx.add.s32.msk vm8, v2  }
0x139: {  	v7 =	vld [tilespmem:s20+$0xFFFFFF80]  }
0x13a: {  	v8 =	vld [tilespmem:s20+$0xFFFFFF90]  }
0x13b: {  	v9 =	vld [tilespmem:s20+$0xFFFFFFA0]  }
0x13c: {  	v10 =	vld [tilespmem:s20+$0xFFFFFFB0]  }
0x13d: {  	v11 =	vld [tilespmem:s20+$0xFFFFFFC0]  }
0x13e: {  	v12 =	vld [tilespmem:s20+$0xFFFFFFD0]  }
0x13f: {  	v7 =	vadd.s32 v7, v8;
	v8 =	vld [tilespmem:s20+$0xFFFFFFE0]  }
0x140: {  	v7 =	vadd.s32 v9, v7;
	v9 =	vld [tilespmem:s20+$0xFFFFFFF0]  }
0x141: {  	v7 =	vadd.s32 v10, v7;
	v10 =	vld [tilespmem:s20+$0x0]  }
0x142: {  	v7 =	vadd.s32 v11, v7;
	v11 =	vld [tilespmem:s20+$0x10]  }
0x143: {  	v7 =	vadd.s32 v12, v7;
	v12 =	vld [tilespmem:s20+$0x20]  }
0x144: {  	v13 =	vld [tilespmem:s20+$0x30];
	v7 =	vadd.s32 v8, v7  }
0x145: {  	v14 =	vld [tilespmem:s20+$0x40];
	v7 =	vadd.s32 v9, v7  }
0x146: {  	v8 =	vld [tilespmem:s20+$0x50];
	v7 =	vadd.s32 v10, v7  }
0x147: {  	v9 =	vld [tilespmem:s20+$0x60];
	v7 =	vadd.s32 v11, v7  }
0x148: {  	s21 =	simm.s32 $0x10180;
	v10 =	vld [tilespmem:s20+$0x70];
	v7 =	vadd.s32 v12, v7  }
0x149: {  	v11 =	vld [tilespmem:s21+$0xFFFFFF80];
	v12 =	vadd.s32 v13, v7  }
0x14a: {  	s22 =	simm.s32 $0x2;
	s20 =	simm.s32 $0x1;
	v7 =	vimm.s32 $0x0;
	v13 =	vld [tilespmem:s21+$0xFFFFFF90];
	v12 =	vadd.s32 v14, v12  }
.LBB2_16:
0x14b: {  	p1 =	sne.s32 s22, $0xF;
	v14 =	vld [tilespmem:s21+$0xFFFFFFA0];
	v8 =	vadd.s32 v8, v12  }
0x14c: {  	v12 =	vld [tilespmem:s21+$0xFFFFFFB0];
	v8 =	vadd.s32 v9, v8  }
0x14d: {  	v9 =	vld [tilespmem:s21+$0xFFFFFFC0];
	v8 =	vadd.s32 v10, v8  }
0x14e: {  	v10 =	vld [tilespmem:s21+$0xFFFFFFD0];
	(xrf0) =	vadd.scan.msk.s32 $0xffff, v8  }
0x14f: {  	v8 =	vadd.s32 v11, v13;
	v11 =	vld [tilespmem:s21+$0xFFFFFFE0]  }
0x150: {  	v8 =	vadd.s32 v14, v8;
	v13 =	vld [tilespmem:s21+$0xFFFFFFF0]  }
0x151: {  	v8 =	vadd.s32 v12, v8;
	v12 =	vld [tilespmem:s21+$0x0]  }
0x152: {  	v8 =	vadd.s32 v9, v8;
	v9 =	vld [tilespmem:s21+$0x10]  }
0x153: {  	v8 =	vadd.s32 v10, v8;
	v10 =	vld [tilespmem:s21+$0x20]  }
0x154: {  	v8 =	vadd.s32 v11, v8;
	v14 =	vld [tilespmem:s21+$0x30];
	v11, _, _ =	vpop (xrf0)  }
0x155: {  	v8 =	vadd.s32 v13, v8;
	v15 =	vld [tilespmem:s21+$0x40];
	v13 =	vmov s19;
	v11 =	vbroadcast v11, $0xF;
	s19 =	smov.u32 s20;
	s20 =	smov.u32 s22  }
.Ltmp8:
0x156: {  	v12 =	vadd.s32 v12, v8;
	v8 =	vld [tilespmem:s21+$0x50];
	vm1 =	veq.s32 v13, v1;
	(pc) =	sbr.rel @p1 .LBB2_16-.Ltmp8, $4  }
0x157: {  	v12 =	vadd.s32 v9, v12;
	v9 =	vld [tilespmem:s21+$0x60];
	v11 =	vnsel vm1, $0x0, v11  }
0x158: {  	v12 =	vadd.s32 v10, v12;
	v10 =	vld [tilespmem:s21+$0x70];
	s21 =	sadd.s32 $0x100, s21;
	v7 =	vadd.s32 v7, v11  }
0x159: {  	v11 =	vld [tilespmem:s21+$0xFFFFFF80];
	v12 =	vadd.s32 v14, v12  }
0x15a: {  	s22 =	sadd.s32 $0x1, s22;
	v13 =	vld [tilespmem:s21+$0xFFFFFF90];
	v12 =	vadd.s32 v15, v12  }
0x15b: {  	v14 =	vld [tilespmem:s21+$0xFFFFFFA0]  }
0x15c: {  	v15 =	vld [tilespmem:s21+$0xFFFFFFB0]  }
0x15d: {  	v16 =	vld [tilespmem:s21+$0xFFFFFFC0]  }
0x15e: {  	v17 =	vld [tilespmem:s21+$0xFFFFFFD0]  }
0x15f: {  	v54 =	vld [tilespmem:s21+$0xFFFFFFE0];
	v11 =	vadd.s32 v11, v13  }
0x160: {  	v55 =	vld [tilespmem:s21+$0xFFFFFFF0];
	v11 =	vadd.s32 v14, v11  }
0x161: {  	v56 =	vld [tilespmem:s21+$0x0];
	v11 =	vadd.s32 v15, v11  }
0x162: {  	v57 =	vld [tilespmem:s21+$0x10];
	v11 =	vadd.s32 v16, v11  }
0x163: {  	v58 =	vld [tilespmem:s21+$0x20];
	v11 =	vadd.s32 v17, v11  }
0x164: {  	v59 =	vld [tilespmem:s21+$0x30];
	v11 =	vadd.s32 v54, v11  }
0x165: {  	v60 =	vld [tilespmem:s21+$0x40];
	v11 =	vadd.s32 v55, v11  }
0x166: {  	v61 =	vld [tilespmem:s21+$0x50];
	v11 =	vadd.s32 v56, v11  }
0x167: {  	v62 =	vld [tilespmem:s21+$0x60];
	v11 =	vadd.s32 v57, v11  }
0x168: {  	v63 =	vld [tilespmem:s21+$0x70];
	v11 =	vadd.s32 v58, v11  }
0x169: {  	v11 =	vadd.s32 v59, v11  }
0x16a: {  	v8 =	vadd.s32 v8, v12;
	v11 =	vadd.s32 v60, v11  }
0x16b: {  	v8 =	vadd.s32 v9, v8;
	v9 =	vadd.s32 v61, v11  }
0x16c: {  	v8 =	vadd.s32 v10, v8;
	v9 =	vadd.s32 v62, v9  }
0x16d: {  	(xrf0) =	vadd.scan.msk.s32 $0xffff, v8;
	v8 =	vadd.s32 v63, v9  }
0x16e: {  	v6 =	vnsel vm6, $0x0, v6;
	(xrf0) =	vadd.scan.msk.s32 $0xffff, v8  }
0x16f: {  	(xrf0) =	vadd.scan.msk.s32 $0xffff, v6;
	_ =	sdelay $0x3  }
0x170: {  	v6, _, _ =	vpop (xrf0)  }
0x171: {  	v8, _, _ =	vpop (xrf0)  }
0x172: {  	v9, _, _ =	vpop (xrf0)  }
0x173: {  	(v2sf) =	vpush v9, $0xF  }
0x174: {  	v6 =	vbroadcast v6, $0xF;
	v9 =	vmov s19  }
0x175: {  	v8 =	vbroadcast v8, $0xF;
	vm1 =	veq.s32 v9, v1;
	v9 =	vmov s20  }
0x176: {  	v6 =	vnsel vm1, $0x0, v6;
	vm1 =	veq.s32 v9, v1  }
0x177: {  	v6 =	vadd.s32 v7, v6;
	v7 =	vnsel vm1, $0x0, v8  }
0x178: {  	v7 =	vadd.s32 v6, v7  }
0x179: {  	(xrf0) =	vadd.scan.msk.s32 $0xffff, v7;
	_ =	sdelay $0x5  }
0x17a: {  	v6, _, _ =	vpop (xrf0)  }
0x17b: {  	v8 =	vbroadcast v6, $0xF;
	_ =	sdelay $0x1  }
0x17c: {  	v6 =	vsub.s32 v8, v6;
	s24 =	spop (v2sf)  }
0x17d: {  	v7 =	vadd.s32 v7, v6;
	s17 =	ssub.s32 s17, s24  }
0x17e: {  	vm1 =	vlt.s32 v6, s17;
	vm2 =	vge.s32 v7, s17  }
0x17f: {  	vm6 =	vmand vm1, vm2  }
0x180: {  	v7 =	vnsel vm6, $0x0, v1  }
0x181: {  	(xrf0) =	vadd.scan.msk.s32 $0xffff, v7;
	_ =	sdelay $0x5  }
0x182: {  	v7, _, _ =	vpop (xrf0)  }
0x183: {  	(v2sf) =	vpush v7, $0xF;
	_ =	sdelay $0xe  }
0x184: {  	s19 =	spop (v2sf)  }
0x185: {  	s25 =	sshll.u32 s19, $0xA  }
0x186: {  	s26 =	simm.s32 $0x0;
	s20 =	sshra.s32 s25, $0x2  }
0x187: {  	s22 =	sand.u32 $0x80, s26;
	s20 =	sadd.s32 $0x10000, s20  }
0x188: {  	s23 =	sand.u32 $0x70, s26;
	s22 =	sadd.s32 s22, s20  }
0x189: {  	s22 =	sadd.s32 s23, s22  }
0x18a: {  	v7 =	vld [tilespmem:s22+$0x0];
	_ =	sdelay $0x2  }
0x18b: {  	s28 =	simm.s32 $0x10  }
0x18c: {  	s29 =	sand.u32 $0x80, s28  }
0x18d: {  	s23 =	sadd.s32 s29, s20;
	s22 =	sand.u32 $0x70, s28;
	(xrf0) =	vadd.scan.msk.s32 $0xffff, v7  }
0x18e: {  	s22 =	sadd.s32 s22, s23  }
0x18f: {  	v9 =	vld [tilespmem:s22+$0x0];
	_ =	sdelay $0x1  }
0x190: {  	s30 =	simm.s32 $0x20  }
0x191: {  	s31 =	sand.u32 $0x80, s30  }
0x192: {  	s23 =	sadd.s32 s31, s20;
	s22 =	sand.u32 $0x70, s30;
	v7, _, _ =	vpop (xrf0)  }
0x193: {  	v8 =	vmov s26;
	s24 =	sadd.s32 s22, s23;
	(xrf0) =	vadd.scan.msk.s32 $0xffff, v9;
	v10 =	vbroadcast v7, $0xF  }
0x194: {  	s21 =	simm.s32 $0x1;
	vm1 =	veq.s32 v8, v1;
	v9 =	vld [tilespmem:s24+$0x0]  }
0x195: {  	v8 =	vimm.s32 $0x0;
	s22 =	simm.s32 $0x2;
	s23 =	simm.s32 $0x3;
	s24 =	simm.s32 $0x30;
	v7 =	vmov s17;
	v10 =	vnsel vm1, $0x0, v10  }
.LBB2_18:
0x196: {  	s25 =	sand.u32 $0x80, s24  }
0x197: {  	p1 =	sne.s32 s23, $0xF;
	v8 =	vadd.s32 v8, v10;
	s26 =	smov.u32 s23;
	s23 =	sadd.s32 $0x1, s23  }
.Ltmp9:
0x198: {  	s28 =	sand.u32 $0x70, s24;
	s25 =	sadd.s32 s25, s20;
	(pc) =	sbr.rel @p1 .LBB2_18-.Ltmp9, $4  }
0x199: {  	s25 =	sadd.s32 s28, s25;
	(xrf0) =	vadd.scan.msk.s32 $0xffff, v9;
	v10, _, _ =	vpop (xrf0)  }
0x19a: {  	v11 =	vmov s21;
	s21 =	smov.u32 s22;
	s22 =	smov.u32 s26;
	v9 =	vld [tilespmem:s25+$0x0];
	v10 =	vbroadcast v10, $0xF  }
0x19b: {  	vm1 =	veq.s32 v11, v1  }
0x19c: {  	s24 =	sadd.s32 $0x10, s24;
	v10 =	vnsel vm1, $0x0, v10  }
0x19d: {  	_ =	sdelay $0x1  }
0x19e: {  	(xrf0) =	vadd.scan.msk.s32 $0xffff, v9;
	_ =	sdelay $0x4  }
0x19f: {  	v9, _, _ =	vpop (xrf0)  }
0x1a0: {  	v11 =	vmov s21;
	v9 =	vbroadcast v9, $0xF;
	v12, _, _ =	vpop (xrf0)  }
0x1a1: {  	vm1 =	veq.s32 v11, v1;
	v11 =	vmov s22;
	v12 =	vbroadcast v12, $0xF  }
0x1a2: {  	v8 =	vadd.s32 v8, v10;
	v9 =	vnsel vm1, $0x0, v9;
	vm1 =	veq.s32 v11, v1  }
0x1a3: {  	v8 =	vadd.s32 v8, v9;
	v9 =	vnsel vm1, $0x0, v12  }
0x1a4: {  	s21 =	simm.s32 $0x100;
	s20 =	simm.s32 $0x0;
	v8 =	vadd.s32 v8, v9  }
.LBB2_20:
0x1a5: {  	p1 =	sne.s32 s21, $0x3F00;
	[tilespmem:s20+$0x10030] =	vst v0;
	s22 =	smov.u32 s21;
	s21 =	sadd.s32 $0x100, s21  }
.Ltmp10:
0x1a6: {  	[tilespmem:s20+$0x10020] =	vst v0;
	(pc) =	sbr.rel @p1 .LBB2_20-.Ltmp10, $3  }
0x1a7: {  	[tilespmem:s20+$0x10000] =	vst v0  }
0x1a8: {  	[tilespmem:s20+$0x10010] =	vst v0;
	_ =	sdelay $0x1  }
0x1a9: {  	s20 =	sshra.s32 s22, $0x2  }
0x1aa: {  	v6 =	vnsel vm6, $0x0, v6  }
0x1ab: {  	(xrf0) =	vadd.scan.msk.s32 $0xffff, v6  }
0x1ac: {  	(xrf0) =	vadd.scan.msk.s32 $0xffff, v8;
	_ =	sdelay $0x4  }
0x1ad: {  	v6, _, _ =	vpop (xrf0)  }
0x1ae: {  	(v2sf) =	vpush v6, $0xF;
	v6, _, _ =	vpop (xrf0)  }
0x1af: {  	(v2sf) =	vpush v6, $0xF;
	_ =	sdelay $0xd  }
0x1b0: {  	s21 =	spop (v2sf)  }
0x1b1: {  	s22 =	spop (v2sf)  }
0x1b2: {  	s21 =	sadd.s32 s21, s22  }
0x1b3: {  	v6 =	vsub.s32 s21, v6  }
0x1b4: {  	v8 =	vadd.s32 v8, v6  }
0x1b5: {  	vm1 =	vlt.s32 v6, v7;
	vm2 =	vge.s32 v8, v7  }
0x1b6: {  	vm6 =	vmand vm1, vm2  }
0x1b7: {  	v7 =	vnsel vm6, $0x0, v1  }
0x1b8: {  	(xrf0) =	vadd.scan.msk.s32 $0xffff, v7;
	_ =	sdelay $0x5  }
0x1b9: {  	v7, _, _ =	vpop (xrf0)  }
0x1ba: {  	(v2sf) =	vpush v7, $0xF;
	_ =	sdelay $0x3  }
0x1bb: {  	[tilespmem:s20+$0x10030] =	vst v0  }
0x1bc: {  	[tilespmem:s20+$0x10020] =	vst v0  }
0x1bd: {  	[tilespmem:s20+$0x10000] =	vst v0  }
0x1be: {  	[tilespmem:s20+$0x10010] =	vst v0;
	s30 =	simm.s32 $0x0  }
0x1bf: {  	v9 =	vld [tilespmem:s30+$0xC000]  }
0x1c0: {  	v11 =	vld [tilespmem:s30+$0xC030]  }
0x1c1: {  	v13 =	vld [tilespmem:s30+$0xC040]  }
0x1c2: {  	v8 =	vld [tilespmem:s30+$0xC010]  }
0x1c3: {  	v57 =	vld [tilespmem:s30+$0xC050];
	_ =	sdelay $0x2  }
0x1c4: {  	s19 =	sshll.u32 s19, $0x4;
	v10 =	vld [tilespmem:s30+$0xC020];
	v14 =	vshrl.u32 v9, $0x4;
	v9 =	vshrl.u32 v9, $0x10;
	v16 =	vshrl.u32 v11, $0x4;
	s31 =	spop (v2sf)  }
0x1c5: {  	s18 =	sshll.u32 s18, $0x8;
	v11 =	vshrl.u32 v11, $0x10;
	v58 =	vshrl.u32 v13, $0x4;
	v12 =	vshrl.u32 v8, $0x4;
	s19 =	sadd.s32 s19, s31  }
0x1c6: {  	v15 =	vld [tilespmem:s30+$0xC060];
	v13 =	vshrl.u32 v13, $0x10;
	v60 =	vshrl.u32 v57, $0x4;
	v12 =	vand.u32 $0xFF0, v12;
	s18 =	sor.u32 s18, s19  }
0x1c7: {  	v8 =	vshrl.u32 v8, $0x10;
	v12 =	vor.u32 v1, v12;
	v7 =	vmov s18  }
0x1c8: {  	vm8 =	veq.s32 v8, v7;
	vm1 =	veq.s32 v9, v7;
	v9 =	vand.u32 $0xFF0, v14  }
0x1c9: {  	v8 =	vshrl.u32 v10, $0x4;
	v10 =	vshrl.u32 v10, $0x10;
	v9 =	vor.u32 v1, v9  }
0x1ca: {  	vm3 =	veq.s32 v11, v7;
	v11 =	vld [tilespmem:s30+$0xC070];
	v8 =	vand.u32 $0xFF0, v8;
	vm2 =	veq.s32 v10, v7  }
0x1cb: {  	v61 =	vshrl.u32 v15, $0x10;
	v10 =	vand.u32 $0xFF0, v16;
	v59 =	vor.u32 v1, v8  }
0x1cc: {  	vm7 =	veq.s32 v13, v7;
	v8 =	vand.u32 $0xFF0, v58;
	v17 =	vor.u32 v1, v10  }
0x1cd: {  	v14 =	vshrl.u32 v57, $0x10;
	vm10 =	veq.s32 v61, v7;
	v8 =	vor.u32 v1, v8  }
0x1ce: {  	v16 =	vand.u32 $0xFF0, v60;
	vm9 =	veq.s32 v14, v7;
	v10 =	vshrl.u32 v15, $0x4;
	[tilespmem:v9+s13+$0x0] =	vst.idx.add.s32.msk vm1, v2  }
0x1cf: {  	v10 =	vand.u32 $0xFF0, v10;
	v62 =	vshrl.u32 v11, $0x4;
	v9 =	vor.u32 v1, v16;
	[tilespmem:v12+s13+$0x0] =	vst.idx.add.s32.msk vm8, v2  }
0x1d0: {  	v10 =	vor.u32 v1, v10;
	v11 =	vshrl.u32 v11, $0x10;
	v63 =	vand.u32 $0xFF0, v62;
	[tilespmem:v59+s13+$0x0] =	vst.idx.add.s32.msk vm2, v2  }
0x1d1: {  	s20 =	simm.s32 $0x200;
	s19 =	simm.s32 $0x0;
	vm8 =	veq.s32 v11, v7;
	v11 =	vor.u32 v1, v63;
	[tilespmem:v17+s13+$0x0] =	vst.idx.add.s32.msk vm3, v2  }
.LBB2_22:
0x1d2: {  	p1 =	sne.s32 s20, $0xFE00;
	[tilespmem:v8+s13+$0x0] =	vst.idx.add.s32.msk vm7, v2;
	s21 =	smov.u32 s20;
	s20 =	sadd.s32 $0x200, s20  }
0x1d3: {  	_ = 	snop  }
0x1d4: {  	[tilespmem:v9+s13+$0x0] =	vst.idx.add.s32.msk vm9, v2  }
0x1d5: {  	[tilespmem:v10+s13+$0x0] =	vst.idx.add.s32.msk vm10, v2;
	_ =	sdelay $0x1  }
0x1d6: {  	s21 =	sshra.s32 s21, $0x2;
	[tilespmem:v11+s13+$0x0] =	vst.idx.add.s32.msk vm8, v2  }
0x1d7: {  	v8 =	vld [tilespmem:s21+$0xC010]  }
0x1d8: {  	v9 =	vld [tilespmem:s21+$0xC000]  }
0x1d9: {  	v10 =	vld [tilespmem:s21+$0xC020];
	_ =	sdelay $0x1  }
0x1da: {  	v11 =	vld [tilespmem:s21+$0xC030]  }
0x1db: {  	v12 =	vshrl.u32 v8, $0x4;
	v8 =	vshrl.u32 v8, $0x10  }
0x1dc: {  	v13 =	vld [tilespmem:s21+$0xC040];
	v14 =	vshrl.u32 v9, $0x4;
	v9 =	vshrl.u32 v9, $0x10;
	vm8 =	veq.s32 v8, v7  }
0x1dd: {  	v8 =	vshrl.u32 v10, $0x4;
	vm1 =	veq.s32 v9, v7;
	v9 =	vand.u32 $0xFF0, v14  }
0x1de: {  	v12 =	vand.u32 $0xFF0, v12;
	v10 =	vshrl.u32 v10, $0x10;
	v14 =	vld [tilespmem:s21+$0xC050];
	v9 =	vor.u32 v1, v9  }
0x1df: {  	v8 =	vand.u32 $0xFF0, v8;
	v15 =	vld [tilespmem:s21+$0xC060];
	v16 =	vshrl.u32 v11, $0x4;
	v11 =	vshrl.u32 v11, $0x10  }
0x1e0: {  	vm2 =	veq.s32 v10, v7;
	vm11 =	veq.s32 v11, v7;
	v10 =	vand.u32 $0xFF0, v16  }
0x1e1: {  	v12 =	vor.u32 v1, v12;
	v11 =	vld [tilespmem:s21+$0xC070];
	v16 =	vshrl.u32 v13, $0x4;
	v13 =	vshrl.u32 v13, $0x10  }
0x1e2: {  	vm7 =	veq.s32 v13, v7;
	v13 =	vor.u32 v1, v8;
	v8 =	vand.u32 $0xFF0, v16  }
0x1e3: {  	v17 =	vor.u32 v1, v10;
	v16 =	vshrl.u32 v14, $0x4;
	[tilespmem:v9+s13+$0x0] =	vst.idx.add.s32.msk vm1, v2;
	v8 =	vor.u32 v1, v8  }
.Ltmp11:
0x1e4: {  	v9 =	vshrl.u32 v14, $0x10;
	v10 =	vshrl.u32 v15, $0x4;
	v14 =	vand.u32 $0xFF0, v16;
	(pc) =	sbr.rel @p1 .LBB2_22-.Ltmp11, $4  }
0x1e5: {  	vm9 =	veq.s32 v9, v7;
	v15 =	vshrl.u32 v15, $0x10;
	v9 =	vor.u32 v1, v14  }
0x1e6: {  	vm10 =	veq.s32 v15, v7;
	v10 =	vand.u32 $0xFF0, v10;
	v14 =	vshrl.u32 v11, $0x4;
	[tilespmem:v12+s13+$0x0] =	vst.idx.add.s32.msk vm8, v2  }
0x1e7: {  	v11 =	vshrl.u32 v11, $0x10;
	v10 =	vor.u32 v1, v10;
	[tilespmem:v13+s13+$0x0] =	vst.idx.add.s32.msk vm2, v2;
	v12 =	vand.u32 $0xFF0, v14  }
0x1e8: {  	vm8 =	veq.s32 v11, v7;
	[tilespmem:v17+s13+$0x0] =	vst.idx.add.s32.msk vm11, v2;
	v11 =	vor.u32 v1, v12  }
0x1e9: {  	_ =	sdelay $0x4  }
0x1ea: {  	[tilespmem:v8+s13+$0x0] =	vst.idx.add.s32.msk vm7, v2  }
0x1eb: {  	[tilespmem:v9+s13+$0x0] =	vst.idx.add.s32.msk vm9, v2  }
0x1ec: {  	[tilespmem:v10+s13+$0x0] =	vst.idx.add.s32.msk vm10, v2  }
0x1ed: {  	s20 =	simm.s32 $0x10080;
	[tilespmem:v11+s13+$0x0] =	vst.idx.add.s32.msk vm8, v2  }
0x1ee: {  	v7 =	vld [tilespmem:s20+$0xFFFFFF80]  }
0x1ef: {  	v8 =	vld [tilespmem:s20+$0xFFFFFF90]  }
0x1f0: {  	v9 =	vld [tilespmem:s20+$0xFFFFFFA0]  }
0x1f1: {  	v10 =	vld [tilespmem:s20+$0xFFFFFFB0]  }
0x1f2: {  	v11 =	vld [tilespmem:s20+$0xFFFFFFC0]  }
0x1f3: {  	v12 =	vld [tilespmem:s20+$0xFFFFFFD0]  }
0x1f4: {  	v7 =	vadd.s32 v7, v8;
	v8 =	vld [tilespmem:s20+$0xFFFFFFE0]  }
0x1f5: {  	v7 =	vadd.s32 v9, v7;
	v9 =	vld [tilespmem:s20+$0xFFFFFFF0]  }
0x1f6: {  	v7 =	vadd.s32 v10, v7;
	v10 =	vld [tilespmem:s20+$0x0]  }
0x1f7: {  	v7 =	vadd.s32 v11, v7;
	v11 =	vld [tilespmem:s20+$0x10]  }
0x1f8: {  	v7 =	vadd.s32 v12, v7;
	v12 =	vld [tilespmem:s20+$0x20]  }
0x1f9: {  	v13 =	vld [tilespmem:s20+$0x30];
	v7 =	vadd.s32 v8, v7  }
0x1fa: {  	v14 =	vld [tilespmem:s20+$0x40];
	v7 =	vadd.s32 v9, v7  }
0x1fb: {  	v8 =	vld [tilespmem:s20+$0x50];
	v7 =	vadd.s32 v10, v7  }
0x1fc: {  	v9 =	vld [tilespmem:s20+$0x60];
	v7 =	vadd.s32 v11, v7  }
0x1fd: {  	s21 =	simm.s32 $0x10180;
	v10 =	vld [tilespmem:s20+$0x70];
	v7 =	vadd.s32 v12, v7  }
0x1fe: {  	v11 =	vld [tilespmem:s21+$0xFFFFFF80];
	v12 =	vadd.s32 v13, v7  }
0x1ff: {  	s22 =	simm.s32 $0x2;
	s20 =	simm.s32 $0x1;
	v7 =	vimm.s32 $0x0;
	v13 =	vld [tilespmem:s21+$0xFFFFFF90];
	v12 =	vadd.s32 v14, v12  }
.LBB2_24:
0x200: {  	p1 =	sne.s32 s22, $0xF;
	v14 =	vld [tilespmem:s21+$0xFFFFFFA0];
	v8 =	vadd.s32 v8, v12  }
0x201: {  	v12 =	vld [tilespmem:s21+$0xFFFFFFB0];
	v8 =	vadd.s32 v9, v8  }
0x202: {  	v9 =	vld [tilespmem:s21+$0xFFFFFFC0];
	v8 =	vadd.s32 v10, v8  }
0x203: {  	v10 =	vld [tilespmem:s21+$0xFFFFFFD0];
	(xrf0) =	vadd.scan.msk.s32 $0xffff, v8  }
0x204: {  	v8 =	vadd.s32 v11, v13;
	v11 =	vld [tilespmem:s21+$0xFFFFFFE0]  }
0x205: {  	v8 =	vadd.s32 v14, v8;
	v13 =	vld [tilespmem:s21+$0xFFFFFFF0]  }
0x206: {  	v8 =	vadd.s32 v12, v8;
	v12 =	vld [tilespmem:s21+$0x0]  }
0x207: {  	v8 =	vadd.s32 v9, v8;
	v9 =	vld [tilespmem:s21+$0x10]  }
0x208: {  	v8 =	vadd.s32 v10, v8;
	v10 =	vld [tilespmem:s21+$0x20]  }
0x209: {  	v8 =	vadd.s32 v11, v8;
	v14 =	vld [tilespmem:s21+$0x30];
	v11, _, _ =	vpop (xrf0)  }
0x20a: {  	v8 =	vadd.s32 v13, v8;
	v15 =	vld [tilespmem:s21+$0x40];
	v13 =	vmov s19;
	v11 =	vbroadcast v11, $0xF;
	s19 =	smov.u32 s20;
	s20 =	smov.u32 s22  }
.Ltmp12:
0x20b: {  	v12 =	vadd.s32 v12, v8;
	v8 =	vld [tilespmem:s21+$0x50];
	vm1 =	veq.s32 v13, v1;
	(pc) =	sbr.rel @p1 .LBB2_24-.Ltmp12, $4  }
0x20c: {  	v12 =	vadd.s32 v9, v12;
	v9 =	vld [tilespmem:s21+$0x60];
	v11 =	vnsel vm1, $0x0, v11  }
0x20d: {  	v12 =	vadd.s32 v10, v12;
	v10 =	vld [tilespmem:s21+$0x70];
	s21 =	sadd.s32 $0x100, s21;
	v7 =	vadd.s32 v7, v11  }
0x20e: {  	v11 =	vld [tilespmem:s21+$0xFFFFFF80];
	v12 =	vadd.s32 v14, v12  }
0x20f: {  	s22 =	sadd.s32 $0x1, s22;
	v13 =	vld [tilespmem:s21+$0xFFFFFF90];
	v12 =	vadd.s32 v15, v12  }
0x210: {  	v14 =	vld [tilespmem:s21+$0xFFFFFFA0]  }
0x211: {  	v15 =	vld [tilespmem:s21+$0xFFFFFFB0]  }
0x212: {  	v16 =	vld [tilespmem:s21+$0xFFFFFFC0]  }
0x213: {  	v17 =	vld [tilespmem:s21+$0xFFFFFFD0]  }
0x214: {  	v54 =	vld [tilespmem:s21+$0xFFFFFFE0];
	v11 =	vadd.s32 v11, v13  }
0x215: {  	v55 =	vld [tilespmem:s21+$0xFFFFFFF0];
	v11 =	vadd.s32 v14, v11  }
0x216: {  	v56 =	vld [tilespmem:s21+$0x0];
	v11 =	vadd.s32 v15, v11  }
0x217: {  	v57 =	vld [tilespmem:s21+$0x10];
	v11 =	vadd.s32 v16, v11  }
0x218: {  	v58 =	vld [tilespmem:s21+$0x20];
	v11 =	vadd.s32 v17, v11  }
0x219: {  	v59 =	vld [tilespmem:s21+$0x30];
	v11 =	vadd.s32 v54, v11  }
0x21a: {  	v60 =	vld [tilespmem:s21+$0x40];
	v11 =	vadd.s32 v55, v11  }
0x21b: {  	v61 =	vld [tilespmem:s21+$0x50];
	v11 =	vadd.s32 v56, v11  }
0x21c: {  	v62 =	vld [tilespmem:s21+$0x60];
	v11 =	vadd.s32 v57, v11  }
0x21d: {  	v63 =	vld [tilespmem:s21+$0x70];
	v11 =	vadd.s32 v58, v11  }
0x21e: {  	v11 =	vadd.s32 v59, v11  }
0x21f: {  	v8 =	vadd.s32 v8, v12;
	v11 =	vadd.s32 v60, v11  }
0x220: {  	v8 =	vadd.s32 v9, v8;
	v9 =	vadd.s32 v61, v11  }
0x221: {  	v8 =	vadd.s32 v10, v8;
	v9 =	vadd.s32 v62, v9  }
0x222: {  	(xrf0) =	vadd.scan.msk.s32 $0xffff, v8;
	v8 =	vadd.s32 v63, v9  }
0x223: {  	v6 =	vnsel vm6, $0x0, v6;
	(xrf0) =	vadd.scan.msk.s32 $0xffff, v8  }
0x224: {  	(xrf0) =	vadd.scan.msk.s32 $0xffff, v6;
	_ =	sdelay $0x3  }
0x225: {  	v6, _, _ =	vpop (xrf0)  }
0x226: {  	v8, _, _ =	vpop (xrf0)  }
0x227: {  	v9, _, _ =	vpop (xrf0)  }
0x228: {  	(v2sf) =	vpush v9, $0xF  }
0x229: {  	v6 =	vbroadcast v6, $0xF;
	v9 =	vmov s19  }
0x22a: {  	v8 =	vbroadcast v8, $0xF;
	vm1 =	veq.s32 v9, v1;
	v9 =	vmov s20  }
0x22b: {  	v6 =	vnsel vm1, $0x0, v6;
	vm1 =	veq.s32 v9, v1  }
0x22c: {  	v6 =	vadd.s32 v7, v6;
	v7 =	vnsel vm1, $0x0, v8  }
0x22d: {  	v7 =	vadd.s32 v6, v7  }
0x22e: {  	(xrf0) =	vadd.scan.msk.s32 $0xffff, v7;
	_ =	sdelay $0x5  }
0x22f: {  	v6, _, _ =	vpop (xrf0)  }
0x230: {  	v8 =	vbroadcast v6, $0xF;
	_ =	sdelay $0x1  }
0x231: {  	v6 =	vsub.s32 v8, v6;
	s24 =	spop (v2sf)  }
0x232: {  	v7 =	vadd.s32 v7, v6;
	s17 =	ssub.s32 s17, s24  }
0x233: {  	vm1 =	vlt.s32 v6, s17;
	vm2 =	vge.s32 v7, s17  }
0x234: {  	vm6 =	vmand vm1, vm2  }
0x235: {  	v7 =	vnsel vm6, $0x0, v1  }
0x236: {  	(xrf0) =	vadd.scan.msk.s32 $0xffff, v7;
	_ =	sdelay $0x5  }
0x237: {  	v7, _, _ =	vpop (xrf0)  }
0x238: {  	(v2sf) =	vpush v7, $0xF;
	_ =	sdelay $0xe  }
0x239: {  	s19 =	spop (v2sf)  }
0x23a: {  	s25 =	sshll.u32 s19, $0xA  }
0x23b: {  	s26 =	simm.s32 $0x0;
	s20 =	sshra.s32 s25, $0x2  }
0x23c: {  	s22 =	sand.u32 $0x80, s26;
	s20 =	sadd.s32 $0x10000, s20  }
0x23d: {  	s23 =	sand.u32 $0x70, s26;
	s22 =	sadd.s32 s22, s20  }
0x23e: {  	s22 =	sadd.s32 s23, s22  }
0x23f: {  	v7 =	vld [tilespmem:s22+$0x0];
	_ =	sdelay $0x2  }
0x240: {  	s28 =	simm.s32 $0x10  }
0x241: {  	s29 =	sand.u32 $0x80, s28  }
0x242: {  	s23 =	sadd.s32 s29, s20;
	s22 =	sand.u32 $0x70, s28;
	(xrf0) =	vadd.scan.msk.s32 $0xffff, v7  }
0x243: {  	s22 =	sadd.s32 s22, s23  }
0x244: {  	v9 =	vld [tilespmem:s22+$0x0];
	_ =	sdelay $0x1  }
0x245: {  	s30 =	simm.s32 $0x20  }
0x246: {  	s31 =	sand.u32 $0x80, s30  }
0x247: {  	s23 =	sadd.s32 s31, s20;
	s22 =	sand.u32 $0x70, s30;
	v7, _, _ =	vpop (xrf0)  }
0x248: {  	v8 =	vmov s26;
	s24 =	sadd.s32 s22, s23;
	(xrf0) =	vadd.scan.msk.s32 $0xffff, v9;
	v10 =	vbroadcast v7, $0xF  }
0x249: {  	s21 =	simm.s32 $0x1;
	vm1 =	veq.s32 v8, v1;
	v9 =	vld [tilespmem:s24+$0x0]  }
0x24a: {  	v8 =	vimm.s32 $0x0;
	s22 =	simm.s32 $0x2;
	s23 =	simm.s32 $0x3;
	s24 =	simm.s32 $0x30;
	v7 =	vmov s17;
	v10 =	vnsel vm1, $0x0, v10  }
.LBB2_26:
0x24b: {  	s25 =	sand.u32 $0x80, s24  }
0x24c: {  	p1 =	sne.s32 s23, $0xF;
	v8 =	vadd.s32 v8, v10;
	s26 =	smov.u32 s23;
	s23 =	sadd.s32 $0x1, s23  }
.Ltmp13:
0x24d: {  	s28 =	sand.u32 $0x70, s24;
	s25 =	sadd.s32 s25, s20;
	(pc) =	sbr.rel @p1 .LBB2_26-.Ltmp13, $4  }
0x24e: {  	s25 =	sadd.s32 s28, s25;
	(xrf0) =	vadd.scan.msk.s32 $0xffff, v9;
	v10, _, _ =	vpop (xrf0)  }
0x24f: {  	v11 =	vmov s21;
	s21 =	smov.u32 s22;
	s22 =	smov.u32 s26;
	v9 =	vld [tilespmem:s25+$0x0];
	v10 =	vbroadcast v10, $0xF  }
0x250: {  	vm1 =	veq.s32 v11, v1  }
0x251: {  	s24 =	sadd.s32 $0x10, s24;
	v10 =	vnsel vm1, $0x0, v10  }
0x252: {  	_ =	sdelay $0x1  }
0x253: {  	(xrf0) =	vadd.scan.msk.s32 $0xffff, v9;
	_ =	sdelay $0x4  }
0x254: {  	v9, _, _ =	vpop (xrf0)  }
0x255: {  	v11 =	vmov s21;
	v9 =	vbroadcast v9, $0xF;
	v12, _, _ =	vpop (xrf0)  }
0x256: {  	vm1 =	veq.s32 v11, v1;
	v11 =	vmov s22;
	v12 =	vbroadcast v12, $0xF  }
0x257: {  	v8 =	vadd.s32 v8, v10;
	v9 =	vnsel vm1, $0x0, v9;
	vm1 =	veq.s32 v11, v1  }
0x258: {  	v8 =	vadd.s32 v8, v9;
	v9 =	vnsel vm1, $0x0, v12  }
0x259: {  	s21 =	simm.s32 $0x100;
	s20 =	simm.s32 $0x0;
	v8 =	vadd.s32 v8, v9  }
.LBB2_28:
0x25a: {  	p1 =	sne.s32 s21, $0x3F00;
	[tilespmem:s20+$0x10030] =	vst v0;
	s22 =	smov.u32 s21;
	s21 =	sadd.s32 $0x100, s21  }
.Ltmp14:
0x25b: {  	[tilespmem:s20+$0x10020] =	vst v0;
	(pc) =	sbr.rel @p1 .LBB2_28-.Ltmp14, $3  }
0x25c: {  	[tilespmem:s20+$0x10000] =	vst v0  }
0x25d: {  	[tilespmem:s20+$0x10010] =	vst v0;
	_ =	sdelay $0x1  }
0x25e: {  	s20 =	sshra.s32 s22, $0x2  }
0x25f: {  	v6 =	vnsel vm6, $0x0, v6  }
0x260: {  	(xrf0) =	vadd.scan.msk.s32 $0xffff, v6  }
0x261: {  	(xrf0) =	vadd.scan.msk.s32 $0xffff, v8;
	_ =	sdelay $0x4  }
0x262: {  	v6, _, _ =	vpop (xrf0)  }
0x263: {  	(v2sf) =	vpush v6, $0xF;
	v6, _, _ =	vpop (xrf0)  }
0x264: {  	(v2sf) =	vpush v6, $0xF;
	_ =	sdelay $0xd  }
0x265: {  	s21 =	spop (v2sf)  }
0x266: {  	s22 =	spop (v2sf)  }
0x267: {  	s21 =	sadd.s32 s21, s22  }
0x268: {  	v6 =	vsub.s32 s21, v6  }
0x269: {  	v8 =	vadd.s32 v8, v6  }
0x26a: {  	vm1 =	vlt.s32 v6, v7;
	vm2 =	vge.s32 v8, v7  }
0x26b: {  	vm6 =	vmand vm1, vm2  }
0x26c: {  	v7 =	vnsel vm6, $0x0, v1  }
0x26d: {  	(xrf0) =	vadd.scan.msk.s32 $0xffff, v7;
	_ =	sdelay $0x5  }
0x26e: {  	v7, _, _ =	vpop (xrf0)  }
0x26f: {  	(v2sf) =	vpush v7, $0xF;
	_ =	sdelay $0x5  }
0x270: {  	[tilespmem:s20+$0x10030] =	vst v0  }
0x271: {  	[tilespmem:s20+$0x10020] =	vst v0  }
0x272: {  	[tilespmem:s20+$0x10000] =	vst v0  }
0x273: {  	[tilespmem:s20+$0x10010] =	vst v0;
	s30 =	simm.s32 $0x0  }
0x274: {  	v9 =	vld [tilespmem:s30+$0xC010]  }
0x275: {  	v10 =	vld [tilespmem:s30+$0xC020]  }
0x276: {  	v11 =	vld [tilespmem:s30+$0xC030]  }
0x277: {  	v8 =	vld [tilespmem:s30+$0xC000];
	_ =	sdelay $0x1  }
0x278: {  	s19 =	sshll.u32 s19, $0x4;
	s31 =	spop (v2sf)  }
0x279: {  	s18 =	sshll.u32 s18, $0x8;
	v14 =	vshll.u32 v9, $0x4;
	v9 =	vshrl.u32 v9, $0x8;
	v15 =	vshrl.u32 v10, $0x8;
	s19 =	sadd.s32 s19, s31  }
0x27a: {  	v13 =	vld [tilespmem:s30+$0xC040];
	v10 =	vshll.u32 v10, $0x4;
	v59 =	vshll.u32 v11, $0x4;
	v14 =	vor.u32 v1, v14;
	s18 =	sor.u32 s18, s19  }
0x27b: {  	v12 =	vshll.u32 v8, $0x4;
	v8 =	vshrl.u32 v8, $0x8;
	v7 =	vmov s18  }
0x27c: {  	v11 =	vshrl.u32 v11, $0x8;
	v14 =	vand.u32 $0xFFF, v14;
	vm1 =	veq.s32 v8, v7;
	v8 =	vld [tilespmem:s30+$0xC050]  }
0x27d: {  	v12 =	vor.u32 v1, v12;
	vm2 =	veq.s32 v9, v7;
	v9 =	vor.u32 v1, v10;
	v10 =	vld [tilespmem:s30+$0xC060]  }
0x27e: {  	v12 =	vand.u32 $0xFFF, v12;
	vm3 =	veq.s32 v15, v7;
	vm10 =	veq.s32 v11, v7  }
0x27f: {  	v17 =	vld [tilespmem:s30+$0xC070];
	v11 =	vshrl.u32 v13, $0x8;
	v16 =	vand.u32 $0xFFF, v9;
	v9 =	vor.u32 v1, v59  }
0x280: {  	v60 =	vshll.u32 v13, $0x4;
	vm8 =	veq.s32 v11, v7;
	v18 =	vand.u32 $0xFFF, v9  }
0x281: {  	v9 =	vor.u32 v1, v60;
	v61 =	vshrl.u32 v8, $0x8;
	v8 =	vshll.u32 v8, $0x4  }
0x282: {  	v62 =	vshrl.u32 v10, $0x8;
	v10 =	vshll.u32 v10, $0x4;
	vm7 =	veq.s32 v61, v7  }
0x283: {  	v11 =	vor.u32 v1, v8;
	[tilespmem:v12+s13+$0x0] =	vst.idx.add.s32.msk vm1, v2;
	v8 =	vand.u32 $0xFFF, v9;
	v10 =	vor.u32 v1, v10  }
0x284: {  	vm9 =	veq.s32 v62, v7;
	[tilespmem:v14+s13+$0x0] =	vst.idx.add.s32.msk vm2, v2;
	v9 =	vand.u32 $0xFFF, v11;
	v11 =	vshll.u32 v17, $0x4  }
0x285: {  	v63 =	vshrl.u32 v17, $0x8;
	v10 =	vand.u32 $0xFFF, v10;
	[tilespmem:v16+s13+$0x0] =	vst.idx.add.s32.msk vm3, v2;
	v11 =	vor.u32 v1, v11  }
0x286: {  	s20 =	simm.s32 $0x200;
	s19 =	simm.s32 $0x0;
	[tilespmem:v18+s13+$0x0] =	vst.idx.add.s32.msk vm10, v2;
	vm10 =	veq.s32 v63, v7;
	v11 =	vand.u32 $0xFFF, v11  }
.LBB2_30:
0x287: {  	p1 =	sne.s32 s20, $0xFE00;
	s21 =	smov.u32 s20;
	s20 =	sadd.s32 $0x200, s20  }
0x288: {  	[tilespmem:v8+s13+$0x0] =	vst.idx.add.s32.msk vm8, v2  }
0x289: {  	[tilespmem:v9+s13+$0x0] =	vst.idx.add.s32.msk vm7, v2  }
0x28a: {  	[tilespmem:v10+s13+$0x0] =	vst.idx.add.s32.msk vm9, v2;
	_ =	sdelay $0x1  }
0x28b: {  	s21 =	sshra.s32 s21, $0x2;
	[tilespmem:v11+s13+$0x0] =	vst.idx.add.s32.msk vm10, v2  }
0x28c: {  	v8 =	vld [tilespmem:s21+$0xC000]  }
0x28d: {  	v9 =	vld [tilespmem:s21+$0xC010]  }
0x28e: {  	v10 =	vld [tilespmem:s21+$0xC020];
	_ =	sdelay $0x1  }
0x28f: {  	v11 =	vld [tilespmem:s21+$0xC030]  }
0x290: {  	v12 =	vshll.u32 v8, $0x4;
	v8 =	vshrl.u32 v8, $0x8  }
0x291: {  	v13 =	vld [tilespmem:s21+$0xC040];
	v12 =	vor.u32 v1, v12;
	v14 =	vshll.u32 v9, $0x4;
	vm1 =	veq.s32 v8, v7  }
0x292: {  	v9 =	vshrl.u32 v9, $0x8;
	v8 =	vld [tilespmem:s21+$0xC050];
	v15 =	vshrl.u32 v10, $0x8;
	v12 =	vand.u32 $0xFFF, v12  }
0x293: {  	v14 =	vor.u32 v1, v14;
	v10 =	vshll.u32 v10, $0x4;
	vm2 =	veq.s32 v9, v7  }
0x294: {  	v10 =	vor.u32 v1, v10;
	vm3 =	veq.s32 v15, v7;
	v14 =	vand.u32 $0xFFF, v14;
	v9 =	vld [tilespmem:s21+$0xC060]  }
0x295: {  	v15 =	vshll.u32 v11, $0x4;
	v11 =	vshrl.u32 v11, $0x8;
	v10 =	vand.u32 $0xFFF, v10  }
0x296: {  	v15 =	vor.u32 v1, v15;
	vm10 =	veq.s32 v11, v7;
	v16 =	vld [tilespmem:s21+$0xC070];
	v17 =	vshll.u32 v13, $0x4  }
0x297: {  	v11 =	vshrl.u32 v13, $0x8;
	v15 =	vand.u32 $0xFFF, v15;
	v13 =	vshrl.u32 v8, $0x8  }
0x298: {  	v8 =	vshll.u32 v8, $0x4;
	vm8 =	veq.s32 v11, v7;
	vm7 =	veq.s32 v13, v7;
	[tilespmem:v12+s13+$0x0] =	vst.idx.add.s32.msk vm1, v2  }
.Ltmp15:
0x299: {  	v11 =	vor.u32 v1, v17;
	v12 =	vor.u32 v1, v8;
	v13 =	vshrl.u32 v9, $0x8;
	[tilespmem:v14+s13+$0x0] =	vst.idx.add.s32.msk vm2, v2;
	(pc) =	sbr.rel @p1 .LBB2_30-.Ltmp15, $4  }
0x29a: {  	v8 =	vand.u32 $0xFFF, v11;
	v14 =	vshll.u32 v9, $0x4;
	v9 =	vand.u32 $0xFFF, v12;
	[tilespmem:v10+s13+$0x0] =	vst.idx.add.s32.msk vm3, v2  }
0x29b: {  	v10 =	vor.u32 v1, v14;
	vm9 =	veq.s32 v13, v7;
	v11 =	vshll.u32 v16, $0x4  }
0x29c: {  	v12 =	vshrl.u32 v16, $0x8;
	v10 =	vand.u32 $0xFFF, v10;
	v11 =	vor.u32 v1, v11;
	[tilespmem:v15+s13+$0x0] =	vst.idx.add.s32.msk vm10, v2  }
0x29d: {  	vm10 =	veq.s32 v12, v7;
	v11 =	vand.u32 $0xFFF, v11  }
0x29e: {  	_ =	sdelay $0x4  }
0x29f: {  	[tilespmem:v8+s13+$0x0] =	vst.idx.add.s32.msk vm8, v2  }
0x2a0: {  	[tilespmem:v9+s13+$0x0] =	vst.idx.add.s32.msk vm7, v2  }
0x2a1: {  	[tilespmem:v10+s13+$0x0] =	vst.idx.add.s32.msk vm9, v2  }
0x2a2: {  	s20 =	simm.s32 $0x10080;
	[tilespmem:v11+s13+$0x0] =	vst.idx.add.s32.msk vm10, v2  }
0x2a3: {  	v7 =	vld [tilespmem:s20+$0xFFFFFF80]  }
0x2a4: {  	v8 =	vld [tilespmem:s20+$0xFFFFFF90]  }
0x2a5: {  	v9 =	vld [tilespmem:s20+$0xFFFFFFA0]  }
0x2a6: {  	v10 =	vld [tilespmem:s20+$0xFFFFFFB0]  }
0x2a7: {  	v11 =	vld [tilespmem:s20+$0xFFFFFFC0]  }
0x2a8: {  	v12 =	vld [tilespmem:s20+$0xFFFFFFD0]  }
0x2a9: {  	v7 =	vadd.s32 v7, v8;
	v8 =	vld [tilespmem:s20+$0xFFFFFFE0]  }
0x2aa: {  	v7 =	vadd.s32 v9, v7;
	v9 =	vld [tilespmem:s20+$0xFFFFFFF0]  }
0x2ab: {  	v7 =	vadd.s32 v10, v7;
	v10 =	vld [tilespmem:s20+$0x0]  }
0x2ac: {  	v7 =	vadd.s32 v11, v7;
	v11 =	vld [tilespmem:s20+$0x10]  }
0x2ad: {  	v7 =	vadd.s32 v12, v7;
	v12 =	vld [tilespmem:s20+$0x20]  }
0x2ae: {  	v13 =	vld [tilespmem:s20+$0x30];
	v7 =	vadd.s32 v8, v7  }
0x2af: {  	v14 =	vld [tilespmem:s20+$0x40];
	v7 =	vadd.s32 v9, v7  }
0x2b0: {  	v8 =	vld [tilespmem:s20+$0x50];
	v7 =	vadd.s32 v10, v7  }
0x2b1: {  	v9 =	vld [tilespmem:s20+$0x60];
	v7 =	vadd.s32 v11, v7  }
0x2b2: {  	s21 =	simm.s32 $0x10180;
	v10 =	vld [tilespmem:s20+$0x70];
	v7 =	vadd.s32 v12, v7  }
0x2b3: {  	v11 =	vld [tilespmem:s21+$0xFFFFFF80];
	v12 =	vadd.s32 v13, v7  }
0x2b4: {  	s22 =	simm.s32 $0x2;
	s20 =	simm.s32 $0x1;
	v7 =	vimm.s32 $0x0;
	v13 =	vld [tilespmem:s21+$0xFFFFFF90];
	v12 =	vadd.s32 v14, v12  }
.LBB2_32:
0x2b5: {  	p1 =	sne.s32 s22, $0xF;
	v14 =	vld [tilespmem:s21+$0xFFFFFFA0];
	v8 =	vadd.s32 v8, v12  }
0x2b6: {  	v12 =	vld [tilespmem:s21+$0xFFFFFFB0];
	v8 =	vadd.s32 v9, v8  }
0x2b7: {  	v9 =	vld [tilespmem:s21+$0xFFFFFFC0];
	v8 =	vadd.s32 v10, v8  }
0x2b8: {  	v10 =	vld [tilespmem:s21+$0xFFFFFFD0];
	(xrf0) =	vadd.scan.msk.s32 $0xffff, v8  }
0x2b9: {  	v8 =	vadd.s32 v11, v13;
	v11 =	vld [tilespmem:s21+$0xFFFFFFE0]  }
0x2ba: {  	v8 =	vadd.s32 v14, v8;
	v13 =	vld [tilespmem:s21+$0xFFFFFFF0]  }
0x2bb: {  	v8 =	vadd.s32 v12, v8;
	v12 =	vld [tilespmem:s21+$0x0]  }
0x2bc: {  	v8 =	vadd.s32 v9, v8;
	v9 =	vld [tilespmem:s21+$0x10]  }
0x2bd: {  	v8 =	vadd.s32 v10, v8;
	v10 =	vld [tilespmem:s21+$0x20]  }
0x2be: {  	v8 =	vadd.s32 v11, v8;
	v14 =	vld [tilespmem:s21+$0x30];
	v11, _, _ =	vpop (xrf0)  }
0x2bf: {  	v8 =	vadd.s32 v13, v8;
	v15 =	vld [tilespmem:s21+$0x40];
	v13 =	vmov s19;
	v11 =	vbroadcast v11, $0xF;
	s19 =	smov.u32 s20;
	s20 =	smov.u32 s22  }
.Ltmp16:
0x2c0: {  	v12 =	vadd.s32 v12, v8;
	v8 =	vld [tilespmem:s21+$0x50];
	vm1 =	veq.s32 v13, v1;
	(pc) =	sbr.rel @p1 .LBB2_32-.Ltmp16, $4  }
0x2c1: {  	v12 =	vadd.s32 v9, v12;
	v9 =	vld [tilespmem:s21+$0x60];
	v11 =	vnsel vm1, $0x0, v11  }
0x2c2: {  	v12 =	vadd.s32 v10, v12;
	v10 =	vld [tilespmem:s21+$0x70];
	s21 =	sadd.s32 $0x100, s21;
	v7 =	vadd.s32 v7, v11  }
0x2c3: {  	v11 =	vld [tilespmem:s21+$0xFFFFFF80];
	v12 =	vadd.s32 v14, v12  }
0x2c4: {  	s22 =	sadd.s32 $0x1, s22;
	v13 =	vld [tilespmem:s21+$0xFFFFFF90];
	v12 =	vadd.s32 v15, v12  }
0x2c5: {  	v14 =	vld [tilespmem:s21+$0xFFFFFFA0]  }
0x2c6: {  	v15 =	vld [tilespmem:s21+$0xFFFFFFB0]  }
0x2c7: {  	v16 =	vld [tilespmem:s21+$0xFFFFFFC0]  }
0x2c8: {  	v17 =	vld [tilespmem:s21+$0xFFFFFFD0]  }
0x2c9: {  	v54 =	vld [tilespmem:s21+$0xFFFFFFE0];
	v11 =	vadd.s32 v11, v13  }
0x2ca: {  	v55 =	vld [tilespmem:s21+$0xFFFFFFF0];
	v11 =	vadd.s32 v14, v11  }
0x2cb: {  	v56 =	vld [tilespmem:s21+$0x0];
	v11 =	vadd.s32 v15, v11  }
0x2cc: {  	v57 =	vld [tilespmem:s21+$0x10];
	v11 =	vadd.s32 v16, v11  }
0x2cd: {  	v58 =	vld [tilespmem:s21+$0x20];
	v11 =	vadd.s32 v17, v11  }
0x2ce: {  	v59 =	vld [tilespmem:s21+$0x30];
	v11 =	vadd.s32 v54, v11  }
0x2cf: {  	v60 =	vld [tilespmem:s21+$0x40];
	v11 =	vadd.s32 v55, v11  }
0x2d0: {  	v61 =	vld [tilespmem:s21+$0x50];
	v11 =	vadd.s32 v56, v11  }
0x2d1: {  	v62 =	vld [tilespmem:s21+$0x60];
	v11 =	vadd.s32 v57, v11  }
0x2d2: {  	v63 =	vld [tilespmem:s21+$0x70];
	v11 =	vadd.s32 v58, v11  }
0x2d3: {  	v11 =	vadd.s32 v59, v11  }
0x2d4: {  	v8 =	vadd.s32 v8, v12;
	v11 =	vadd.s32 v60, v11  }
0x2d5: {  	v8 =	vadd.s32 v9, v8;
	v9 =	vadd.s32 v61, v11  }
0x2d6: {  	v8 =	vadd.s32 v10, v8;
	v9 =	vadd.s32 v62, v9  }
0x2d7: {  	(xrf0) =	vadd.scan.msk.s32 $0xffff, v8;
	v8 =	vadd.s32 v63, v9  }
0x2d8: {  	v6 =	vnsel vm6, $0x0, v6;
	(xrf0) =	vadd.scan.msk.s32 $0xffff, v8  }
0x2d9: {  	(xrf0) =	vadd.scan.msk.s32 $0xffff, v6;
	_ =	sdelay $0x3  }
0x2da: {  	v6, _, _ =	vpop (xrf0)  }
0x2db: {  	v8, _, _ =	vpop (xrf0)  }
0x2dc: {  	v9, _, _ =	vpop (xrf0)  }
0x2dd: {  	(v2sf) =	vpush v9, $0xF  }
0x2de: {  	v6 =	vbroadcast v6, $0xF;
	v9 =	vmov s19  }
0x2df: {  	v8 =	vbroadcast v8, $0xF;
	vm1 =	veq.s32 v9, v1;
	v9 =	vmov s20  }
0x2e0: {  	v6 =	vnsel vm1, $0x0, v6;
	vm1 =	veq.s32 v9, v1  }
0x2e1: {  	v6 =	vadd.s32 v7, v6;
	v7 =	vnsel vm1, $0x0, v8  }
0x2e2: {  	v7 =	vadd.s32 v6, v7  }
0x2e3: {  	(xrf0) =	vadd.scan.msk.s32 $0xffff, v7;
	_ =	sdelay $0x5  }
0x2e4: {  	v6, _, _ =	vpop (xrf0)  }
0x2e5: {  	v8 =	vbroadcast v6, $0xF;
	_ =	sdelay $0x1  }
0x2e6: {  	v6 =	vsub.s32 v8, v6;
	s23 =	spop (v2sf)  }
0x2e7: {  	v7 =	vadd.s32 v7, v6;
	s24 =	ssub.s32 s17, s23  }
0x2e8: {  	vm1 =	vlt.s32 v6, s24;
	vm2 =	vge.s32 v7, s24  }
0x2e9: {  	vm6 =	vmand vm1, vm2  }
0x2ea: {  	v7 =	vnsel vm6, $0x0, v1  }
0x2eb: {  	(xrf0) =	vadd.scan.msk.s32 $0xffff, v7;
	_ =	sdelay $0x5  }
0x2ec: {  	v7, _, _ =	vpop (xrf0)  }
0x2ed: {  	(v2sf) =	vpush v7, $0xF;
	_ =	sdelay $0xe  }
0x2ee: {  	s17 =	spop (v2sf)  }
0x2ef: {  	s25 =	sshll.u32 s17, $0xA  }
0x2f0: {  	s26 =	simm.s32 $0x0;
	s19 =	sshra.s32 s25, $0x2  }
0x2f1: {  	s22 =	sand.u32 $0x80, s26;
	s19 =	sadd.s32 $0x10000, s19  }
0x2f2: {  	s23 =	sand.u32 $0x70, s26;
	s22 =	sadd.s32 s22, s19  }
0x2f3: {  	s22 =	sadd.s32 s23, s22  }
0x2f4: {  	v7 =	vld [tilespmem:s22+$0x0];
	_ =	sdelay $0x2  }
0x2f5: {  	s28 =	simm.s32 $0x10  }
0x2f6: {  	s29 =	sand.u32 $0x80, s28  }
0x2f7: {  	s23 =	sadd.s32 s29, s19;
	s22 =	sand.u32 $0x70, s28;
	(xrf0) =	vadd.scan.msk.s32 $0xffff, v7  }
0x2f8: {  	s22 =	sadd.s32 s22, s23  }
0x2f9: {  	v9 =	vld [tilespmem:s22+$0x0];
	_ =	sdelay $0x1  }
0x2fa: {  	s30 =	simm.s32 $0x20  }
0x2fb: {  	s31 =	sand.u32 $0x80, s30  }
0x2fc: {  	s23 =	sadd.s32 s31, s19;
	s22 =	sand.u32 $0x70, s30;
	v7, _, _ =	vpop (xrf0)  }
0x2fd: {  	v8 =	vmov s26;
	s23 =	sadd.s32 s22, s23;
	(xrf0) =	vadd.scan.msk.s32 $0xffff, v9;
	v10 =	vbroadcast v7, $0xF  }
0x2fe: {  	s21 =	simm.s32 $0x2;
	vm1 =	veq.s32 v8, v1;
	v9 =	vld [tilespmem:s23+$0x0]  }
0x2ff: {  	s20 =	simm.s32 $0x1;
	v8 =	vimm.s32 $0x0;
	s22 =	simm.s32 $0x3;
	s23 =	simm.s32 $0x30;
	v7 =	vmov s24;
	v10 =	vnsel vm1, $0x0, v10  }
.LBB2_34:
0x300: {  	s24 =	sand.u32 $0x80, s23  }
0x301: {  	p1 =	sne.s32 s22, $0xF;
	v8 =	vadd.s32 v8, v10;
	s25 =	smov.u32 s22;
	s22 =	sadd.s32 $0x1, s22  }
.Ltmp17:
0x302: {  	s26 =	sand.u32 $0x70, s23;
	s24 =	sadd.s32 s24, s19;
	(pc) =	sbr.rel @p1 .LBB2_34-.Ltmp17, $4  }
0x303: {  	s24 =	sadd.s32 s26, s24;
	(xrf0) =	vadd.scan.msk.s32 $0xffff, v9;
	v10, _, _ =	vpop (xrf0)  }
0x304: {  	v11 =	vmov s20;
	s20 =	smov.u32 s21;
	s21 =	smov.u32 s25;
	v9 =	vld [tilespmem:s24+$0x0];
	v10 =	vbroadcast v10, $0xF  }
0x305: {  	vm1 =	veq.s32 v11, v1  }
0x306: {  	s23 =	sadd.s32 $0x10, s23;
	v10 =	vnsel vm1, $0x0, v10  }
0x307: {  	_ =	sdelay $0x1  }
0x308: {  	(xrf0) =	vadd.scan.msk.s32 $0xffff, v9;
	_ =	sdelay $0x4  }
0x309: {  	v9, _, _ =	vpop (xrf0)  }
0x30a: {  	v11 =	vmov s20;
	v9 =	vbroadcast v9, $0xF;
	v12, _, _ =	vpop (xrf0)  }
0x30b: {  	vm1 =	veq.s32 v11, v1;
	v11 =	vmov s21;
	v12 =	vbroadcast v12, $0xF  }
0x30c: {  	v8 =	vadd.s32 v8, v10;
	v9 =	vnsel vm1, $0x0, v9;
	vm1 =	veq.s32 v11, v1  }
0x30d: {  	v6 =	vnsel vm6, $0x0, v6;
	v8 =	vadd.s32 v8, v9;
	v9 =	vnsel vm1, $0x0, v12  }
0x30e: {  	(xrf0) =	vadd.scan.msk.s32 $0xffff, v6;
	v8 =	vadd.s32 v8, v9  }
0x30f: {  	(xrf0) =	vadd.scan.msk.s32 $0xffff, v8;
	_ =	sdelay $0x4  }
0x310: {  	v6, _, _ =	vpop (xrf0)  }
0x311: {  	(v2sf) =	vpush v6, $0xF;
	v6, _, _ =	vpop (xrf0)  }
0x312: {  	(v2sf) =	vpush v6, $0xF;
	_ =	sdelay $0xd  }
0x313: {  	s19 =	spop (v2sf)  }
0x314: {  	s29 =	spop (v2sf)  }
0x315: {  	s19 =	sadd.s32 s19, s29  }
0x316: {  	v6 =	vsub.s32 s19, v6  }
0x317: {  	v8 =	vadd.s32 v8, v6  }
0x318: {  	vm1 =	vlt.s32 v6, v7;
	vm2 =	vge.s32 v8, v7  }
0x319: {  	vm1 =	vmand vm1, vm2  }
0x31a: {  	v6 =	vnsel vm1, $0x0, v1  }
0x31b: {  	(xrf0) =	vadd.scan.msk.s32 $0xffff, v6;
	_ =	sdelay $0x5  }
0x31c: {  	v6, _, _ =	vpop (xrf0)  }
0x31d: {  	(v2sf) =	vpush v6, $0xF;
	_ =	sdelay $0x2  }
0x31e: {  	s30 =	simm.s32 $0x0  }
0x31f: {  	v16 =	vld [tilespmem:s30+$0x8030]  }
0x320: {  	v10 =	vld [tilespmem:s30+$0x4010]  }
0x321: {  	v15 =	vld [tilespmem:s30+$0x4000]  }
0x322: {  	v13 =	vld [tilespmem:s30+$0x10]  }
0x323: {  	v17 =	vld [tilespmem:s30+$0x0]  }
0x324: {  	v23 =	vld [tilespmem:s30+$0x8010]  }
0x325: {  	v11 =	vld [tilespmem:s30+$0x8020]  }
0x326: {  	v12 =	vld [tilespmem:s30+$0x20]  }
0x327: {  	v9 =	vld [tilespmem:s30+$0x4020]  }
0x328: {  	v7 =	vld [tilespmem:s30+$0x4030]  }
0x329: {  	v6 =	vld [tilespmem:s30+$0x30]  }
0x32a: {  	s17 =	sshll.u32 s17, $0x4;
	v19 =	vimm.f32 $0.0e+00;
	v21 =	vimm.f32 $0.0e+00;
	v25 =	vld [tilespmem:s30+$0x8000];
	s31 =	spop (v2sf)  }
0x32b: {  	s18 =	sshll.u32 s18, $0x8;
	v22 =	vimm.f32 $0.0e+00;
	v20 =	vmul.f32 v13, v10;
	vm7 =	vgt.f32 v16, $5.000000000e-01;
	s17 =	sadd.s32 s17, s31  }
0x32c: {  	v24 =	vmul.f32 v17, v15;
	vm8 =	vgt.f32 v23, $5.000000000e-01;
	vm6 =	vgt.f32 v11, $5.000000000e-01;
	s17 =	sor.u32 s18, s17  }
0x32d: {  	v18 =	vmul.f32 v12, v9;
	vm9 =	vgt.f32 v9, $5.000000000e-01;
	vm10 =	vgt.f32 v7, $5.000000000e-01;
	s17 =	sxor.u32 $0x80000000, s17  }
0x32e: {  	p1 =	sne.s32 s16, $0x0;
	s16 =	simm.s32 $0x100;
	v14 =	vmul.f32 v6, v7;
	v26 =	vshra.s32 v6, $0x1F;
	v8 =	vmov s17  }
.LBB2_36:
0x32f: {  	p2 =	sne.s32 s16, $0xFF00;
	vm11 =	vgt.f32 v25, $5.000000000e-01;
	vm1 =	vgt.f32 v10, $5.000000000e-01;
	v27 =	vshra.s32 v12, $0x1F  }
0x330: {  	v28 =	vshra.s32 v17, $0x1F;
	vm2 =	vgt.f32 v15, $5.000000000e-01;
	v29 =	vshra.s32 v13, $0x1F  }
0x331: {  	v26 =	vand.u32 $0x7FFFFFFF, v26;
	v29 =	vand.u32 $0x7FFFFFFF, v29;
	v27 =	vand.u32 $0x7FFFFFFF, v27  }
0x332: {  	v28 =	vand.u32 $0x7FFFFFFF, v28;
	v26 =	vxor.u32 v6, v26;
	v27 =	vxor.u32 v12, v27  }
0x333: {  	v28 =	vxor.u32 v17, v28;
	v29 =	vxor.u32 v13, v29;
	vm3 =	vge.s32 v26, v8  }
0x334: {  	vm12 =	vge.s32 v28, v8;
	vm13 =	vge.s32 v29, v8;
	vm14 =	vge.s32 v27, v8  }
0x335: {  	vm10 =	vmor vm10, vm3;
	v27 =	vsel vm3, $0x3F800000, v3;
	v26 =	vsel vm14, $0x3F800000, v3  }
0x336: {  	v28 =	vsel vm12, $0x3F800000, v3;
	v29 =	vsel vm13, $0x3F800000, v3;
	vm3 =	vmor vm9, vm14  }
0x337: {  	vm2 =	vmor vm2, vm12;
	vm1 =	vmor vm1, vm13;
	vm7 =	vmand vm7, vm10  }
0x338: {  	s17 =	sshra.s32 s16, $0x2;
	vm2 =	vmand vm11, vm2;
	vm1 =	vmand vm8, vm1;
	vm3 =	vmand vm6, vm3  }
0x339: {  	v33 =	vsel vm7, $0x3F800000, v3;
	v31 =	vsel vm2, $0x3F800000, v3;
	v32 =	vsel vm3, $0x3F800000, v3;
	v30 =	vld [tilespmem:s17+$0x8030]  }
0x33a: {  	v16 =	vpsel p1, v33, v16;
	v25 =	vpsel p1, v31, v25;
	v31 =	vsel vm1, $0x3F800000, v3;
	v34 =	vld [tilespmem:s17+$0x4030]  }
0x33b: {  	v25 =	vpsel p0, v25, v28;
	v23 =	vpsel p1, v31, v23;
	v28 =	vpsel p1, v32, v11;
	v11 =	vld [tilespmem:s17+$0x8020]  }
0x33c: {  	v27 =	vpsel p0, v16, v27;
	v24 =	vmul.f32 v25, v24;
	v26 =	vpsel p0, v28, v26;
	v31 =	vld [tilespmem:s17+$0x4020]  }
0x33d: {  	v15 =	vmul.f32 v25, v15;
	v17 =	vmul.f32 v25, v17;
	v23 =	vpsel p0, v23, v29;
	v28 =	vld [tilespmem:s17+$0x30]  }
0x33e: {  	v20 =	vmul.f32 v23, v20;
	v19 =	vadd.f32 v24, v19;
	v24 =	vmul.f32 v23, v10;
	v10 =	vld [tilespmem:s17+$0x4010];
	v16 =	vmovc v30  }
0x33f: {  	v21 =	vadd.f32 v15, v21;
	v17 =	vadd.f32 v17, v22;
	v22 =	vmul.f32 v23, v13;
	v29 =	vld [tilespmem:s17+$0x20]  }
0x340: {  	v18 =	vmul.f32 v26, v18;
	v19 =	vadd.f32 v20, v19;
	v20 =	vmul.f32 v26, v9;
	v15 =	vld [tilespmem:s17+$0x4000]  }
0x341: {  	v21 =	vadd.f32 v24, v21;
	v22 =	vadd.f32 v22, v17;
	v30 =	vmul.f32 v26, v12;
	v13 =	vld [tilespmem:s17+$0x10];
	v9 =	vmovc v31  }
0x342: {  	v14 =	vmul.f32 v27, v14;
	v24 =	vmul.f32 v27, v7;
	v18 =	vadd.f32 v18, v19;
	v7 =	vmovc v34;
	v17 =	vld [tilespmem:s17+$0x0]  }
0x343: {  	v20 =	vadd.f32 v20, v21;
	v26 =	vmul.f32 v27, v6;
	v22 =	vadd.f32 v30, v22;
	v6 =	vmovc v28;
	v23 =	vld [tilespmem:s17+$0x8010]  }
.Ltmp18:
0x344: {  	v19 =	vadd.f32 v14, v18;
	v25 =	vld [tilespmem:s17+$0x8000];
	v12 =	vmov v29;
	(pc) =	sbr.rel @p2 .LBB2_36-.Ltmp18, $4  }
0x345: {  	v21 =	vadd.f32 v24, v20;
	v22 =	vadd.f32 v26, v22;
	v14 =	vmul.f32 v6, v7  }
0x346: {  	vm7 =	vgt.f32 v16, $5.000000000e-01;
	v18 =	vmul.f32 v12, v9;
	v20 =	vmul.f32 v13, v10  }
0x347: {  	vm6 =	vgt.f32 v11, $5.000000000e-01;
	vm10 =	vgt.f32 v7, $5.000000000e-01;
	v24 =	vmul.f32 v17, v15  }
0x348: {  	s16 =	sadd.s32 $0x100, s16;
	vm9 =	vgt.f32 v9, $5.000000000e-01;
	v26 =	vshra.s32 v6, $0x1F;
	vm8 =	vgt.f32 v23, $5.000000000e-01  }
0x349: {  	vm1 =	vgt.f32 v10, $5.000000000e-01;
	v27 =	vshra.s32 v12, $0x1F  }
0x34a: {  	v28 =	vshra.s32 v17, $0x1F;
	vm2 =	vgt.f32 v15, $5.000000000e-01;
	v29 =	vshra.s32 v13, $0x1F  }
0x34b: {  	v26 =	vand.u32 $0x7FFFFFFF, v26;
	vm15 =	vgt.f32 v25, $5.000000000e-01;
	v29 =	vand.u32 $0x7FFFFFFF, v29  }
0x34c: {  	v27 =	vand.u32 $0x7FFFFFFF, v27;
	v28 =	vand.u32 $0x7FFFFFFF, v28;
	v26 =	vxor.u32 v6, v26  }
0x34d: {  	v27 =	vxor.u32 v12, v27;
	v28 =	vxor.u32 v17, v28;
	vm3 =	vge.s32 v26, v8  }
0x34e: {  	v29 =	vxor.u32 v13, v29;
	vm10 =	vmor vm10, vm3;
	v26 =	vsel vm3, $0x3F800000, v3  }
0x34f: {  	vm3 =	vge.s32 v27, v8;
	vm13 =	vge.s32 v28, v8;
	vm14 =	vge.s32 v29, v8  }
0x350: {  	v27 =	vsel vm3, $0x3F800000, v3;
	vm3 =	vmor vm9, vm3;
	v28 =	vsel vm13, $0x3F800000, v3  }
0x351: {  	vm2 =	vmor vm2, vm13;
	v29 =	vsel vm14, $0x3F800000, v3;
	vm1 =	vmor vm1, vm14  }
0x352: {  	vm7 =	vmand vm7, vm10;
	vm2 =	vmand vm15, vm2;
	vm3 =	vmand vm6, vm3  }
0x353: {  	vm1 =	vmand vm8, vm1;
	v32 =	vsel vm7, $0x3F800000, v3;
	v30 =	vsel vm2, $0x3F800000, v3  }
0x354: {  	v31 =	vsel vm3, $0x3F800000, v3;
	v33 =	vsel vm1, $0x3F800000, v3;
	v52 =	vpsel p1, v30, v25  }
0x355: {  	v16 =	vpsel p1, v32, v16;
	v11 =	vpsel p1, v31, v11;
	v25 =	vpsel p0, v52, v28  }
0x356: {  	v23 =	vpsel p1, v33, v23;
	v16 =	vpsel p0, v16, v26;
	v24 =	vmul.f32 v25, v24  }
0x357: {  	v11 =	vpsel p0, v11, v27;
	v23 =	vpsel p0, v23, v29;
	v53 =	vmul.f32 v25, v15  }
0x358: {  	v54 =	vmul.f32 v25, v17;
	v20 =	vmul.f32 v23, v20;
	v19 =	vadd.f32 v24, v19  }
0x359: {  	v55 =	vmul.f32 v23, v10;
	v56 =	vmul.f32 v23, v13;
	v15 =	vadd.f32 v53, v21  }
0x35a: {  	v18 =	vmul.f32 v11, v18;
	v17 =	vadd.f32 v54, v22;
	v19 =	vadd.f32 v20, v19  }
0x35b: {  	v14 =	vmul.f32 v16, v14;
	v9 =	vmul.f32 v11, v9;
	v10 =	vadd.f32 v55, v15  }
0x35c: {  	v11 =	vmul.f32 v11, v12;
	v13 =	vadd.f32 v56, v17;
	v57 =	vadd.f32 v18, v19  }
0x35d: {  	v7 =	vmul.f32 v16, v7;
	v9 =	vadd.f32 v9, v10  }
0x35e: {  	v59 =	vmul.f32 v16, v6;
	v58 =	vadd.f32 v11, v13;
	v60 =	vadd.f32 v14, v57  }
0x35f: {  	v7 =	vadd.f32 v7, v9  }
0x360: {  	v6 =	vadd.f32 v59, v58;
	(xrf2) =	vadd.scan.msk.f32 $0xffff, v60  }
0x361: {  	(xrf2) =	vadd.scan.msk.f32 $0xffff, v7  }
0x362: {  	(xrf2) =	vadd.scan.msk.f32 $0xffff, v6;
	_ =	sdelay $0x6  }
0x363: {  	v4 =	vbroadcast v4, $0xF  }
0x364: {  	v5 =	vbroadcast v5, $0xF;
	vm1 =	vcmask $0x704;
	v61, _, _ =	vpop (xrf2)  }
0x365: {  	v4 =	vsel vm1, v4, v8;
	vm1 =	vcmask $0x718;
	v7, _, _ =	vpop (xrf2);
	v6 =	vbroadcast v61, $0xF  }
0x366: {  	v4 =	vsel vm1, v4, v5;
	vm1 =	vcmask $0xB18;
	v62, _, _ =	vpop (xrf2);
	v5 =	vbroadcast v7, $0xF  }
0x367: {  	v4 =	vsel vm1, v4, v6;
	v63 =	vbroadcast v62, $0xF  }
0x368: {  	s15 =	sadd.s32 $0x1, s15;
	v4 =	vsel vm4, v4, v5  }
0x369: {  	p1 =	sne.s32 s15, s7;
	v4 =	vsel vm5, v4, v63  }
.Ltmp19:
0x36a: {  	[tilespmem:$0x11000] =	vst v4;
	(pc) =	sbr.rel @p1 .LBB2_1-.Ltmp19, $4  }
0x36b: {  	[hbm4b:s6+s2] =	stream.linear.scatter [tilespmem:s14], [sflag:$0x1], $0x80, $0x38;
	[tilespmem:$0x11080] =	vst v63  }
0x36c: {  	_ =	swait.ge [sflag:s10], $0x80  }
0x36d: {  	[sflag:s10] =	ssyncset.done $0x0  }
0x36e: {  	[sflag:s10] =	ssyncadd.s32 $0xFFFFFF80  }
0x36f: {  	_ =	sfence.sel $0x180000  }
0x370: {  	[bflag:$0x0] =	sbarrier.arrive $0xFFFF  }
0x371: {  	p0 =	sne.s32 s1, $0x0;
	_ =	strace $0x90000047  }
0x372: {  	s0 =	sadd.s32 @!p0 $0x100000, s0;
	[bflag:$0x2] =	sbarrier.arrive $0xFFFF  }
0x373: {  	[sflag:s0] =	ssyncadd.tile.s32 @!p0 $0x1;
	_ =	shalt  }
.Lfunc_end2:
_tile_overlayer_lowered:
.L_overlay_start_2:
0x374: {  	(tag) =	ssettag $0x2  }
0x375: {  	s0 =	rddreg [dreg:$0x0];
	s2 =	stileid.u32  }
0x376: {  	s1 =	rddreg [dreg:$0x1];
	p0 =	sne.s32 s2, $0x0  }
0x377: {  	s3 =	rddreg [dreg:$0x2];
	[bflag:$0x3] =	sbarrier.arrive $0xFFFF;
	s2 =	simm.s32 @!p0 $0x1C01  }
0x378: {  	[timem:s3], [sflag:s2] =	dma.local @!p0 [hbm:s0], s1  }
0x379: {  	s0 =	simm.s32 @!p0 $0x1  }
0x37a: {  	_ =	swait.ge @!p0 [sflag:s0], s1  }
0x37b: {  	s1 =	ssub.s32 @!p0 $0x0, s1;
	[sflag:s0] =	ssyncset.done @!p0 $0x0  }
0x37c: {  	[sflag:s0] =	ssyncadd.s32 @!p0 s1  }
0x37d: {  	[bflag:$0x3] =	sbarrier.arrive $0xFFFF  }
0x37e: {  	_ =	shalt  }

</sc_bundles>
